<compile_context>
chip_gen: v7x
topology: tpu7x:2x2x1
jax: 0.10.2.dev20260603
libtpu: 0.0.44.dev20260713+nightly
codegen_flags: <defaults>
</compile_context>

<pallas_src>
import jax
import jax.numpy as jnp
from jax import lax
from jax.experimental import pallas as pl
from jax.experimental.pallas import tpu as pltpu
from jax.experimental.pallas import tpu_sc as plsc

_B = 16384
_N_ORD = 9
_NW = 32
_CHUNK = _B // _NW
_NG = _CHUNK // 16
_XROWS = 48
_TTAB = 8008
_OTAB = 396
_BM = 4096
_GRID = _B // _BM


def _sc_gather_body(text_h, ord_h, ttab_h, otab_h, out_h,
                    text_v, ord_v, ttab_v, otab_v, out_v,
                    sem0, sem1, sem2, sem3):
    nc = jax.lax.axis_size("c")
    wid = lax.axis_index("s") * nc + lax.axis_index("c")
    base = wid * _CHUNK

    c0 = pltpu.async_copy(text_h.at[pl.ds(base, _CHUNK)], text_v, sem0)
    c1 = pltpu.async_copy(ord_h.at[pl.ds(base, _CHUNK)], ord_v, sem1)
    c2 = pltpu.async_copy(ttab_h, ttab_v, sem2)
    c3 = pltpu.async_copy(otab_h, otab_v, sem3)
    c0.wait()
    c1.wait()
    c2.wait()
    c3.wait()

    lane = lax.iota(jnp.int32, 16)

    @plsc.parallel_loop(0, _NG, 1, unroll=2)
    def group(g):
        r0 = g * 16
        rvec = lane + r0
        tvec = text_v[pl.ds(r0, 16)]
        tfi = tvec * 8
        for j in range(8):
            out_v[j, pl.ds(r0, 16)] = plsc.load_gather(ttab_v, [tfi + j])
        for i in range(_N_ORD):
            ovec = plsc.load_gather(ord_v, [rvec, jnp.full((16,), i, jnp.int32)])
            ofi = ovec * 4 + (i * 44)
            for j in range(4):
                out_v[8 + 4 * i + j, pl.ds(r0, 16)] = plsc.load_gather(
                    otab_v, [ofi + j])
    pltpu.sync_copy(out_v, out_h.at[:, pl.ds(base, _CHUNK)])


def _sc_gather(text, ord2d, ttabf, otabf):
    mesh = plsc.VectorSubcoreMesh(core_axis_name="c", subcore_axis_name="s")
    fn = pl.kernel(
        _sc_gather_body,
        out_type=jax.ShapeDtypeStruct((_XROWS, _B), jnp.float32),
        mesh=mesh,
        compiler_params=pltpu.CompilerParams(needs_layout_passes=False),
        scratch_types=[
            pltpu.VMEM((_CHUNK,), jnp.int32),
            pltpu.VMEM((_CHUNK, _N_ORD), jnp.int32),
            pltpu.VMEM((_TTAB,), jnp.float32),
            pltpu.VMEM((_OTAB,), jnp.float32),
            pltpu.VMEM((_XROWS, _CHUNK), jnp.float32),
            pltpu.SemaphoreType.DMA,
            pltpu.SemaphoreType.DMA,
            pltpu.SemaphoreType.DMA,
            pltpu.SemaphoreType.DMA,
        ],
    )
    return fn(text, ord2d, ttabf, otabf)


def _mlp_body(x_ref, oh_ref, num_ref, w1_ref, b1_ref, w2_ref, b2_ref,
              w3_ref, b3_ref, o_ref):
    w1 = w1_ref[...]
    xT = x_ref[pl.ds(0, 44), :]
    h1 = lax.dot_general(w1[0:44, :], xT, (((0,), (0,)), ((), ())),
                         preferred_element_type=jnp.float32)
    h1 = h1 + lax.dot_general(w1[44:54, :], oh_ref[...],
                              (((0,), (1,)), ((), ())),
                              preferred_element_type=jnp.float32)
    h1 = h1 + lax.dot_general(w1[54:56, :], num_ref[...],
                              (((0,), (1,)), ((), ())),
                              preferred_element_type=jnp.float32)
    h1 = jnp.maximum(h1 + b1_ref[...][:, None], 0.0)
    h2 = lax.dot_general(w2_ref[...], h1, (((0,), (0,)), ((), ())),
                         preferred_element_type=jnp.float32)
    h2 = jnp.maximum(h2 + b2_ref[...][:, None], 0.0)
    o = lax.dot_general(h2, w3_ref[...], (((0,), (0,)), ((), ())),
                        preferred_element_type=jnp.float32)
    o_ref[...] = o + b3_ref[...][None, :]


def _mlp(x2, onehot, num, W1, b1c, W2, b2c, W3, b3c):
    return pl.pallas_call(
        _mlp_body,
        grid=(_GRID,),
        in_specs=[
            pl.BlockSpec((_XROWS, _BM), lambda i: (0, i)),
            pl.BlockSpec((_BM, 10), lambda i: (i, 0)),
            pl.BlockSpec((_BM, 2), lambda i: (i, 0)),
            pl.BlockSpec((56, 128), lambda i: (0, 0)),
            pl.BlockSpec((128,), lambda i: (0,)),
            pl.BlockSpec((128, 64), lambda i: (0, 0)),
            pl.BlockSpec((64,), lambda i: (0,)),
            pl.BlockSpec((64, 3), lambda i: (0, 0)),
            pl.BlockSpec((3,), lambda i: (0,)),
        ],
        out_specs=pl.BlockSpec((_BM, 3), lambda i: (i, 0)),
        out_shape=jax.ShapeDtypeStruct((_B, 3), jnp.float32),
    )(x2, onehot, num, W1, b1c, W2, b2c, W3, b3c)


def kernel(text, ord, onehot, num, text_table, ord_tables, W1, b1, W2, b2, W3, b3):
    text = text.astype(jnp.int32)
    ord2d = ord.astype(jnp.int32)
    ttabf = text_table.reshape(-1)
    otabf = ord_tables.reshape(-1)

    x2 = _sc_gather(text, ord2d, ttabf, otabf)

    return _mlp(x2, onehot, num, W1, b1, W2, b2, W3, b3)

# --- scband reference (transcript-rebuilt; emitter-appended) ---
"""Pipeline reference for scband-flood-net-27805618274438 (READ-ONLY COPY).

The authoritative reference and input builder live on the scoring server;
editing this copy changes nothing except your own understanding.
"""

import jax, jax.numpy as jnp
import numpy as np

B = 16384
N_ORD = 9
TEXT_VOCAB = 1000
ORD_VOCAB = 10
ONEHOT_DIM = 10
NUM_DIM = 2
CONCAT_DIM = 8 + 4 * N_ORD + ONEHOT_DIM + NUM_DIM  # 56
N_CLASSES = 3


def setup_inputs(seed: int = 0) -> dict:
    key = jax.random.key(seed)
    ks = jax.random.split(key, 12)
    text = jax.random.randint(ks[0], (B,), 0, TEXT_VOCAB)
    ord_ = jax.random.randint(ks[1], (B, N_ORD), 0, ORD_VOCAB)
    onehot = jax.random.uniform(ks[2], (B, ONEHOT_DIM), dtype=jnp.float32)
    num = jax.random.normal(ks[3], (B, NUM_DIM), dtype=jnp.float32)
    # learned params (embeddings sized num_categories+1 as in make_embedding)
    text_table = jax.random.normal(ks[4], (TEXT_VOCAB + 1, 8), dtype=jnp.float32) * 0.05
    ord_tables = jax.random.normal(ks[5], (N_ORD, ORD_VOCAB + 1, 4), dtype=jnp.float32) * 0.05
    W1 = jax.random.normal(ks[6], (CONCAT_DIM, 128), dtype=jnp.float32) * 0.05
    b1 = jnp.zeros((128,), dtype=jnp.float32)
    W2 = jax.random.normal(ks[7], (128, 64), dtype=jnp.float32) * 0.05
    b2 = jnp.zeros((64,), dtype=jnp.float32)
    W3 = jax.random.normal(ks[8], (64, N_CLASSES), dtype=jnp.float32) * 0.05
    b3 = jnp.zeros((N_CLASSES,), dtype=jnp.float32)
    return {"text": text, "ord": ord_, "onehot": onehot, "num": num,
            "text_table": text_table, "ord_tables": ord_tables,
            "W1": W1, "b1": b1, "W2": W2, "b2": b2, "W3": W3, "b3": b3}


def reference(text, ord, onehot, num, text_table, ord_tables, W1, b1, W2, b2, W3, b3):
    parts = [jnp.take(text_table, text, axis=0)]
    for i in range(N_ORD):
        parts.append(jnp.take(ord_tables[i], ord[:, i], axis=0))
    parts.append(onehot)
    parts.append(num)
    x = jnp.concatenate(parts, axis=1)
    h = jax.nn.relu(x @ W1 + b1)
    # Dropout is identity in eval mode
    h = jax.nn.relu(h @ W2 + b2)
    return h @ W3 + b3

if __name__ == "__main__":
    import jax
    _d = setup_inputs()
    print(jax.jit(kernel)(*tuple(_d.values())))

</pallas_src>

<mosaic_0001>
#map = affine_map<(d0, d1) -> (0)>
#map1 = affine_map<(d0, d1) -> (0, 0)>
module attributes {stable_mosaic.version = 14 : i64} {
  func.func @_sc_gather_body(%arg0: i32, %arg1: i32, %arg2: memref<16384xi32, #tpu.memory_space<hbm>>, %arg3: memref<16384x9xi32, #tpu.memory_space<hbm>>, %arg4: memref<8008xf32, #tpu.memory_space<hbm>>, %arg5: memref<396xf32, #tpu.memory_space<hbm>>, %arg6: memref<48x16384xf32, #tpu.memory_space<hbm>>, %arg7: memref<512xi32, #tpu.memory_space<vmem>>, %arg8: memref<512x9xi32, #tpu.memory_space<vmem>>, %arg9: memref<8008xf32, #tpu.memory_space<vmem>>, %arg10: memref<396xf32, #tpu.memory_space<vmem>>, %arg11: memref<48x512xf32, #tpu.memory_space<vmem>>, %arg12: memref<!tpu.dma_semaphore, #tpu.memory_space<semaphore_mem>>, %arg13: memref<!tpu.dma_semaphore, #tpu.memory_space<semaphore_mem>>, %arg14: memref<!tpu.dma_semaphore, #tpu.memory_space<semaphore_mem>>, %arg15: memref<!tpu.dma_semaphore, #tpu.memory_space<semaphore_mem>>) attributes {dimension_semantics = [#tpu.dimension_semantics<core_parallel>, #tpu.dimension_semantics<subcore_parallel>], iteration_bounds = array<i64: 2, 16>, scalar_prefetch = 0 : i64, scratch_operands = 9 : i64, tpu.core_type = #tpu.core_type<sc_vector_subcore>, window_params = [{transform_indices = #map}, {transform_indices = #map1}, {transform_indices = #map}, {transform_indices = #map}, {transform_indices = #map1}]} {
    %mul3A = arith.constant 2 : i32
    %mul3A_0 = arith.muli %arg1, %mul3A : i32
    %add3A = arith.addi %mul3A_0, %arg0 : i32
    %mul3A_1 = arith.constant 512 : i32
    %mul3A_2 = arith.muli %add3A, %mul3A_1 : i32
    %dma_start3A = tpu.memref_slice %arg2[%mul3A_2] : memref<16384xi32, #tpu.memory_space<hbm>> -> memref<512xi32, #tpu.memory_space<hbm>>
    %dma_start3A_3 = tpu.memref_slice %arg2[%mul3A_2] : memref<16384xi32, #tpu.memory_space<hbm>> -> memref<512xi32, #tpu.memory_space<hbm>>
    tpu.enqueue_dma source(%dma_start3A_3 : memref<512xi32, #tpu.memory_space<hbm>>) target(%arg7 : memref<512xi32, #tpu.memory_space<vmem>>) target_semaphore(%arg12 : memref<!tpu.dma_semaphore, #tpu.memory_space<semaphore_mem>>)
    %dma_start3A_4 = arith.constant 0 : i32
    %dma_start3A_5 = tpu.memref_slice %arg3[%mul3A_2, %dma_start3A_4] : memref<16384x9xi32, #tpu.memory_space<hbm>> -> memref<512x9xi32, #tpu.memory_space<hbm>>
    %dma_start3A_6 = arith.constant 0 : i32
    %dma_start3A_7 = tpu.memref_slice %arg3[%mul3A_2, %dma_start3A_6] : memref<16384x9xi32, #tpu.memory_space<hbm>> -> memref<512x9xi32, #tpu.memory_space<hbm>>
    tpu.enqueue_dma source(%dma_start3A_7 : memref<512x9xi32, #tpu.memory_space<hbm>>) target(%arg8 : memref<512x9xi32, #tpu.memory_space<vmem>>) target_semaphore(%arg13 : memref<!tpu.dma_semaphore, #tpu.memory_space<semaphore_mem>>)
    tpu.enqueue_dma source(%arg4 : memref<8008xf32, #tpu.memory_space<hbm>>) target(%arg9 : memref<8008xf32, #tpu.memory_space<vmem>>) target_semaphore(%arg14 : memref<!tpu.dma_semaphore, #tpu.memory_space<semaphore_mem>>)
    tpu.enqueue_dma source(%arg5 : memref<396xf32, #tpu.memory_space<hbm>>) target(%arg10 : memref<396xf32, #tpu.memory_space<vmem>>) target_semaphore(%arg15 : memref<!tpu.dma_semaphore, #tpu.memory_space<semaphore_mem>>)
    %dma_wait3A = tpu.memref_slice %arg2[%mul3A_2] : memref<16384xi32, #tpu.memory_space<hbm>> -> memref<512xi32, #tpu.memory_space<hbm>>
    %dma_wait3A_8 = tpu.memref_slice %arg2[%mul3A_2] : memref<16384xi32, #tpu.memory_space<hbm>> -> memref<512xi32, #tpu.memory_space<hbm>>
    tpu.wait_dma2 semaphore(%arg12 : memref<!tpu.dma_semaphore, #tpu.memory_space<semaphore_mem>>) src(%dma_wait3A_8 : memref<512xi32, #tpu.memory_space<hbm>>) dst(%arg7 : memref<512xi32, #tpu.memory_space<vmem>>)
    %dma_wait3A_9 = arith.constant 0 : i32
    %dma_wait3A_10 = tpu.memref_slice %arg3[%mul3A_2, %dma_wait3A_9] : memref<16384x9xi32, #tpu.memory_space<hbm>> -> memref<512x9xi32, #tpu.memory_space<hbm>>
    %dma_wait3A_11 = arith.constant 0 : i32
    %dma_wait3A_12 = tpu.memref_slice %arg3[%mul3A_2, %dma_wait3A_11] : memref<16384x9xi32, #tpu.memory_space<hbm>> -> memref<512x9xi32, #tpu.memory_space<hbm>>
    tpu.wait_dma2 semaphore(%arg13 : memref<!tpu.dma_semaphore, #tpu.memory_space<semaphore_mem>>) src(%dma_wait3A_12 : memref<512x9xi32, #tpu.memory_space<hbm>>) dst(%arg8 : memref<512x9xi32, #tpu.memory_space<vmem>>)
    tpu.wait_dma2 semaphore(%arg14 : memref<!tpu.dma_semaphore, #tpu.memory_space<semaphore_mem>>) src(%arg4 : memref<8008xf32, #tpu.memory_space<hbm>>) dst(%arg9 : memref<8008xf32, #tpu.memory_space<vmem>>)
    tpu.wait_dma2 semaphore(%arg15 : memref<!tpu.dma_semaphore, #tpu.memory_space<semaphore_mem>>) src(%arg5 : memref<396xf32, #tpu.memory_space<hbm>>) dst(%arg10 : memref<396xf32, #tpu.memory_space<vmem>>)
    %iota3A = tpu.iota {dimensions = array<i32: 0>} : vector<16xi32>
    %parallel_loop3A = arith.constant 0 : i32
    %parallel_loop3A_13 = arith.constant 32 : i32
    %parallel_loop3A_14 = arith.constant 1 : i32
    scf.for %parallel_loop3A_15 = %parallel_loop3A to %parallel_loop3A_13 step %parallel_loop3A_14  : i32 {
      %parallel_loop3A_16 = arith.constant 16 : i32
      %parallel_loop3A_17 = arith.muli %parallel_loop3A_15, %parallel_loop3A_16 : i32
      %parallel_loop3A_18 = vector.broadcast %parallel_loop3A_17 : i32 to vector<16xi32>
      %parallel_loop3A_19 = arith.addi %iota3A, %parallel_loop3A_18 : vector<16xi32>
      %parallel_loop3A_20 = arith.index_cast %parallel_loop3A_17 : i32 to index
      %parallel_loop3A_21 = tpu.vector_load %arg7[%parallel_loop3A_20] {strides = array<i32>} : memref<512xi32, #tpu.memory_space<vmem>>, vector<16xi32>,
      %parallel_loop3A_22 = arith.constant 8 : i32
      %parallel_loop3A_23 = vector.broadcast %parallel_loop3A_22 : i32 to vector<16xi32>
      %parallel_loop3A_24 = arith.muli %parallel_loop3A_21, %parallel_loop3A_23 : vector<16xi32>
      %parallel_loop3A_25 = arith.constant 0 : i32
      %parallel_loop3A_26 = vector.broadcast %parallel_loop3A_25 : i32 to vector<16xi32>
      %parallel_loop3A_27 = arith.addi %parallel_loop3A_24, %parallel_loop3A_26 : vector<16xi32>
      %parallel_loop3A_28 = tpu.vector_load_idx %arg9[%parallel_loop3A_27] : memref<8008xf32, #tpu.memory_space<vmem>>[vector<16xi32>], vector<16xf32>,
      %parallel_loop3A_29 = arith.constant 0 : i32
      %parallel_loop3A_30 = arith.index_cast %parallel_loop3A_29 : i32 to index
      %parallel_loop3A_31 = arith.index_cast %parallel_loop3A_17 : i32 to index
      %parallel_loop3A_32 = tpu.vector_load %arg11[%parallel_loop3A_30, %parallel_loop3A_31] {strides = array<i32>} : memref<48x512xf32, #tpu.memory_space<vmem>>, vector<16xf32>,
      tpu.vector_store %arg11[%parallel_loop3A_30, %parallel_loop3A_31], %parallel_loop3A_28 {strides = array<i32>} : memref<48x512xf32, #tpu.memory_space<vmem>>, vector<16xf32>,
      %parallel_loop3A_33 = arith.constant 1 : i32
      %parallel_loop3A_34 = vector.broadcast %parallel_loop3A_33 : i32 to vector<16xi32>
      %parallel_loop3A_35 = arith.addi %parallel_loop3A_24, %parallel_loop3A_34 : vector<16xi32>
      %parallel_loop3A_36 = tpu.vector_load_idx %arg9[%parallel_loop3A_35] : memref<8008xf32, #tpu.memory_space<vmem>>[vector<16xi32>], vector<16xf32>,
      %parallel_loop3A_37 = arith.constant 1 : i32
      %parallel_loop3A_38 = arith.index_cast %parallel_loop3A_37 : i32 to index
      %parallel_loop3A_39 = arith.index_cast %parallel_loop3A_17 : i32 to index
      %parallel_loop3A_40 = tpu.vector_load %arg11[%parallel_loop3A_38, %parallel_loop3A_39] {strides = array<i32>} : memref<48x512xf32, #tpu.memory_space<vmem>>, vector<16xf32>,
      tpu.vector_store %arg11[%parallel_loop3A_38, %parallel_loop3A_39], %parallel_loop3A_36 {strides = array<i32>} : memref<48x512xf32, #tpu.memory_space<vmem>>, vector<16xf32>,
      %parallel_loop3A_41 = arith.constant 2 : i32
      %parallel_loop3A_42 = vector.broadcast %parallel_loop3A_41 : i32 to vector<16xi32>
      %parallel_loop3A_43 = arith.addi %parallel_loop3A_24, %parallel_loop3A_42 : vector<16xi32>
      %parallel_loop3A_44 = tpu.vector_load_idx %arg9[%parallel_loop3A_43] : memref<8008xf32, #tpu.memory_space<vmem>>[vector<16xi32>], vector<16xf32>,
      %parallel_loop3A_45 = arith.constant 2 : i32
      %parallel_loop3A_46 = arith.index_cast %parallel_loop3A_45 : i32 to index
      %parallel_loop3A_47 = arith.index_cast %parallel_loop3A_17 : i32 to index
      %parallel_loop3A_48 = tpu.vector_load %arg11[%parallel_loop3A_46, %parallel_loop3A_47] {strides = array<i32>} : memref<48x512xf32, #tpu.memory_space<vmem>>, vector<16xf32>,
      tpu.vector_store %arg11[%parallel_loop3A_46, %parallel_loop3A_47], %parallel_loop3A_44 {strides = array<i32>} : memref<48x512xf32, #tpu.memory_space<vmem>>, vector<16xf32>,
      %parallel_loop3A_49 = arith.constant 3 : i32
      %parallel_loop3A_50 = vector.broadcast %parallel_loop3A_49 : i32 to vector<16xi32>
      %parallel_loop3A_51 = arith.addi %parallel_loop3A_24, %parallel_loop3A_50 : vector<16xi32>
      %parallel_loop3A_52 = tpu.vector_load_idx %arg9[%parallel_loop3A_51] : memref<8008xf32, #tpu.memory_space<vmem>>[vector<16xi32>], vector<16xf32>,
      %parallel_loop3A_53 = arith.constant 3 : i32
      %parallel_loop3A_54 = arith.index_cast %parallel_loop3A_53 : i32 to index
      %parallel_loop3A_55 = arith.index_cast %parallel_loop3A_17 : i32 to index
      %parallel_loop3A_56 = tpu.vector_load %arg11[%parallel_loop3A_54, %parallel_loop3A_55] {strides = array<i32>} : memref<48x512xf32, #tpu.memory_space<vmem>>, vector<16xf32>,
      tpu.vector_store %arg11[%parallel_loop3A_54, %parallel_loop3A_55], %parallel_loop3A_52 {strides = array<i32>} : memref<48x512xf32, #tpu.memory_space<vmem>>, vector<16xf32>,
      %parallel_loop3A_57 = arith.constant 4 : i32
      %parallel_loop3A_58 = vector.broadcast %parallel_loop3A_57 : i32 to vector<16xi32>
      %parallel_loop3A_59 = arith.addi %parallel_loop3A_24, %parallel_loop3A_58 : vector<16xi32>
      %parallel_loop3A_60 = tpu.vector_load_idx %arg9[%parallel_loop3A_59] : memref<8008xf32, #tpu.memory_space<vmem>>[vector<16xi32>], vector<16xf32>,
      %parallel_loop3A_61 = arith.constant 4 : i32
      %parallel_loop3A_62 = arith.index_cast %parallel_loop3A_61 : i32 to index
      %parallel_loop3A_63 = arith.index_cast %parallel_loop3A_17 : i32 to index
      %parallel_loop3A_64 = tpu.vector_load %arg11[%parallel_loop3A_62, %parallel_loop3A_63] {strides = array<i32>} : memref<48x512xf32, #tpu.memory_space<vmem>>, vector<16xf32>,
      tpu.vector_store %arg11[%parallel_loop3A_62, %parallel_loop3A_63], %parallel_loop3A_60 {strides = array<i32>} : memref<48x512xf32, #tpu.memory_space<vmem>>, vector<16xf32>,
      %parallel_loop3A_65 = arith.constant 5 : i32
      %parallel_loop3A_66 = vector.broadcast %parallel_loop3A_65 : i32 to vector<16xi32>
      %parallel_loop3A_67 = arith.addi %parallel_loop3A_24, %parallel_loop3A_66 : vector<16xi32>
      %parallel_loop3A_68 = tpu.vector_load_idx %arg9[%parallel_loop3A_67] : memref<8008xf32, #tpu.memory_space<vmem>>[vector<16xi32>], vector<16xf32>,
      %parallel_loop3A_69 = arith.constant 5 : i32
      %parallel_loop3A_70 = arith.index_cast %parallel_loop3A_69 : i32 to index
      %parallel_loop3A_71 = arith.index_cast %parallel_loop3A_17 : i32 to index
      %parallel_loop3A_72 = tpu.vector_load %arg11[%parallel_loop3A_70, %parallel_loop3A_71] {strides = array<i32>} : memref<48x512xf32, #tpu.memory_space<vmem>>, vector<16xf32>,
      tpu.vector_store %arg11[%parallel_loop3A_70, %parallel_loop3A_71], %parallel_loop3A_68 {strides = array<i32>} : memref<48x512xf32, #tpu.memory_space<vmem>>, vector<16xf32>,
      %parallel_loop3A_73 = arith.constant 6 : i32
      %parallel_loop3A_74 = vector.broadcast %parallel_loop3A_73 : i32 to vector<16xi32>
      %parallel_loop3A_75 = arith.addi %parallel_loop3A_24, %parallel_loop3A_74 : vector<16xi32>
      %parallel_loop3A_76 = tpu.vector_load_idx %arg9[%parallel_loop3A_75] : memref<8008xf32, #tpu.memory_space<vmem>>[vector<16xi32>], vector<16xf32>,
      %parallel_loop3A_77 = arith.constant 6 : i32
      %parallel_loop3A_78 = arith.index_cast %parallel_loop3A_77 : i32 to index
      %parallel_loop3A_79 = arith.index_cast %parallel_loop3A_17 : i32 to index
      %parallel_loop3A_80 = tpu.vector_load %arg11[%parallel_loop3A_78, %parallel_loop3A_79] {strides = array<i32>} : memref<48x512xf32, #tpu.memory_space<vmem>>, vector<16xf32>,
      tpu.vector_store %arg11[%parallel_loop3A_78, %parallel_loop3A_79], %parallel_loop3A_76 {strides = array<i32>} : memref<48x512xf32, #tpu.memory_space<vmem>>, vector<16xf32>,
      %parallel_loop3A_81 = arith.constant 7 : i32
      %parallel_loop3A_82 = vector.broadcast %parallel_loop3A_81 : i32 to vector<16xi32>
      %parallel_loop3A_83 = arith.addi %parallel_loop3A_24, %parallel_loop3A_82 : vector<16xi32>
      %parallel_loop3A_84 = tpu.vector_load_idx %arg9[%parallel_loop3A_83] : memref<8008xf32, #tpu.memory_space<vmem>>[vector<16xi32>], vector<16xf32>,
      %parallel_loop3A_85 = arith.constant 7 : i32
      %parallel_loop3A_86 = arith.index_cast %parallel_loop3A_85 : i32 to index
      %parallel_loop3A_87 = arith.index_cast %parallel_loop3A_17 : i32 to index
      %parallel_loop3A_88 = tpu.vector_load %arg11[%parallel_loop3A_86, %parallel_loop3A_87] {strides = array<i32>} : memref<48x512xf32, #tpu.memory_space<vmem>>, vector<16xf32>,
      tpu.vector_store %arg11[%parallel_loop3A_86, %parallel_loop3A_87], %parallel_loop3A_84 {strides = array<i32>} : memref<48x512xf32, #tpu.memory_space<vmem>>, vector<16xf32>,
      %parallel_loop3A_89 = arith.constant 0 : i32
      %parallel_loop3A_90 = vector.broadcast %parallel_loop3A_89 : i32 to vector<16xi32>
      %parallel_loop3A_91 = tpu.vector_load_idx %arg8[%parallel_loop3A_19, %parallel_loop3A_90] : memref<512x9xi32, #tpu.memory_space<vmem>>[vector<16xi32>, vector<16xi32>], vector<16xi32>,
      %parallel_loop3A_92 = arith.constant 4 : i32
      %parallel_loop3A_93 = vector.broadcast %parallel_loop3A_92 : i32 to vector<16xi32>
      %parallel_loop3A_94 = arith.muli %parallel_loop3A_91, %parallel_loop3A_93 : vector<16xi32>
      %parallel_loop3A_95 = arith.constant 0 : i32
      %parallel_loop3A_96 = vector.broadcast %parallel_loop3A_95 : i32 to vector<16xi32>
      %parallel_loop3A_97 = arith.addi %parallel_loop3A_94, %parallel_loop3A_96 : vector<16xi32>
      %parallel_loop3A_98 = arith.constant 0 : i32
      %parallel_loop3A_99 = vector.broadcast %parallel_loop3A_98 : i32 to vector<16xi32>
      %parallel_loop3A_100 = arith.addi %parallel_loop3A_97, %parallel_loop3A_99 : vector<16xi32>
      %parallel_loop3A_101 = tpu.vector_load_idx %arg10[%parallel_loop3A_100] : memref<396xf32, #tpu.memory_space<vmem>>[vector<16xi32>], vector<16xf32>,
      %parallel_loop3A_102 = arith.constant 8 : i32
      %parallel_loop3A_103 = arith.index_cast %parallel_loop3A_102 : i32 to index
      %parallel_loop3A_104 = arith.index_cast %parallel_loop3A_17 : i32 to index
      %parallel_loop3A_105 = tpu.vector_load %arg11[%parallel_loop3A_103, %parallel_loop3A_104] {strides = array<i32>} : memref<48x512xf32, #tpu.memory_space<vmem>>, vector<16xf32>,
      tpu.vector_store %arg11[%parallel_loop3A_103, %parallel_loop3A_104], %parallel_loop3A_101 {strides = array<i32>} : memref<48x512xf32, #tpu.memory_space<vmem>>, vector<16xf32>,
      %parallel_loop3A_106 = arith.constant 1 : i32
      %parallel_loop3A_107 = vector.broadcast %parallel_loop3A_106 : i32 to vector<16xi32>
      %parallel_loop3A_108 = arith.addi %parallel_loop3A_97, %parallel_loop3A_107 : vector<16xi32>
      %parallel_loop3A_109 = tpu.vector_load_idx %arg10[%parallel_loop3A_108] : memref<396xf32, #tpu.memory_space<vmem>>[vector<16xi32>], vector<16xf32>,
      %parallel_loop3A_110 = arith.constant 9 : i32
      %parallel_loop3A_111 = arith.index_cast %parallel_loop3A_110 : i32 to index
      %parallel_loop3A_112 = arith.index_cast %parallel_loop3A_17 : i32 to index
      %parallel_loop3A_113 = tpu.vector_load %arg11[%parallel_loop3A_111, %parallel_loop3A_112] {strides = array<i32>} : memref<48x512xf32, #tpu.memory_space<vmem>>, vector<16xf32>,
      tpu.vector_store %arg11[%parallel_loop3A_111, %parallel_loop3A_112], %parallel_loop3A_109 {strides = array<i32>} : memref<48x512xf32, #tpu.memory_space<vmem>>, vector<16xf32>,
      %parallel_loop3A_114 = arith.constant 2 : i32
      %parallel_loop3A_115 = vector.broadcast %parallel_loop3A_114 : i32 to vector<16xi32>
      %parallel_loop3A_116 = arith.addi %parallel_loop3A_97, %parallel_loop3A_115 : vector<16xi32>
      %parallel_loop3A_117 = tpu.vector_load_idx %arg10[%parallel_loop3A_116] : memref<396xf32, #tpu.memory_space<vmem>>[vector<16xi32>], vector<16xf32>,
      %parallel_loop3A_118 = arith.constant 10 : i32
      %parallel_loop3A_119 = arith.index_cast %parallel_loop3A_118 : i32 to index
      %parallel_loop3A_120 = arith.index_cast %parallel_loop3A_17 : i32 to index
      %parallel_loop3A_121 = tpu.vector_load %arg11[%parallel_loop3A_119, %parallel_loop3A_120] {strides = array<i32>} : memref<48x512xf32, #tpu.memory_space<vmem>>, vector<16xf32>,
      tpu.vector_store %arg11[%parallel_loop3A_119, %parallel_loop3A_120], %parallel_loop3A_117 {strides = array<i32>} : memref<48x512xf32, #tpu.memory_space<vmem>>, vector<16xf32>,
      %parallel_loop3A_122 = arith.constant 3 : i32
      %parallel_loop3A_123 = vector.broadcast %parallel_loop3A_122 : i32 to vector<16xi32>
      %parallel_loop3A_124 = arith.addi %parallel_loop3A_97, %parallel_loop3A_123 : vector<16xi32>
      %parallel_loop3A_125 = tpu.vector_load_idx %arg10[%parallel_loop3A_124] : memref<396xf32, #tpu.memory_space<vmem>>[vector<16xi32>], vector<16xf32>,
      %parallel_loop3A_126 = arith.constant 11 : i32
      %parallel_loop3A_127 = arith.index_cast %parallel_loop3A_126 : i32 to index
      %parallel_loop3A_128 = arith.index_cast %parallel_loop3A_17 : i32 to index
      %parallel_loop3A_129 = tpu.vector_load %arg11[%parallel_loop3A_127, %parallel_loop3A_128] {strides = array<i32>} : memref<48x512xf32, #tpu.memory_space<vmem>>, vector<16xf32>,
      tpu.vector_store %arg11[%parallel_loop3A_127, %parallel_loop3A_128], %parallel_loop3A_125 {strides = array<i32>} : memref<48x512xf32, #tpu.memory_space<vmem>>, vector<16xf32>,
      %parallel_loop3A_130 = arith.constant 1 : i32
      %parallel_loop3A_131 = vector.broadcast %parallel_loop3A_130 : i32 to vector<16xi32>
      %parallel_loop3A_132 = tpu.vector_load_idx %arg8[%parallel_loop3A_19, %parallel_loop3A_131] : memref<512x9xi32, #tpu.memory_space<vmem>>[vector<16xi32>, vector<16xi32>], vector<16xi32>,
      %parallel_loop3A_133 = arith.constant 4 : i32
      %parallel_loop3A_134 = vector.broadcast %parallel_loop3A_133 : i32 to vector<16xi32>
      %parallel_loop3A_135 = arith.muli %parallel_loop3A_132, %parallel_loop3A_134 : vector<16xi32>
      %parallel_loop3A_136 = arith.constant 44 : i32
      %parallel_loop3A_137 = vector.broadcast %parallel_loop3A_136 : i32 to vector<16xi32>
      %parallel_loop3A_138 = arith.addi %parallel_loop3A_135, %parallel_loop3A_137 : vector<16xi32>
      %parallel_loop3A_139 = arith.constant 0 : i32
      %parallel_loop3A_140 = vector.broadcast %parallel_loop3A_139 : i32 to vector<16xi32>
      %parallel_loop3A_141 = arith.addi %parallel_loop3A_138, %parallel_loop3A_140 : vector<16xi32>
      %parallel_loop3A_142 = tpu.vector_load_idx %arg10[%parallel_loop3A_141] : memref<396xf32, #tpu.memory_space<vmem>>[vector<16xi32>], vector<16xf32>,
      %parallel_loop3A_143 = arith.constant 12 : i32
      %parallel_loop3A_144 = arith.index_cast %parallel_loop3A_143 : i32 to index
      %parallel_loop3A_145 = arith.index_cast %parallel_loop3A_17 : i32 to index
      %parallel_loop3A_146 = tpu.vector_load %arg11[%parallel_loop3A_144, %parallel_loop3A_145] {strides = array<i32>} : memref<48x512xf32, #tpu.memory_space<vmem>>, vector<16xf32>,
      tpu.vector_store %arg11[%parallel_loop3A_144, %parallel_loop3A_145], %parallel_loop3A_142 {strides = array<i32>} : memref<48x512xf32, #tpu.memory_space<vmem>>, vector<16xf32>,
      %parallel_loop3A_147 = arith.constant 1 : i32
      %parallel_loop3A_148 = vector.broadcast %parallel_loop3A_147 : i32 to vector<16xi32>
      %parallel_loop3A_149 = arith.addi %parallel_loop3A_138, %parallel_loop3A_148 : vector<16xi32>
      %parallel_loop3A_150 = tpu.vector_load_idx %arg10[%parallel_loop3A_149] : memref<396xf32, #tpu.memory_space<vmem>>[vector<16xi32>], vector<16xf32>,
      %parallel_loop3A_151 = arith.constant 13 : i32
      %parallel_loop3A_152 = arith.index_cast %parallel_loop3A_151 : i32 to index
      %parallel_loop3A_153 = arith.index_cast %parallel_loop3A_17 : i32 to index
      %parallel_loop3A_154 = tpu.vector_load %arg11[%parallel_loop3A_152, %parallel_loop3A_153] {strides = array<i32>} : memref<48x512xf32, #tpu.memory_space<vmem>>, vector<16xf32>,
      tpu.vector_store %arg11[%parallel_loop3A_152, %parallel_loop3A_153], %parallel_loop3A_150 {strides = array<i32>} : memref<48x512xf32, #tpu.memory_space<vmem>>, vector<16xf32>,
      %parallel_loop3A_155 = arith.constant 2 : i32
      %parallel_loop3A_156 = vector.broadcast %parallel_loop3A_155 : i32 to vector<16xi32>
      %parallel_loop3A_157 = arith.addi %parallel_loop3A_138, %parallel_loop3A_156 : vector<16xi32>
      %parallel_loop3A_158 = tpu.vector_load_idx %arg10[%parallel_loop3A_157] : memref<396xf32, #tpu.memory_space<vmem>>[vector<16xi32>], vector<16xf32>,
      %parallel_loop3A_159 = arith.constant 14 : i32
      %parallel_loop3A_160 = arith.index_cast %parallel_loop3A_159 : i32 to index
      %parallel_loop3A_161 = arith.index_cast %parallel_loop3A_17 : i32 to index
      %parallel_loop3A_162 = tpu.vector_load %arg11[%parallel_loop3A_160, %parallel_loop3A_161] {strides = array<i32>} : memref<48x512xf32, #tpu.memory_space<vmem>>, vector<16xf32>,
      tpu.vector_store %arg11[%parallel_loop3A_160, %parallel_loop3A_161], %parallel_loop3A_158 {strides = array<i32>} : memref<48x512xf32, #tpu.memory_space<vmem>>, vector<16xf32>,
      %parallel_loop3A_163 = arith.constant 3 : i32
      %parallel_loop3A_164 = vector.broadcast %parallel_loop3A_163 : i32 to vector<16xi32>
      %parallel_loop3A_165 = arith.addi %parallel_loop3A_138, %parallel_loop3A_164 : vector<16xi32>
      %parallel_loop3A_166 = tpu.vector_load_idx %arg10[%parallel_loop3A_165] : memref<396xf32, #tpu.memory_space<vmem>>[vector<16xi32>], vector<16xf32>,
      %parallel_loop3A_167 = arith.constant 15 : i32
      %parallel_loop3A_168 = arith.index_cast %parallel_loop3A_167 : i32 to index
      %parallel_loop3A_169 = arith.index_cast %parallel_loop3A_17 : i32 to index
      %parallel_loop3A_170 = tpu.vector_load %arg11[%parallel_loop3A_168, %parallel_loop3A_169] {strides = array<i32>} : memref<48x512xf32, #tpu.memory_space<vmem>>, vector<16xf32>,
      tpu.vector_store %arg11[%parallel_loop3A_168, %parallel_loop3A_169], %parallel_loop3A_166 {strides = array<i32>} : memref<48x512xf32, #tpu.memory_space<vmem>>, vector<16xf32>,
      %parallel_loop3A_171 = arith.constant 2 : i32
      %parallel_loop3A_172 = vector.broadcast %parallel_loop3A_171 : i32 to vector<16xi32>
      %parallel_loop3A_173 = tpu.vector_load_idx %arg8[%parallel_loop3A_19, %parallel_loop3A_172] : memref<512x9xi32, #tpu.memory_space<vmem>>[vector<16xi32>, vector<16xi32>], vector<16xi32>,
      %parallel_loop3A_174 = arith.constant 4 : i32
      %parallel_loop3A_175 = vector.broadcast %parallel_loop3A_174 : i32 to vector<16xi32>
      %parallel_loop3A_176 = arith.muli %parallel_loop3A_173, %parallel_loop3A_175 : vector<16xi32>
      %parallel_loop3A_177 = arith.constant 88 : i32
      %parallel_loop3A_178 = vector.broadcast %parallel_loop3A_177 : i32 to vector<16xi32>
      %parallel_loop3A_179 = arith.addi %parallel_loop3A_176, %parallel_loop3A_178 : vector<16xi32>
      %parallel_loop3A_180 = arith.constant 0 : i32
      %parallel_loop3A_181 = vector.broadcast %parallel_loop3A_180 : i32 to vector<16xi32>
      %parallel_loop3A_182 = arith.addi %parallel_loop3A_179, %parallel_loop3A_181 : vector<16xi32>
      %parallel_loop3A_183 = tpu.vector_load_idx %arg10[%parallel_loop3A_182] : memref<396xf32, #tpu.memory_space<vmem>>[vector<16xi32>], vector<16xf32>,
      %parallel_loop3A_184 = arith.constant 16 : i32
      %parallel_loop3A_185 = arith.index_cast %parallel_loop3A_184 : i32 to index
      %parallel_loop3A_186 = arith.index_cast %parallel_loop3A_17 : i32 to index
      %parallel_loop3A_187 = tpu.vector_load %arg11[%parallel_loop3A_185, %parallel_loop3A_186] {strides = array<i32>} : memref<48x512xf32, #tpu.memory_space<vmem>>, vector<16xf32>,
      tpu.vector_store %arg11[%parallel_loop3A_185, %parallel_loop3A_186], %parallel_loop3A_183 {strides = array<i32>} : memref<48x512xf32, #tpu.memory_space<vmem>>, vector<16xf32>,
      %parallel_loop3A_188 = arith.constant 1 : i32
      %parallel_loop3A_189 = vector.broadcast %parallel_loop3A_188 : i32 to vector<16xi32>
      %parallel_loop3A_190 = arith.addi %parallel_loop3A_179, %parallel_loop3A_189 : vector<16xi32>
      %parallel_loop3A_191 = tpu.vector_load_idx %arg10[%parallel_loop3A_190] : memref<396xf32, #tpu.memory_space<vmem>>[vector<16xi32>], vector<16xf32>,
      %parallel_loop3A_192 = arith.constant 17 : i32
      %parallel_loop3A_193 = arith.index_cast %parallel_loop3A_192 : i32 to index
      %parallel_loop3A_194 = arith.index_cast %parallel_loop3A_17 : i32 to index
      %parallel_loop3A_195 = tpu.vector_load %arg11[%parallel_loop3A_193, %parallel_loop3A_194] {strides = array<i32>} : memref<48x512xf32, #tpu.memory_space<vmem>>, vector<16xf32>,
      tpu.vector_store %arg11[%parallel_loop3A_193, %parallel_loop3A_194], %parallel_loop3A_191 {strides = array<i32>} : memref<48x512xf32, #tpu.memory_space<vmem>>, vector<16xf32>,
      %parallel_loop3A_196 = arith.constant 2 : i32
      %parallel_loop3A_197 = vector.broadcast %parallel_loop3A_196 : i32 to vector<16xi32>
      %parallel_loop3A_198 = arith.addi %parallel_loop3A_179, %parallel_loop3A_197 : vector<16xi32>
      %parallel_loop3A_199 = tpu.vector_load_idx %arg10[%parallel_loop3A_198] : memref<396xf32, #tpu.memory_space<vmem>>[vector<16xi32>], vector<16xf32>,
      %parallel_loop3A_200 = arith.constant 18 : i32
      %parallel_loop3A_201 = arith.index_cast %parallel_loop3A_200 : i32 to index
      %parallel_loop3A_202 = arith.index_cast %parallel_loop3A_17 : i32 to index
      %parallel_loop3A_203 = tpu.vector_load %arg11[%parallel_loop3A_201, %parallel_loop3A_202] {strides = array<i32>} : memref<48x512xf32, #tpu.memory_space<vmem>>, vector<16xf32>,
      tpu.vector_store %arg11[%parallel_loop3A_201, %parallel_loop3A_202], %parallel_loop3A_199 {strides = array<i32>} : memref<48x512xf32, #tpu.memory_space<vmem>>, vector<16xf32>,
      %parallel_loop3A_204 = arith.constant 3 : i32
      %parallel_loop3A_205 = vector.broadcast %parallel_loop3A_204 : i32 to vector<16xi32>
      %parallel_loop3A_206 = arith.addi %parallel_loop3A_179, %parallel_loop3A_205 : vector<16xi32>
      %parallel_loop3A_207 = tpu.vector_load_idx %arg10[%parallel_loop3A_206] : memref<396xf32, #tpu.memory_space<vmem>>[vector<16xi32>], vector<16xf32>,
      %parallel_loop3A_208 = arith.constant 19 : i32
      %parallel_loop3A_209 = arith.index_cast %parallel_loop3A_208 : i32 to index
      %parallel_loop3A_210 = arith.index_cast %parallel_loop3A_17 : i32 to index
      %parallel_loop3A_211 = tpu.vector_load %arg11[%parallel_loop3A_209, %parallel_loop3A_210] {strides = array<i32>} : memref<48x512xf32, #tpu.memory_space<vmem>>, vector<16xf32>,
      tpu.vector_store %arg11[%parallel_loop3A_209, %parallel_loop3A_210], %parallel_loop3A_207 {strides = array<i32>} : memref<48x512xf32, #tpu.memory_space<vmem>>, vector<16xf32>,
      %parallel_loop3A_212 = arith.constant 3 : i32
      %parallel_loop3A_213 = vector.broadcast %parallel_loop3A_212 : i32 to vector<16xi32>
      %parallel_loop3A_214 = tpu.vector_load_idx %arg8[%parallel_loop3A_19, %parallel_loop3A_213] : memref<512x9xi32, #tpu.memory_space<vmem>>[vector<16xi32>, vector<16xi32>], vector<16xi32>,
      %parallel_loop3A_215 = arith.constant 4 : i32
      %parallel_loop3A_216 = vector.broadcast %parallel_loop3A_215 : i32 to vector<16xi32>
      %parallel_loop3A_217 = arith.muli %parallel_loop3A_214, %parallel_loop3A_216 : vector<16xi32>
      %parallel_loop3A_218 = arith.constant 132 : i32
      %parallel_loop3A_219 = vector.broadcast %parallel_loop3A_218 : i32 to vector<16xi32>
      %parallel_loop3A_220 = arith.addi %parallel_loop3A_217, %parallel_loop3A_219 : vector<16xi32>
      %parallel_loop3A_221 = arith.constant 0 : i32
      %parallel_loop3A_222 = vector.broadcast %parallel_loop3A_221 : i32 to vector<16xi32>
      %parallel_loop3A_223 = arith.addi %parallel_loop3A_220, %parallel_loop3A_222 : vector<16xi32>
      %parallel_loop3A_224 = tpu.vector_load_idx %arg10[%parallel_loop3A_223] : memref<396xf32, #tpu.memory_space<vmem>>[vector<16xi32>], vector<16xf32>,
      %parallel_loop3A_225 = arith.constant 20 : i32
      %parallel_loop3A_226 = arith.index_cast %parallel_loop3A_225 : i32 to index
      %parallel_loop3A_227 = arith.index_cast %parallel_loop3A_17 : i32 to index
      %parallel_loop3A_228 = tpu.vector_load %arg11[%parallel_loop3A_226, %parallel_loop3A_227] {strides = array<i32>} : memref<48x512xf32, #tpu.memory_space<vmem>>, vector<16xf32>,
      tpu.vector_store %arg11[%parallel_loop3A_226, %parallel_loop3A_227], %parallel_loop3A_224 {strides = array<i32>} : memref<48x512xf32, #tpu.memory_space<vmem>>, vector<16xf32>,
      %parallel_loop3A_229 = arith.constant 1 : i32
      %parallel_loop3A_230 = vector.broadcast %parallel_loop3A_229 : i32 to vector<16xi32>
      %parallel_loop3A_231 = arith.addi %parallel_loop3A_220, %parallel_loop3A_230 : vector<16xi32>
      %parallel_loop3A_232 = tpu.vector_load_idx %arg10[%parallel_loop3A_231] : memref<396xf32, #tpu.memory_space<vmem>>[vector<16xi32>], vector<16xf32>,
      %parallel_loop3A_233 = arith.constant 21 : i32
      %parallel_loop3A_234 = arith.index_cast %parallel_loop3A_233 : i32 to index
      %parallel_loop3A_235 = arith.index_cast %parallel_loop3A_17 : i32 to index
      %parallel_loop3A_236 = tpu.vector_load %arg11[%parallel_loop3A_234, %parallel_loop3A_235] {strides = array<i32>} : memref<48x512xf32, #tpu.memory_space<vmem>>, vector<16xf32>,
      tpu.vector_store %arg11[%parallel_loop3A_234, %parallel_loop3A_235], %parallel_loop3A_232 {strides = array<i32>} : memref<48x512xf32, #tpu.memory_space<vmem>>, vector<16xf32>,
      %parallel_loop3A_237 = arith.constant 2 : i32
      %parallel_loop3A_238 = vector.broadcast %parallel_loop3A_237 : i32 to vector<16xi32>
      %parallel_loop3A_239 = arith.addi %parallel_loop3A_220, %parallel_loop3A_238 : vector<16xi32>
      %parallel_loop3A_240 = tpu.vector_load_idx %arg10[%parallel_loop3A_239] : memref<396xf32, #tpu.memory_space<vmem>>[vector<16xi32>], vector<16xf32>,
      %parallel_loop3A_241 = arith.constant 22 : i32
      %parallel_loop3A_242 = arith.index_cast %parallel_loop3A_241 : i32 to index
      %parallel_loop3A_243 = arith.index_cast %parallel_loop3A_17 : i32 to index
      %parallel_loop3A_244 = tpu.vector_load %arg11[%parallel_loop3A_242, %parallel_loop3A_243] {strides = array<i32>} : memref<48x512xf32, #tpu.memory_space<vmem>>, vector<16xf32>,
      tpu.vector_store %arg11[%parallel_loop3A_242, %parallel_loop3A_243], %parallel_loop3A_240 {strides = array<i32>} : memref<48x512xf32, #tpu.memory_space<vmem>>, vector<16xf32>,
      %parallel_loop3A_245 = arith.constant 3 : i32
      %parallel_loop3A_246 = vector.broadcast %parallel_loop3A_245 : i32 to vector<16xi32>
      %parallel_loop3A_247 = arith.addi %parallel_loop3A_220, %parallel_loop3A_246 : vector<16xi32>
      %parallel_loop3A_248 = tpu.vector_load_idx %arg10[%parallel_loop3A_247] : memref<396xf32, #tpu.memory_space<vmem>>[vector<16xi32>], vector<16xf32>,
      %parallel_loop3A_249 = arith.constant 23 : i32
      %parallel_loop3A_250 = arith.index_cast %parallel_loop3A_249 : i32 to index
      %parallel_loop3A_251 = arith.index_cast %parallel_loop3A_17 : i32 to index
      %parallel_loop3A_252 = tpu.vector_load %arg11[%parallel_loop3A_250, %parallel_loop3A_251] {strides = array<i32>} : memref<48x512xf32, #tpu.memory_space<vmem>>, vector<16xf32>,
      tpu.vector_store %arg11[%parallel_loop3A_250, %parallel_loop3A_251], %parallel_loop3A_248 {strides = array<i32>} : memref<48x512xf32, #tpu.memory_space<vmem>>, vector<16xf32>,
      %parallel_loop3A_253 = arith.constant 4 : i32
      %parallel_loop3A_254 = vector.broadcast %parallel_loop3A_253 : i32 to vector<16xi32>
      %parallel_loop3A_255 = tpu.vector_load_idx %arg8[%parallel_loop3A_19, %parallel_loop3A_254] : memref<512x9xi32, #tpu.memory_space<vmem>>[vector<16xi32>, vector<16xi32>], vector<16xi32>,
      %parallel_loop3A_256 = arith.constant 4 : i32
      %parallel_loop3A_257 = vector.broadcast %parallel_loop3A_256 : i32 to vector<16xi32>
      %parallel_loop3A_258 = arith.muli %parallel_loop3A_255, %parallel_loop3A_257 : vector<16xi32>
      %parallel_loop3A_259 = arith.constant 176 : i32
      %parallel_loop3A_260 = vector.broadcast %parallel_loop3A_259 : i32 to vector<16xi32>
      %parallel_loop3A_261 = arith.addi %parallel_loop3A_258, %parallel_loop3A_260 : vector<16xi32>
      %parallel_loop3A_262 = arith.constant 0 : i32
      %parallel_loop3A_263 = vector.broadcast %parallel_loop3A_262 : i32 to vector<16xi32>
      %parallel_loop3A_264 = arith.addi %parallel_loop3A_261, %parallel_loop3A_263 : vector<16xi32>
      %parallel_loop3A_265 = tpu.vector_load_idx %arg10[%parallel_loop3A_264] : memref<396xf32, #tpu.memory_space<vmem>>[vector<16xi32>], vector<16xf32>,
      %parallel_loop3A_266 = arith.constant 24 : i32
      %parallel_loop3A_267 = arith.index_cast %parallel_loop3A_266 : i32 to index
      %parallel_loop3A_268 = arith.index_cast %parallel_loop3A_17 : i32 to index
      %parallel_loop3A_269 = tpu.vector_load %arg11[%parallel_loop3A_267, %parallel_loop3A_268] {strides = array<i32>} : memref<48x512xf32, #tpu.memory_space<vmem>>, vector<16xf32>,
      tpu.vector_store %arg11[%parallel_loop3A_267, %parallel_loop3A_268], %parallel_loop3A_265 {strides = array<i32>} : memref<48x512xf32, #tpu.memory_space<vmem>>, vector<16xf32>,
      %parallel_loop3A_270 = arith.constant 1 : i32
      %parallel_loop3A_271 = vector.broadcast %parallel_loop3A_270 : i32 to vector<16xi32>
      %parallel_loop3A_272 = arith.addi %parallel_loop3A_261, %parallel_loop3A_271 : vector<16xi32>
      %parallel_loop3A_273 = tpu.vector_load_idx %arg10[%parallel_loop3A_272] : memref<396xf32, #tpu.memory_space<vmem>>[vector<16xi32>], vector<16xf32>,
      %parallel_loop3A_274 = arith.constant 25 : i32
      %parallel_loop3A_275 = arith.index_cast %parallel_loop3A_274 : i32 to index
      %parallel_loop3A_276 = arith.index_cast %parallel_loop3A_17 : i32 to index
      %parallel_loop3A_277 = tpu.vector_load %arg11[%parallel_loop3A_275, %parallel_loop3A_276] {strides = array<i32>} : memref<48x512xf32, #tpu.memory_space<vmem>>, vector<16xf32>,
      tpu.vector_store %arg11[%parallel_loop3A_275, %parallel_loop3A_276], %parallel_loop3A_273 {strides = array<i32>} : memref<48x512xf32, #tpu.memory_space<vmem>>, vector<16xf32>,
      %parallel_loop3A_278 = arith.constant 2 : i32
      %parallel_loop3A_279 = vector.broadcast %parallel_loop3A_278 : i32 to vector<16xi32>
      %parallel_loop3A_280 = arith.addi %parallel_loop3A_261, %parallel_loop3A_279 : vector<16xi32>
      %parallel_loop3A_281 = tpu.vector_load_idx %arg10[%parallel_loop3A_280] : memref<396xf32, #tpu.memory_space<vmem>>[vector<16xi32>], vector<16xf32>,
      %parallel_loop3A_282 = arith.constant 26 : i32
      %parallel_loop3A_283 = arith.index_cast %parallel_loop3A_282 : i32 to index
      %parallel_loop3A_284 = arith.index_cast %parallel_loop3A_17 : i32 to index
      %parallel_loop3A_285 = tpu.vector_load %arg11[%parallel_loop3A_283, %parallel_loop3A_284] {strides = array<i32>} : memref<48x512xf32, #tpu.memory_space<vmem>>, vector<16xf32>,
      tpu.vector_store %arg11[%parallel_loop3A_283, %parallel_loop3A_284], %parallel_loop3A_281 {strides = array<i32>} : memref<48x512xf32, #tpu.memory_space<vmem>>, vector<16xf32>,
      %parallel_loop3A_286 = arith.constant 3 : i32
      %parallel_loop3A_287 = vector.broadcast %parallel_loop3A_286 : i32 to vector<16xi32>
      %parallel_loop3A_288 = arith.addi %parallel_loop3A_261, %parallel_loop3A_287 : vector<16xi32>
      %parallel_loop3A_289 = tpu.vector_load_idx %arg10[%parallel_loop3A_288] : memref<396xf32, #tpu.memory_space<vmem>>[vector<16xi32>], vector<16xf32>,
      %parallel_loop3A_290 = arith.constant 27 : i32
      %parallel_loop3A_291 = arith.index_cast %parallel_loop3A_290 : i32 to index
      %parallel_loop3A_292 = arith.index_cast %parallel_loop3A_17 : i32 to index
      %parallel_loop3A_293 = tpu.vector_load %arg11[%parallel_loop3A_291, %parallel_loop3A_292] {strides = array<i32>} : memref<48x512xf32, #tpu.memory_space<vmem>>, vector<16xf32>,
      tpu.vector_store %arg11[%parallel_loop3A_291, %parallel_loop3A_292], %parallel_loop3A_289 {strides = array<i32>} : memref<48x512xf32, #tpu.memory_space<vmem>>, vector<16xf32>,
      %parallel_loop3A_294 = arith.constant 5 : i32
      %parallel_loop3A_295 = vector.broadcast %parallel_loop3A_294 : i32 to vector<16xi32>
      %parallel_loop3A_296 = tpu.vector_load_idx %arg8[%parallel_loop3A_19, %parallel_loop3A_295] : memref<512x9xi32, #tpu.memory_space<vmem>>[vector<16xi32>, vector<16xi32>], vector<16xi32>,
      %parallel_loop3A_297 = arith.constant 4 : i32
      %parallel_loop3A_298 = vector.broadcast %parallel_loop3A_297 : i32 to vector<16xi32>
      %parallel_loop3A_299 = arith.muli %parallel_loop3A_296, %parallel_loop3A_298 : vector<16xi32>
      %parallel_loop3A_300 = arith.constant 220 : i32
      %parallel_loop3A_301 = vector.broadcast %parallel_loop3A_300 : i32 to vector<16xi32>
      %parallel_loop3A_302 = arith.addi %parallel_loop3A_299, %parallel_loop3A_301 : vector<16xi32>
      %parallel_loop3A_303 = arith.constant 0 : i32
      %parallel_loop3A_304 = vector.broadcast %parallel_loop3A_303 : i32 to vector<16xi32>
      %parallel_loop3A_305 = arith.addi %parallel_loop3A_302, %parallel_loop3A_304 : vector<16xi32>
      %parallel_loop3A_306 = tpu.vector_load_idx %arg10[%parallel_loop3A_305] : memref<396xf32, #tpu.memory_space<vmem>>[vector<16xi32>], vector<16xf32>,
      %parallel_loop3A_307 = arith.constant 28 : i32
      %parallel_loop3A_308 = arith.index_cast %parallel_loop3A_307 : i32 to index
      %parallel_loop3A_309 = arith.index_cast %parallel_loop3A_17 : i32 to index
      %parallel_loop3A_310 = tpu.vector_load %arg11[%parallel_loop3A_308, %parallel_loop3A_309] {strides = array<i32>} : memref<48x512xf32, #tpu.memory_space<vmem>>, vector<16xf32>,
      tpu.vector_store %arg11[%parallel_loop3A_308, %parallel_loop3A_309], %parallel_loop3A_306 {strides = array<i32>} : memref<48x512xf32, #tpu.memory_space<vmem>>, vector<16xf32>,
      %parallel_loop3A_311 = arith.constant 1 : i32
      %parallel_loop3A_312 = vector.broadcast %parallel_loop3A_311 : i32 to vector<16xi32>
      %parallel_loop3A_313 = arith.addi %parallel_loop3A_302, %parallel_loop3A_312 : vector<16xi32>
      %parallel_loop3A_314 = tpu.vector_load_idx %arg10[%parallel_loop3A_313] : memref<396xf32, #tpu.memory_space<vmem>>[vector<16xi32>], vector<16xf32>,
      %parallel_loop3A_315 = arith.constant 29 : i32
      %parallel_loop3A_316 = arith.index_cast %parallel_loop3A_315 : i32 to index
      %parallel_loop3A_317 = arith.index_cast %parallel_loop3A_17 : i32 to index
      %parallel_loop3A_318 = tpu.vector_load %arg11[%parallel_loop3A_316, %parallel_loop3A_317] {strides = array<i32>} : memref<48x512xf32, #tpu.memory_space<vmem>>, vector<16xf32>,
      tpu.vector_store %arg11[%parallel_loop3A_316, %parallel_loop3A_317], %parallel_loop3A_314 {strides = array<i32>} : memref<48x512xf32, #tpu.memory_space<vmem>>, vector<16xf32>,
      %parallel_loop3A_319 = arith.constant 2 : i32
      %parallel_loop3A_320 = vector.broadcast %parallel_loop3A_319 : i32 to vector<16xi32>
      %parallel_loop3A_321 = arith.addi %parallel_loop3A_302, %parallel_loop3A_320 : vector<16xi32>
      %parallel_loop3A_322 = tpu.vector_load_idx %arg10[%parallel_loop3A_321] : memref<396xf32, #tpu.memory_space<vmem>>[vector<16xi32>], vector<16xf32>,
      %parallel_loop3A_323 = arith.constant 30 : i32
      %parallel_loop3A_324 = arith.index_cast %parallel_loop3A_323 : i32 to index
      %parallel_loop3A_325 = arith.index_cast %parallel_loop3A_17 : i32 to index
      %parallel_loop3A_326 = tpu.vector_load %arg11[%parallel_loop3A_324, %parallel_loop3A_325] {strides = array<i32>} : memref<48x512xf32, #tpu.memory_space<vmem>>, vector<16xf32>,
      tpu.vector_store %arg11[%parallel_loop3A_324, %parallel_loop3A_325], %parallel_loop3A_322 {strides = array<i32>} : memref<48x512xf32, #tpu.memory_space<vmem>>, vector<16xf32>,
      %parallel_loop3A_327 = arith.constant 3 : i32
      %parallel_loop3A_328 = vector.broadcast %parallel_loop3A_327 : i32 to vector<16xi32>
      %parallel_loop3A_329 = arith.addi %parallel_loop3A_302, %parallel_loop3A_328 : vector<16xi32>
      %parallel_loop3A_330 = tpu.vector_load_idx %arg10[%parallel_loop3A_329] : memref<396xf32, #tpu.memory_space<vmem>>[vector<16xi32>], vector<16xf32>,
      %parallel_loop3A_331 = arith.constant 31 : i32
      %parallel_loop3A_332 = arith.index_cast %parallel_loop3A_331 : i32 to index
      %parallel_loop3A_333 = arith.index_cast %parallel_loop3A_17 : i32 to index
      %parallel_loop3A_334 = tpu.vector_load %arg11[%parallel_loop3A_332, %parallel_loop3A_333] {strides = array<i32>} : memref<48x512xf32, #tpu.memory_space<vmem>>, vector<16xf32>,
      tpu.vector_store %arg11[%parallel_loop3A_332, %parallel_loop3A_333], %parallel_loop3A_330 {strides = array<i32>} : memref<48x512xf32, #tpu.memory_space<vmem>>, vector<16xf32>,
      %parallel_loop3A_335 = arith.constant 6 : i32
      %parallel_loop3A_336 = vector.broadcast %parallel_loop3A_335 : i32 to vector<16xi32>
      %parallel_loop3A_337 = tpu.vector_load_idx %arg8[%parallel_loop3A_19, %parallel_loop3A_336] : memref<512x9xi32, #tpu.memory_space<vmem>>[vector<16xi32>, vector<16xi32>], vector<16xi32>,
      %parallel_loop3A_338 = arith.constant 4 : i32
      %parallel_loop3A_339 = vector.broadcast %parallel_loop3A_338 : i32 to vector<16xi32>
      %parallel_loop3A_340 = arith.muli %parallel_loop3A_337, %parallel_loop3A_339 : vector<16xi32>
      %parallel_loop3A_341 = arith.constant 264 : i32
      %parallel_loop3A_342 = vector.broadcast %parallel_loop3A_341 : i32 to vector<16xi32>
      %parallel_loop3A_343 = arith.addi %parallel_loop3A_340, %parallel_loop3A_342 : vector<16xi32>
      %parallel_loop3A_344 = arith.constant 0 : i32
      %parallel_loop3A_345 = vector.broadcast %parallel_loop3A_344 : i32 to vector<16xi32>
      %parallel_loop3A_346 = arith.addi %parallel_loop3A_343, %parallel_loop3A_345 : vector<16xi32>
      %parallel_loop3A_347 = tpu.vector_load_idx %arg10[%parallel_loop3A_346] : memref<396xf32, #tpu.memory_space<vmem>>[vector<16xi32>], vector<16xf32>,
      %parallel_loop3A_348 = arith.constant 32 : i32
      %parallel_loop3A_349 = arith.index_cast %parallel_loop3A_348 : i32 to index
      %parallel_loop3A_350 = arith.index_cast %parallel_loop3A_17 : i32 to index
      %parallel_loop3A_351 = tpu.vector_load %arg11[%parallel_loop3A_349, %parallel_loop3A_350] {strides = array<i32>} : memref<48x512xf32, #tpu.memory_space<vmem>>, vector<16xf32>,
      tpu.vector_store %arg11[%parallel_loop3A_349, %parallel_loop3A_350], %parallel_loop3A_347 {strides = array<i32>} : memref<48x512xf32, #tpu.memory_space<vmem>>, vector<16xf32>,
      %parallel_loop3A_352 = arith.constant 1 : i32
      %parallel_loop3A_353 = vector.broadcast %parallel_loop3A_352 : i32 to vector<16xi32>
      %parallel_loop3A_354 = arith.addi %parallel_loop3A_343, %parallel_loop3A_353 : vector<16xi32>
      %parallel_loop3A_355 = tpu.vector_load_idx %arg10[%parallel_loop3A_354] : memref<396xf32, #tpu.memory_space<vmem>>[vector<16xi32>], vector<16xf32>,
      %parallel_loop3A_356 = arith.constant 33 : i32
      %parallel_loop3A_357 = arith.index_cast %parallel_loop3A_356 : i32 to index
      %parallel_loop3A_358 = arith.index_cast %parallel_loop3A_17 : i32 to index
      %parallel_loop3A_359 = tpu.vector_load %arg11[%parallel_loop3A_357, %parallel_loop3A_358] {strides = array<i32>} : memref<48x512xf32, #tpu.memory_space<vmem>>, vector<16xf32>,
      tpu.vector_store %arg11[%parallel_loop3A_357, %parallel_loop3A_358], %parallel_loop3A_355 {strides = array<i32>} : memref<48x512xf32, #tpu.memory_space<vmem>>, vector<16xf32>,
      %parallel_loop3A_360 = arith.constant 2 : i32
      %parallel_loop3A_361 = vector.broadcast %parallel_loop3A_360 : i32 to vector<16xi32>
      %parallel_loop3A_362 = arith.addi %parallel_loop3A_343, %parallel_loop3A_361 : vector<16xi32>
      %parallel_loop3A_363 = tpu.vector_load_idx %arg10[%parallel_loop3A_362] : memref<396xf32, #tpu.memory_space<vmem>>[vector<16xi32>], vector<16xf32>,
      %parallel_loop3A_364 = arith.constant 34 : i32
      %parallel_loop3A_365 = arith.index_cast %parallel_loop3A_364 : i32 to index
      %parallel_loop3A_366 = arith.index_cast %parallel_loop3A_17 : i32 to index
      %parallel_loop3A_367 = tpu.vector_load %arg11[%parallel_loop3A_365, %parallel_loop3A_366] {strides = array<i32>} : memref<48x512xf32, #tpu.memory_space<vmem>>, vector<16xf32>,
      tpu.vector_store %arg11[%parallel_loop3A_365, %parallel_loop3A_366], %parallel_loop3A_363 {strides = array<i32>} : memref<48x512xf32, #tpu.memory_space<vmem>>, vector<16xf32>,
      %parallel_loop3A_368 = arith.constant 3 : i32
      %parallel_loop3A_369 = vector.broadcast %parallel_loop3A_368 : i32 to vector<16xi32>
      %parallel_loop3A_370 = arith.addi %parallel_loop3A_343, %parallel_loop3A_369 : vector<16xi32>
      %parallel_loop3A_371 = tpu.vector_load_idx %arg10[%parallel_loop3A_370] : memref<396xf32, #tpu.memory_space<vmem>>[vector<16xi32>], vector<16xf32>,
      %parallel_loop3A_372 = arith.constant 35 : i32
      %parallel_loop3A_373 = arith.index_cast %parallel_loop3A_372 : i32 to index
      %parallel_loop3A_374 = arith.index_cast %parallel_loop3A_17 : i32 to index
      %parallel_loop3A_375 = tpu.vector_load %arg11[%parallel_loop3A_373, %parallel_loop3A_374] {strides = array<i32>} : memref<48x512xf32, #tpu.memory_space<vmem>>, vector<16xf32>,
      tpu.vector_store %arg11[%parallel_loop3A_373, %parallel_loop3A_374], %parallel_loop3A_371 {strides = array<i32>} : memref<48x512xf32, #tpu.memory_space<vmem>>, vector<16xf32>,
      %parallel_loop3A_376 = arith.constant 7 : i32
      %parallel_loop3A_377 = vector.broadcast %parallel_loop3A_376 : i32 to vector<16xi32>
      %parallel_loop3A_378 = tpu.vector_load_idx %arg8[%parallel_loop3A_19, %parallel_loop3A_377] : memref<512x9xi32, #tpu.memory_space<vmem>>[vector<16xi32>, vector<16xi32>], vector<16xi32>,
      %parallel_loop3A_379 = arith.constant 4 : i32
      %parallel_loop3A_380 = vector.broadcast %parallel_loop3A_379 : i32 to vector<16xi32>
      %parallel_loop3A_381 = arith.muli %parallel_loop3A_378, %parallel_loop3A_380 : vector<16xi32>
      %parallel_loop3A_382 = arith.constant 308 : i32
      %parallel_loop3A_383 = vector.broadcast %parallel_loop3A_382 : i32 to vector<16xi32>
      %parallel_loop3A_384 = arith.addi %parallel_loop3A_381, %parallel_loop3A_383 : vector<16xi32>
      %parallel_loop3A_385 = arith.constant 0 : i32
      %parallel_loop3A_386 = vector.broadcast %parallel_loop3A_385 : i32 to vector<16xi32>
      %parallel_loop3A_387 = arith.addi %parallel_loop3A_384, %parallel_loop3A_386 : vector<16xi32>
      %parallel_loop3A_388 = tpu.vector_load_idx %arg10[%parallel_loop3A_387] : memref<396xf32, #tpu.memory_space<vmem>>[vector<16xi32>], vector<16xf32>,
      %parallel_loop3A_389 = arith.constant 36 : i32
      %parallel_loop3A_390 = arith.index_cast %parallel_loop3A_389 : i32 to index
      %parallel_loop3A_391 = arith.index_cast %parallel_loop3A_17 : i32 to index
      %parallel_loop3A_392 = tpu.vector_load %arg11[%parallel_loop3A_390, %parallel_loop3A_391] {strides = array<i32>} : memref<48x512xf32, #tpu.memory_space<vmem>>, vector<16xf32>,
      tpu.vector_store %arg11[%parallel_loop3A_390, %parallel_loop3A_391], %parallel_loop3A_388 {strides = array<i32>} : memref<48x512xf32, #tpu.memory_space<vmem>>, vector<16xf32>,
      %parallel_loop3A_393 = arith.constant 1 : i32
      %parallel_loop3A_394 = vector.broadcast %parallel_loop3A_393 : i32 to vector<16xi32>
      %parallel_loop3A_395 = arith.addi %parallel_loop3A_384, %parallel_loop3A_394 : vector<16xi32>
      %parallel_loop3A_396 = tpu.vector_load_idx %arg10[%parallel_loop3A_395] : memref<396xf32, #tpu.memory_space<vmem>>[vector<16xi32>], vector<16xf32>,
      %parallel_loop3A_397 = arith.constant 37 : i32
      %parallel_loop3A_398 = arith.index_cast %parallel_loop3A_397 : i32 to index
      %parallel_loop3A_399 = arith.index_cast %parallel_loop3A_17 : i32 to index
      %parallel_loop3A_400 = tpu.vector_load %arg11[%parallel_loop3A_398, %parallel_loop3A_399] {strides = array<i32>} : memref<48x512xf32, #tpu.memory_space<vmem>>, vector<16xf32>,
      tpu.vector_store %arg11[%parallel_loop3A_398, %parallel_loop3A_399], %parallel_loop3A_396 {strides = array<i32>} : memref<48x512xf32, #tpu.memory_space<vmem>>, vector<16xf32>,
      %parallel_loop3A_401 = arith.constant 2 : i32
      %parallel_loop3A_402 = vector.broadcast %parallel_loop3A_401 : i32 to vector<16xi32>
      %parallel_loop3A_403 = arith.addi %parallel_loop3A_384, %parallel_loop3A_402 : vector<16xi32>
      %parallel_loop3A_404 = tpu.vector_load_idx %arg10[%parallel_loop3A_403] : memref<396xf32, #tpu.memory_space<vmem>>[vector<16xi32>], vector<16xf32>,
      %parallel_loop3A_405 = arith.constant 38 : i32
      %parallel_loop3A_406 = arith.index_cast %parallel_loop3A_405 : i32 to index
      %parallel_loop3A_407 = arith.index_cast %parallel_loop3A_17 : i32 to index
      %parallel_loop3A_408 = tpu.vector_load %arg11[%parallel_loop3A_406, %parallel_loop3A_407] {strides = array<i32>} : memref<48x512xf32, #tpu.memory_space<vmem>>, vector<16xf32>,
      tpu.vector_store %arg11[%parallel_loop3A_406, %parallel_loop3A_407], %parallel_loop3A_404 {strides = array<i32>} : memref<48x512xf32, #tpu.memory_space<vmem>>, vector<16xf32>,
      %parallel_loop3A_409 = arith.constant 3 : i32
      %parallel_loop3A_410 = vector.broadcast %parallel_loop3A_409 : i32 to vector<16xi32>
      %parallel_loop3A_411 = arith.addi %parallel_loop3A_384, %parallel_loop3A_410 : vector<16xi32>
      %parallel_loop3A_412 = tpu.vector_load_idx %arg10[%parallel_loop3A_411] : memref<396xf32, #tpu.memory_space<vmem>>[vector<16xi32>], vector<16xf32>,
      %parallel_loop3A_413 = arith.constant 39 : i32
      %parallel_loop3A_414 = arith.index_cast %parallel_loop3A_413 : i32 to index
      %parallel_loop3A_415 = arith.index_cast %parallel_loop3A_17 : i32 to index
      %parallel_loop3A_416 = tpu.vector_load %arg11[%parallel_loop3A_414, %parallel_loop3A_415] {strides = array<i32>} : memref<48x512xf32, #tpu.memory_space<vmem>>, vector<16xf32>,
      tpu.vector_store %arg11[%parallel_loop3A_414, %parallel_loop3A_415], %parallel_loop3A_412 {strides = array<i32>} : memref<48x512xf32, #tpu.memory_space<vmem>>, vector<16xf32>,
      %parallel_loop3A_417 = arith.constant 8 : i32
      %parallel_loop3A_418 = vector.broadcast %parallel_loop3A_417 : i32 to vector<16xi32>
      %parallel_loop3A_419 = tpu.vector_load_idx %arg8[%parallel_loop3A_19, %parallel_loop3A_418] : memref<512x9xi32, #tpu.memory_space<vmem>>[vector<16xi32>, vector<16xi32>], vector<16xi32>,
      %parallel_loop3A_420 = arith.constant 4 : i32
      %parallel_loop3A_421 = vector.broadcast %parallel_loop3A_420 : i32 to vector<16xi32>
      %parallel_loop3A_422 = arith.muli %parallel_loop3A_419, %parallel_loop3A_421 : vector<16xi32>
      %parallel_loop3A_423 = arith.constant 352 : i32
      %parallel_loop3A_424 = vector.broadcast %parallel_loop3A_423 : i32 to vector<16xi32>
      %parallel_loop3A_425 = arith.addi %parallel_loop3A_422, %parallel_loop3A_424 : vector<16xi32>
      %parallel_loop3A_426 = arith.constant 0 : i32
      %parallel_loop3A_427 = vector.broadcast %parallel_loop3A_426 : i32 to vector<16xi32>
      %parallel_loop3A_428 = arith.addi %parallel_loop3A_425, %parallel_loop3A_427 : vector<16xi32>
      %parallel_loop3A_429 = tpu.vector_load_idx %arg10[%parallel_loop3A_428] : memref<396xf32, #tpu.memory_space<vmem>>[vector<16xi32>], vector<16xf32>,
      %parallel_loop3A_430 = arith.constant 40 : i32
      %parallel_loop3A_431 = arith.index_cast %parallel_loop3A_430 : i32 to index
      %parallel_loop3A_432 = arith.index_cast %parallel_loop3A_17 : i32 to index
      %parallel_loop3A_433 = tpu.vector_load %arg11[%parallel_loop3A_431, %parallel_loop3A_432] {strides = array<i32>} : memref<48x512xf32, #tpu.memory_space<vmem>>, vector<16xf32>,
      tpu.vector_store %arg11[%parallel_loop3A_431, %parallel_loop3A_432], %parallel_loop3A_429 {strides = array<i32>} : memref<48x512xf32, #tpu.memory_space<vmem>>, vector<16xf32>,
      %parallel_loop3A_434 = arith.constant 1 : i32
      %parallel_loop3A_435 = vector.broadcast %parallel_loop3A_434 : i32 to vector<16xi32>
      %parallel_loop3A_436 = arith.addi %parallel_loop3A_425, %parallel_loop3A_435 : vector<16xi32>
      %parallel_loop3A_437 = tpu.vector_load_idx %arg10[%parallel_loop3A_436] : memref<396xf32, #tpu.memory_space<vmem>>[vector<16xi32>], vector<16xf32>,
      %parallel_loop3A_438 = arith.constant 41 : i32
      %parallel_loop3A_439 = arith.index_cast %parallel_loop3A_438 : i32 to index
      %parallel_loop3A_440 = arith.index_cast %parallel_loop3A_17 : i32 to index
      %parallel_loop3A_441 = tpu.vector_load %arg11[%parallel_loop3A_439, %parallel_loop3A_440] {strides = array<i32>} : memref<48x512xf32, #tpu.memory_space<vmem>>, vector<16xf32>,
      tpu.vector_store %arg11[%parallel_loop3A_439, %parallel_loop3A_440], %parallel_loop3A_437 {strides = array<i32>} : memref<48x512xf32, #tpu.memory_space<vmem>>, vector<16xf32>,
      %parallel_loop3A_442 = arith.constant 2 : i32
      %parallel_loop3A_443 = vector.broadcast %parallel_loop3A_442 : i32 to vector<16xi32>
      %parallel_loop3A_444 = arith.addi %parallel_loop3A_425, %parallel_loop3A_443 : vector<16xi32>
      %parallel_loop3A_445 = tpu.vector_load_idx %arg10[%parallel_loop3A_444] : memref<396xf32, #tpu.memory_space<vmem>>[vector<16xi32>], vector<16xf32>,
      %parallel_loop3A_446 = arith.constant 42 : i32
      %parallel_loop3A_447 = arith.index_cast %parallel_loop3A_446 : i32 to index
      %parallel_loop3A_448 = arith.index_cast %parallel_loop3A_17 : i32 to index
      %parallel_loop3A_449 = tpu.vector_load %arg11[%parallel_loop3A_447, %parallel_loop3A_448] {strides = array<i32>} : memref<48x512xf32, #tpu.memory_space<vmem>>, vector<16xf32>,
      tpu.vector_store %arg11[%parallel_loop3A_447, %parallel_loop3A_448], %parallel_loop3A_445 {strides = array<i32>} : memref<48x512xf32, #tpu.memory_space<vmem>>, vector<16xf32>,
      %parallel_loop3A_450 = arith.constant 3 : i32
      %parallel_loop3A_451 = vector.broadcast %parallel_loop3A_450 : i32 to vector<16xi32>
      %parallel_loop3A_452 = arith.addi %parallel_loop3A_425, %parallel_loop3A_451 : vector<16xi32>
      %parallel_loop3A_453 = tpu.vector_load_idx %arg10[%parallel_loop3A_452] : memref<396xf32, #tpu.memory_space<vmem>>[vector<16xi32>], vector<16xf32>,
      %parallel_loop3A_454 = arith.constant 43 : i32
      %parallel_loop3A_455 = arith.index_cast %parallel_loop3A_454 : i32 to index
      %parallel_loop3A_456 = arith.index_cast %parallel_loop3A_17 : i32 to index
      %parallel_loop3A_457 = tpu.vector_load %arg11[%parallel_loop3A_455, %parallel_loop3A_456] {strides = array<i32>} : memref<48x512xf32, #tpu.memory_space<vmem>>, vector<16xf32>,
      tpu.vector_store %arg11[%parallel_loop3A_455, %parallel_loop3A_456], %parallel_loop3A_453 {strides = array<i32>} : memref<48x512xf32, #tpu.memory_space<vmem>>, vector<16xf32>,
    } {sc.loop_unroll_factor = 2 : i64, sc.parallel_access}
    "tpu.region"() ({
      %run_scoped3A = tpu.sem_alloc : memref<!tpu.dma_semaphore, #tpu.memory_space<semaphore_mem>>
      %dma_start3A_15 = arith.constant 0 : i32
      %dma_start3A_16 = tpu.memref_slice %arg6[%dma_start3A_15, %mul3A_2] : memref<48x16384xf32, #tpu.memory_space<hbm>> -> memref<48x512xf32, #tpu.memory_space<hbm>>
      %dma_start3A_17 = arith.constant 0 : i32
      %dma_start3A_18 = tpu.memref_slice %arg6[%dma_start3A_17, %mul3A_2] : memref<48x16384xf32, #tpu.memory_space<hbm>> -> memref<48x512xf32, #tpu.memory_space<hbm>>
      tpu.enqueue_dma source(%arg11 : memref<48x512xf32, #tpu.memory_space<vmem>>) target(%dma_start3A_18 : memref<48x512xf32, #tpu.memory_space<hbm>>) target_semaphore(%run_scoped3A : memref<!tpu.dma_semaphore, #tpu.memory_space<semaphore_mem>>)
      %dma_wait3A_19 = arith.constant 0 : i32
      %dma_wait3A_20 = tpu.memref_slice %arg6[%dma_wait3A_19, %mul3A_2] : memref<48x16384xf32, #tpu.memory_space<hbm>> -> memref<48x512xf32, #tpu.memory_space<hbm>>
      %dma_wait3A_21 = arith.constant 0 : i32
      %dma_wait3A_22 = tpu.memref_slice %arg6[%dma_wait3A_21, %mul3A_2] : memref<48x16384xf32, #tpu.memory_space<hbm>> -> memref<48x512xf32, #tpu.memory_space<hbm>>
      tpu.wait_dma2 semaphore(%run_scoped3A : memref<!tpu.dma_semaphore, #tpu.memory_space<semaphore_mem>>) src(%arg11 : memref<48x512xf32, #tpu.memory_space<vmem>>) dst(%dma_wait3A_22 : memref<48x512xf32, #tpu.memory_space<hbm>>)
      tpu.yield
    }) : () -> ()
    return
  }
}

module attributes {stable_mosaic.version = 14 : i64} {
  func.func @_mlp_body(%arg0: i32, %arg1: memref<48x4096xf32, #tpu.memory_space<vmem>>, %arg2: memref<4096x10xf32, #tpu.memory_space<vmem>>, %arg3: memref<4096x2xf32, #tpu.memory_space<vmem>>, %arg4: memref<56x128xf32, #tpu.memory_space<vmem>>, %arg5: memref<128xf32, #tpu.memory_space<vmem>>, %arg6: memref<128x64xf32, #tpu.memory_space<vmem>>, %arg7: memref<64xf32, #tpu.memory_space<vmem>>, %arg8: memref<64x3xf32, #tpu.memory_space<vmem>>, %arg9: memref<3xf32, #tpu.memory_space<vmem>>, %arg10: memref<4096x3xf32, #tpu.memory_space<vmem>>) attributes {dimension_semantics = [#tpu.dimension_semantics<arbitrary>], iteration_bounds = array<i64: 4>, scalar_prefetch = 0 : i64, scratch_operands = 0 : i64, tpu.core_type = #tpu.core_type<tc>, window_params = [{transform_indices = @transform_0, window_bounds = array<i64: 48, 4096>}, {transform_indices = @transform_1, window_bounds = array<i64: 4096, 10>}, {transform_indices = @transform_2, window_bounds = array<i64: 4096, 2>}, {pipeline_mode = #tpu.pipeline_mode<synchronous>, transform_indices = @transform_3, window_bounds = array<i64: 56, 128>}, {pipeline_mode = #tpu.pipeline_mode<synchronous>, transform_indices = @transform_4, window_bounds = array<i64: 128>}, {pipeline_mode = #tpu.pipeline_mode<synchronous>, transform_indices = @transform_5, window_bounds = array<i64: 128, 64>}, {pipeline_mode = #tpu.pipeline_mode<synchronous>, transform_indices = @transform_6, window_bounds = array<i64: 64>}, {pipeline_mode = #tpu.pipeline_mode<synchronous>, transform_indices = @transform_7, window_bounds = array<i64: 64, 3>}, {pipeline_mode = #tpu.pipeline_mode<synchronous>, transform_indices = @transform_8, window_bounds = array<i64: 3>}, {transform_indices = @transform_9, window_bounds = array<i64: 4096, 3>}]} {
    %get3A = arith.constant 0 : index
    %get3A_0 = arith.constant 0 : index
    %get3A_1 = vector.load %arg4[%get3A, %get3A_0] : memref<56x128xf32, #tpu.memory_space<vmem>>, vector<56x128xf32>
    %get3A_2 = arith.constant 0 : index
    %get3A_3 = arith.constant 0 : index
    %get3A_4 = vector.load %arg1[%get3A_2, %get3A_3] : memref<48x4096xf32, #tpu.memory_space<vmem>>, vector<44x4096xf32>
    %slice3A = vector.extract_strided_slice %get3A_1 {offsets = [0, 0], sizes = [44, 128], strides = [1, 1]} : vector<56x128xf32> to vector<44x128xf32>
    %dot_general3A = arith.constant dense<0.000000e+00> : vector<128x4096xf32>
    %dot_general3A_5 = tpu.matmul %slice3A, %get3A_4, %dot_general3A {dimension_numbers = #tpu.dot_dimension_numbers<[0], [0], [1], [1], [0, 1, 1, 1], [], []>, transpose_lhs_hint = false} : vector<44x128xf32>, vector<44x4096xf32>, vector<128x4096xf32> -> vector<128x4096xf32>
    %slice3A_6 = vector.extract_strided_slice %get3A_1 {offsets = [44, 0], sizes = [10, 128], strides = [1, 1]} : vector<56x128xf32> to vector<10x128xf32>
    %get3A_7 = arith.constant 0 : index
    %get3A_8 = arith.constant 0 : index
    %get3A_9 = vector.load %arg2[%get3A_7, %get3A_8] : memref<4096x10xf32, #tpu.memory_space<vmem>>, vector<4096x10xf32>
    %dot_general3A_10 = arith.constant dense<0.000000e+00> : vector<128x4096xf32>
    %dot_general3A_11 = tpu.matmul %slice3A_6, %get3A_9, %dot_general3A_10 {dimension_numbers = #tpu.dot_dimension_numbers<[0], [1], [1], [0], [0, 1, 1, 0], [], []>, transpose_lhs_hint = false} : vector<10x128xf32>, vector<4096x10xf32>, vector<128x4096xf32> -> vector<128x4096xf32>
    %add3A = arith.addf %dot_general3A_5, %dot_general3A_11 : vector<128x4096xf32>
    %slice3A_12 = vector.extract_strided_slice %get3A_1 {offsets = [54, 0], sizes = [2, 128], strides = [1, 1]} : vector<56x128xf32> to vector<2x128xf32>
    %get3A_13 = arith.constant 0 : index
    %get3A_14 = arith.constant 0 : index
    %get3A_15 = vector.load %arg3[%get3A_13, %get3A_14] : memref<4096x2xf32, #tpu.memory_space<vmem>>, vector<4096x2xf32>
    %dot_general3A_16 = arith.constant dense<0.000000e+00> : vector<128x4096xf32>
    %dot_general3A_17 = tpu.matmul %slice3A_12, %get3A_15, %dot_general3A_16 {dimension_numbers = #tpu.dot_dimension_numbers<[0], [1], [1], [0], [0, 1, 1, 0], [], []>, transpose_lhs_hint = false} : vector<2x128xf32>, vector<4096x2xf32>, vector<128x4096xf32> -> vector<128x4096xf32>
    %add3A_18 = arith.addf %add3A, %dot_general3A_17 : vector<128x4096xf32>
    %get3A_19 = arith.constant 0 : index
    %get3A_20 = vector.load %arg5[%get3A_19] : memref<128xf32, #tpu.memory_space<vmem>>, vector<128xf32>
    %broadcast_in_dim3A = vector.shape_cast %get3A_20 : vector<128xf32> to vector<128x1xf32>
    %add3A_21 = vector.broadcast %broadcast_in_dim3A : vector<128x1xf32> to vector<128x4096xf32>
    %add3A_22 = arith.addf %add3A_18, %add3A_21 : vector<128x4096xf32>
    %max3A = arith.constant 0.000000e+00 : f32
    %max3A_23 = vector.broadcast %max3A : f32 to vector<128x4096xf32>
    %max3A_24 = arith.maximumf %add3A_22, %max3A_23 : vector<128x4096xf32>
    %get3A_25 = arith.constant 0 : index
    %get3A_26 = arith.constant 0 : index
    %get3A_27 = vector.load %arg6[%get3A_25, %get3A_26] : memref<128x64xf32, #tpu.memory_space<vmem>>, vector<128x64xf32>
    %dot_general3A_28 = arith.constant dense<0.000000e+00> : vector<64x4096xf32>
    %dot_general3A_29 = tpu.matmul %get3A_27, %max3A_24, %dot_general3A_28 {dimension_numbers = #tpu.dot_dimension_numbers<[0], [0], [1], [1], [0, 1, 1, 1], [], []>, transpose_lhs_hint = false} : vector<128x64xf32>, vector<128x4096xf32>, vector<64x4096xf32> -> vector<64x4096xf32>
    %get3A_30 = arith.constant 0 : index
    %get3A_31 = vector.load %arg7[%get3A_30] : memref<64xf32, #tpu.memory_space<vmem>>, vector<64xf32>
    %broadcast_in_dim3A_32 = vector.shape_cast %get3A_31 : vector<64xf32> to vector<64x1xf32>
    %add3A_33 = vector.broadcast %broadcast_in_dim3A_32 : vector<64x1xf32> to vector<64x4096xf32>
    %add3A_34 = arith.addf %dot_general3A_29, %add3A_33 : vector<64x4096xf32>
    %max3A_35 = arith.constant 0.000000e+00 : f32
    %max3A_36 = vector.broadcast %max3A_35 : f32 to vector<64x4096xf32>
    %max3A_37 = arith.maximumf %add3A_34, %max3A_36 : vector<64x4096xf32>
    %get3A_38 = arith.constant 0 : index
    %get3A_39 = arith.constant 0 : index
    %get3A_40 = vector.load %arg8[%get3A_38, %get3A_39] : memref<64x3xf32, #tpu.memory_space<vmem>>, vector<64x3xf32>
    %dot_general3A_41 = arith.constant dense<0.000000e+00> : vector<4096x3xf32>
    %dot_general3A_42 = tpu.matmul %max3A_37, %get3A_40, %dot_general3A_41 {dimension_numbers = #tpu.dot_dimension_numbers<[0], [0], [1], [1], [0, 1, 1, 1], [], []>, transpose_lhs_hint = false} : vector<64x4096xf32>, vector<64x3xf32>, vector<4096x3xf32> -> vector<4096x3xf32>
    %get3A_43 = arith.constant 0 : index
    %get3A_44 = vector.load %arg9[%get3A_43] : memref<3xf32, #tpu.memory_space<vmem>>, vector<3xf32>
    %broadcast_in_dim3A_45 = vector.shape_cast %get3A_44 : vector<3xf32> to vector<1x3xf32>
    %add3A_46 = vector.broadcast %broadcast_in_dim3A_45 : vector<1x3xf32> to vector<4096x3xf32>
    %add3A_47 = arith.addf %dot_general3A_42, %add3A_46 : vector<4096x3xf32>
    %swap3A = arith.constant 0 : index
    %swap3A_48 = arith.constant 0 : index
    %swap3A_49 = vector.load %arg10[%swap3A, %swap3A_48] : memref<4096x3xf32, #tpu.memory_space<vmem>>, vector<4096x3xf32>
    tpu.vector_store %arg10[%swap3A, %swap3A_48], %add3A_47 {strides = array<i32>} : memref<4096x3xf32, #tpu.memory_space<vmem>>, vector<4096x3xf32>,
    return
  }
  func.func @transform_0(%arg0: i32) -> (i32, i32) {
    %c0_i32 = arith.constant 0 : i32
    %c0_i32_0 = arith.constant 0 : i32
    return %c0_i32, %arg0 : i32, i32
  }
  func.func @transform_1(%arg0: i32) -> (i32, i32) {
    %c0_i32 = arith.constant 0 : i32
    %c0_i32_0 = arith.constant 0 : i32
    return %arg0, %c0_i32 : i32, i32
  }
  func.func @transform_2(%arg0: i32) -> (i32, i32) {
    %c0_i32 = arith.constant 0 : i32
    %c0_i32_0 = arith.constant 0 : i32
    return %arg0, %c0_i32 : i32, i32
  }
  func.func @transform_3(%arg0: i32) -> (i32, i32) {
    %c0_i32 = arith.constant 0 : i32
    %c0_i32_0 = arith.constant 0 : i32
    %c0_i32_1 = arith.constant 0 : i32
    return %c0_i32, %c0_i32_0 : i32, i32
  }
  func.func @transform_4(%arg0: i32) -> i32 {
    %c0_i32 = arith.constant 0 : i32
    %c0_i32_0 = arith.constant 0 : i32
    return %c0_i32 : i32
  }
  func.func @transform_5(%arg0: i32) -> (i32, i32) {
    %c0_i32 = arith.constant 0 : i32
    %c0_i32_0 = arith.constant 0 : i32
    %c0_i32_1 = arith.constant 0 : i32
    return %c0_i32, %c0_i32_0 : i32, i32
  }
  func.func @transform_6(%arg0: i32) -> i32 {
    %c0_i32 = arith.constant 0 : i32
    %c0_i32_0 = arith.constant 0 : i32
    return %c0_i32 : i32
  }
  func.func @transform_7(%arg0: i32) -> (i32, i32) {
    %c0_i32 = arith.constant 0 : i32
    %c0_i32_0 = arith.constant 0 : i32
    %c0_i32_1 = arith.constant 0 : i32
    return %c0_i32, %c0_i32_0 : i32, i32
  }
  func.func @transform_8(%arg0: i32) -> i32 {
    %c0_i32 = arith.constant 0 : i32
    %c0_i32_0 = arith.constant 0 : i32
    return %c0_i32 : i32
  }
  func.func @transform_9(%arg0: i32) -> (i32, i32) {
    %c0_i32 = arith.constant 0 : i32
    %c0_i32_0 = arith.constant 0 : i32
    return %arg0, %c0_i32 : i32, i32
  }
}

</mosaic_0001>

<sc_bundles>
// kernel: kernel.4.cloned.1.call-start
scs
__scs_entry_jumppad:
0x0: {  	(pc) =	sbr.rel $0x88, $3  }
0x1: {  	(tag) =	ssettag $0x0;
	lr =	simm.s32 $0x1  }
0x2: {  	[smem:$0x3F95] =	sst lr;
	_ =	strace $0xD0000000  }
0x3: {  	_ = 	snop  }
0x4: {  	_ = 	snop  }
0x5: {  	_ = 	snop  }
0x6: {  	_ = 	snop  }
0x7: {  	_ = 	snop  }
__scs_overlays_trampoline_lowered:
0x8: {  	[smem:$0x3FA4] =	sst s0  }
0x9: {  	[smem:$0x3FA5] =	sst s1  }
0xa: {  	[smem:$0x3FA6] =	sst s2  }
0xb: {  	[smem:$0x3FA7] =	sst s3  }
0xc: {  	[smem:$0x3FA8] =	sst s4  }
0xd: {  	[smem:$0x3FA9] =	sst s5  }
0xe: {  	[smem:$0x3FAA] =	sst s6  }
0xf: {  	[smem:$0x3FAB] =	sst s7  }
0x10: {  	[smem:$0x3FAC] =	sst s8  }
0x11: {  	[smem:$0x3FAD] =	sst s9;
	s0 =	simm.s32 @!p0 $0x0  }
0x12: {  	s1 =	sld [smem:$0x3F93];
	s0 =	simm.s32 @p0 $0x1  }
0x13: {  	[smem:$0x3FAE] =	sst s0;
	s0 =	simm.s32 @!p1 $0x0  }
0x14: {  	s2 =	sld [smem:$0x3F92];
	s0 =	simm.s32 @p1 $0x1  }
0x15: {  	[smem:$0x3FAF] =	sst s0;
	s0 =	simm.s32 @!p2 $0x0  }
0x16: {  	s3 =	sld [smem:$0x3FDB];
	s0 =	simm.s32 @p2 $0x1  }
0x17: {  	s4 =	simm.s32 $0x1BF5;
	[smem:$0x3FB1] =	sst s0  }
0x18: {  	s0 =	sld [smem:$0x3F94];
	_ =	swait.ge [sflag:s4], $0x0  }
0x19: {  	s7 =	sld [smem:$0x3F95]  }
0x1a: {  	s8 =	sadd.s32 $0xFFFFE003, lr  }
0x1b: {  	s9 =	sadd.s32 $0xFFFFFEF7, lr;
	s5 =	simm.s32 $0xFFFFFFFF;
	p2 =	slt.u32 s8, $0xFFFFF086  }
0x1c: {  	p1 =	slt.u32 s9, $0xF7A;
	s5 =	simm.s32 @!p2 $0x0  }
0x1d: {  	s5 =	simm.s32 @p1 $0x1;
	p0 =	seq.s32 s7, s2  }
0x1e: {  	s7 =	smul.u32 @!p0 $0xF7A, s2;
	p2 =	seq.s32 @!p0 s5, $0x0  }
0x1f: {  	s9 =	smul.u32 $0xF7A, s1;
	s8 =	simm.s32 @!p0 $0x1BF5;
	p2 =	por !p2, p0  }
0x20: {  	[sflag:s8] =	ssyncset.s32 @!p0 $0xFFFFF086;
	s6 =	sadd.s32 @!p0 s3, s7;
	s7 =	simm.s32 @!p0 $0x108  }
0x21: {  	s3 =	sadd.s32 s3, s9;
	s6 =	sadd.s32 @!p0 $0x88, s6;
	s7 =	simm.s32 @p2 $0x1082  }
0x22: {  	[simem:s7], [sflag:s8] =	dma.local @!p0 [hbm:s6], $0xF7A  }
0x23: {  	s9 =	sor.u32 $0xD0000000, s2;
	s6 =	simm.s32 $0x108;
	_ =	swait.ge @!p0 [sflag:s8], $0x0  }
0x24: {  	s3 =	sadd.s32 $0x88, s3;
	s6 =	simm.s32 @!p1 $0x1082;
	[sflag:s4] =	ssyncset.s32 $0xFFFFF086  }
0x25: {  	[simem:s6], [sflag:s4] =	dma.local [hbm:s3], $0xF7A  }
0x26: {  	[smem:$0x3F95] =	sst s1;
	(tag) =	ssettag s2;
	_ =	strace s9  }
0x27: {  	s1 =	sld [smem:$0x3FA5]  }
0x28: {  	s2 =	sld [smem:$0x3FA6]  }
0x29: {  	s4 =	sld [smem:$0x3FA8]  }
0x2a: {  	p0 =	seq.s32 s5, $0x0;
	s5 =	sld [smem:$0x3FA9]  }
0x2b: {  	s6 =	sld [smem:$0x3FAA]  }
0x2c: {  	s7 =	sld [smem:$0x3FAB]  }
0x2d: {  	s3 =	simm.s32 $0x108;
	s8 =	sld [smem:$0x3FAC]  }
0x2e: {  	s3 =	simm.s32 @!p0 $0x1082;
	s9 =	sld [smem:$0x3FAD]  }
0x2f: {  	lr =	sadd.s32 s0, s3;
	s0 =	sld [smem:$0x3FA4]  }
0x30: {  	s3 =	sld [smem:$0x3FA7]  }
0x31: {  	[smem:$0x3FB0] =	sst s10  }
0x32: {  	s10 =	sld [smem:$0x3FAE];
	_ =	sdelay $0x3  }
0x33: {  	p0 =	seq.s32 s10, $0x1;
	s10 =	sld [smem:$0x3FB0];
	_ =	sdelay $0x3  }
0x34: {  	[smem:$0x3FB0] =	sst s10  }
0x35: {  	s10 =	sld [smem:$0x3FAF];
	_ =	sdelay $0x3  }
0x36: {  	p1 =	seq.s32 s10, $0x1;
	s10 =	sld [smem:$0x3FB0];
	_ =	sdelay $0x3  }
0x37: {  	[smem:$0x3FB0] =	sst s10  }
0x38: {  	s10 =	sld [smem:$0x3FB1]  }
0x39: {  	_ = 	snop;
	(pc) =	sbr.ind lr, $3  }
0x3a: {  	_ = 	snop  }
0x3b: {  	_ = 	snop  }
0x3c: {  	p2 =	seq.s32 s10, $0x1;
	s10 =	sld [smem:$0x3FB0]  }
0x3d: {  	_ =	shalt  }
0x3e: {  	_ =	shalt  }
0x3f: {  	_ =	shalt  }
0x40: {  	_ =	shalt  }
0x41: {  	_ =	shalt  }
0x42: {  	_ =	shalt  }
0x43: {  	_ =	shalt  }
0x44: {  	_ =	shalt  }
0x45: {  	_ =	shalt  }
0x46: {  	_ =	shalt  }
0x47: {  	_ =	shalt  }
0x48: {  	_ =	shalt  }
0x49: {  	_ =	shalt  }
0x4a: {  	_ =	shalt  }
0x4b: {  	_ =	shalt  }
0x4c: {  	_ =	shalt  }
0x4d: {  	_ =	shalt  }
0x4e: {  	_ =	shalt  }
0x4f: {  	_ =	shalt  }
0x50: {  	_ =	shalt  }
0x51: {  	_ =	shalt  }
0x52: {  	_ =	shalt  }
0x53: {  	_ =	shalt  }
0x54: {  	_ =	shalt  }
0x55: {  	_ =	shalt  }
0x56: {  	_ =	shalt  }
0x57: {  	_ =	shalt  }
0x58: {  	_ =	shalt  }
0x59: {  	_ =	shalt  }
0x5a: {  	_ =	shalt  }
0x5b: {  	_ =	shalt  }
0x5c: {  	_ =	shalt  }
0x5d: {  	_ =	shalt  }
0x5e: {  	_ =	shalt  }
0x5f: {  	_ =	shalt  }
0x60: {  	_ =	shalt  }
0x61: {  	_ =	shalt  }
0x62: {  	_ =	shalt  }
0x63: {  	_ =	shalt  }
0x64: {  	_ =	shalt  }
0x65: {  	_ =	shalt  }
0x66: {  	_ =	shalt  }
0x67: {  	_ =	shalt  }
0x68: {  	_ =	shalt  }
0x69: {  	_ =	shalt  }
0x6a: {  	_ =	shalt  }
0x6b: {  	_ =	shalt  }
0x6c: {  	_ =	shalt  }
0x6d: {  	_ =	shalt  }
0x6e: {  	_ =	shalt  }
0x6f: {  	_ =	shalt  }
0x70: {  	_ =	shalt  }
0x71: {  	_ =	shalt  }
0x72: {  	_ =	shalt  }
0x73: {  	_ =	shalt  }
0x74: {  	_ =	shalt  }
0x75: {  	_ =	shalt  }
0x76: {  	_ =	shalt  }
0x77: {  	_ =	shalt  }
0x78: {  	_ =	shalt  }
0x79: {  	_ =	shalt  }
0x7a: {  	_ =	shalt  }
0x7b: {  	_ =	shalt  }
0x7c: {  	_ =	shalt  }
0x7d: {  	_ =	shalt  }
0x7e: {  	_ =	shalt  }
0x7f: {  	_ =	shalt  }
0x80: {  	_ =	shalt  }
0x81: {  	_ =	shalt  }
0x82: {  	_ =	shalt  }
0x83: {  	_ =	shalt  }
0x84: {  	_ =	shalt  }
0x85: {  	_ =	shalt  }
0x86: {  	_ =	shalt  }
0x87: {  	_ =	shalt  }
.Lfunc_end0:
.L_simem_size_0:
called_computation_lowered:
.L_overlay_start_0:
0x88: {  	s2 =	sld [smem:$0x3FD9]  }
0x89: {  	s3 =	sld [smem:$0x3FFE];
	_ =	sdelay $0x1  }
0x8a: {  	s1 =	srdreg.scid  }
0x8b: {  	s0 =	sand.u32 $0x1, s1  }
0x8c: {  	s17 =	sshll.u32 s0, $0xA;
	s2 =	sadd.s32 s3, s2  }
0x8d: {  	s2 =	sadd.s32 s2, s17  }
0x8e: {  	[smem:$0x3FBC] =	sst s2  }
0x8f: {  	_ = 	snop  }
0x90: {  	s2 =	sld [smem:$0x3FC9]  }
0x91: {  	s18 =	sld [smem:$0x3FD0];
	(tm) =	ssettm $0x1  }
0x92: {  	s4 =	sld [smem:$0x3FFB];
	_ =	sdelay $0x3  }
0x93: {  	_ =	strace s4  }
0x94: {  	s4 =	sld [smem:$0x3FFC];
	_ =	sdelay $0x3  }
0x95: {  	_ =	strace s4  }
0x96: {  	s4 =	sld [smem:$0x3FFD];
	_ =	sdelay $0x3  }
0x97: {  	_ =	strace s4  }
0x98: {  	_ =	strace $0x8FFFFFFF  }
0x99: {  	s19 =	sld [smem:$0x3FDB];
	_ =	sdelay $0x1  }
0x9a: {  	s5 =	simm.s32 $_scs_section_size  }
0x9b: {  	s6 =	simm.s32 $_size__tile_overlayer_lowered;
	s7 =	simm.s32 $_tile_overlayer_lowered  }
0x9c: {  	s22 =	simm.s32 $0x1BFF;
	s21 =	sshll.u32 s7, $0x1;
	s4 =	sadd.s32 s5, s19  }
0x9d: {  	s8 =	simm.s32 $0x0;
	s20 =	sshll.u32 s6, $0x1;
	s6 =	sadd.s32 s21, s4  }
0x9e: {  	[timem:s8], [sflag:s22] =	dma.local [hbm:s6], s20  }
0x9f: {  	_ =	swait.ge [sflag:s22], s20  }
0xa0: {  	s5 =	ssub.s32 $0x0, s20;
	[sflag:s22] =	ssyncset.done $0x0  }
0xa1: {  	[sflag:s22] =	ssyncadd.s32 s5;
	_ =	sdelay $0x1  }
0xa2: {  	s23 =	simm.s32 $0x1B8B  }
0xa3: {  	_ =	swait.ge [sflag:s23], $0x1  }
0xa4: {  	[sflag:s23] =	ssyncset.done $0x0  }
0xa5: {  	s25 =	simm.s32 $0x1B8E;
	s24 =	sld [smem:$0x3FFE];
	[sflag:s23] =	ssyncadd.s32 $0xFFFFFFFF  }
0xa6: {  	s26 =	simm.s32 $execute0_lowered;
	[smem:$0x3FD2] =	sst s25  }
0xa7: {  	s6 =	sshll.u32 s26, $0x1;
	_ =	strace $0x80000046;
	[dreg:$0x1] =	wrdreg $0xFFFFFFFF  }
0xa8: {  	s28 =	simm.s32 $_size_execute0_lowered;
	s4 =	sadd.s32 s4, s6;
	[dreg:$0x0] =	wrdreg $0x0  }
0xa9: {  	s6 =	sshll.u32 s28, $0x1;
	[dreg:$0x2] =	wrdreg s4  }
0xaa: {  	[dreg:$0x3] =	wrdreg s6  }
0xab: {  	[dreg:$0x4] =	wrdreg $0xC0  }
0xac: {  	_ =	task [dreg:s8], $0x5FFFF  }
0xad: {  	[dreg:$0x1] =	wrdreg $0xFFFFFFFF  }
0xae: {  	[dreg:$0x0] =	wrdreg $0x60  }
0xaf: {  	[dreg:$0x2] =	wrdreg s2  }
0xb0: {  	[dreg:$0x3] =	wrdreg s24  }
0xb1: {  	[dreg:$0x4] =	wrdreg s18  }
0xb2: {  	[dreg:$0x5] =	wrdreg $0x9  }
0xb3: {  	_ =	task.clear_ibuf [dreg:s8], $0x6FFFF;
	_ =	strace $0x90000046  }
0xb4: {  	s29 =	simm.s32 $0x9;
	_ =	strace $0x80000048  }
0xb5: {  	_ =	swait.ge [sflag:s29], $0x1  }
0xb6: {  	[sflag:s29] =	ssyncadd.s32 $0xFFFFFFFF  }
0xb7: {  	_ =	strace $0x90000048  }
0xb8: {  	_ =	sfence  }
0xb9: {  	s30 =	sld [smem:$0x0];
	_ =	sdelay $0x2  }
0xba: {  	s31 =	sshll.u32 s1, $0xD;
	s1 =	sshrl.u32 s1, $0x2  }
0xbb: {  	s3 =	sand.u32 $0x4000, s31;
	s1 =	sadd.s32 s1, s30  }
0xbc: {  	s0 =	sor.u32 s3, s0;
	s1 =	sshll.u32 s1, $0x11  }
0xbd: {  	s0 =	sor.u32 s1, s0  }
0xbe: {  	s0 =	sadd.s32 $0x8F2B, s0  }
0xbf: {  	[sflag:s0] =	ssyncadd.remote.s32 $0x1  }
0xc0: {  	_ =	sfence.sel $0xFFFF  }
0xc1: {  	[dreg:$0x0] =	wrdreg $0xFFFFFFFF;
	(pc) =	sbr.abs _section_cstart, $3  }
0xc2: {  	[dreg:$0x1] =	wrdreg $0xFFFFFFFF  }
0xc3: {  	_ =	task.clear_ibuf [dreg:s8], $0x2FFFF;
	_ =	strace $0x9FFFFFFF  }
0xc4: {  	(tm) =	ssettm $0x7FFFFFFF  }
0xc5: {  	_ =	shalt  }
tec
execute0_lowered:
.L_overlay_start_1:
0x0: {  	(tag) =	ssettag $0x1  }
0x1: {  	s0 =	rddreg [dreg:$0x0];
	s1 =	srdreg.scid  }
0x2: {  	s2 =	rddreg [dreg:$0x1];
	s3 =	stileid.u32  }
0x3: {  	s5 =	simm.s32 $0x0;
	s1 =	sand.u32 $0x1, s1;
	s3 =	sshll.u32 s3, $0xA  }
0x4: {  	[smem:$0x7FF] =	sst s5;
	s26 =	sadd.s32 $0x1600, s2;
	s4 =	sshll.u32 s1, $0x9  }
0x5: {  	_ =	strace $0x80000047;
	s1 =	ssub.s32 $0x2, s1;
	s3 =	sor.u32 s4, s3  }
0x6: {  	[dreg:$0x11] =	wrdreg s26;
	s28 =	sshrl.u32 s1, $0x1;
	s6 =	sshrl.u32 s3, $0x3  }
0x7: {  	s4 =	sshll.u32 s3, $0x4;
	s1 =	ssub.s32 s1, s28;
	s0 =	sadd.s32 s0, s6  }
0x8: {  	s4 =	sadd.s32 s4, s2;
	s31 =	smax.u32 s1, $0x1;
	[dreg:$0x12] =	wrdreg s0  }
0x9: {  	s2 =	sadd.s32 s3, s2;
	s29 =	sadd.s32 $0x1800, s4;
	[dreg:$0x15] =	wrdreg s31  }
0xa: {  	s9 =	simm.s32 $0x10200;
	v0 =	vlaneseq.u32;
	s30 =	sadd.s32 $0x41800, s2;
	[dreg:$0x13] =	wrdreg s29  }
0xb: {  	s11 =	simm.s32 $0x12180;
	v0 =	vmul.u32 $0x80, v0;
	s2 =	simm.s32 $0x0;
	[dreg:$0x14] =	wrdreg s30  }
.LBB2_1:
0xc: {  	[dreg:$0x16] =	wrdreg s2  }
0xd: {  	s3 =	simm.s32 $0x0;
	s0 =	rddreg [dreg:$0x12]  }
0xe: {  	[tilespmem:s3], [sflag:$0x1] =	stream.linear.gather [hbm4b:s0+s3], $0x200, $0x38;
	[tilespmem:$0x18380] =	vst v63  }
0xf: {  	s22 =	rddreg [dreg:$0x13];
	s31 =	simm.s32 $0x200  }
0x10: {  	[tilespmem:s31], [sflag:$0x2] =	stream.linear.gather [hbm4b:s22+s3], $0x10000, $0x38;
	[tilespmem:$0x18380] =	vst v63  }
0x11: {  	s23 =	rddreg [dreg:$0x2]  }
0x12: {  	[tilespmem:s9], [sflag:$0x3] =	stream.linear.gather [hbm4b:s23+s3], $0x1F80, $0x38;
	[tilespmem:$0x18380] =	vst v63  }
0x13: {  	s24 =	rddreg [dreg:$0x11];
	s25 =	simm.s32 $0x1  }
0x14: {  	[tilespmem:s11], [sflag:$0x4] =	stream.linear.gather [hbm4b:s24+s3], $0x200, $0x38;
	[tilespmem:$0x18380] =	vst v63  }
0x15: {  	_ =	swait.ge [sflag:s25], $0x200  }
0x16: {  	[sflag:s25] =	ssyncset.done $0x0  }
0x17: {  	s26 =	simm.s32 $0x2;
	[sflag:s25] =	ssyncadd.s32 $0xFFFFFE00  }
0x18: {  	_ =	swait.ge [sflag:s26], $0x10000  }
0x19: {  	[sflag:s26] =	ssyncset.done $0x0  }
0x1a: {  	s1 =	simm.s32 $0x3;
	[sflag:s26] =	ssyncadd.s32 $0xFFFF0000  }
0x1b: {  	_ =	swait.ge [sflag:s1], $0x1F80  }
0x1c: {  	[sflag:s1] =	ssyncset.done $0x0  }
0x1d: {  	s2 =	simm.s32 $0x4;
	[sflag:s1] =	ssyncadd.s32 $0xFFFFE080  }
0x1e: {  	_ =	swait.ge [sflag:s2], $0x200  }
0x1f: {  	[sflag:s2] =	ssyncset.done $0x0  }
0x20: {  	s4 =	simm.s32 $0x10;
	[sflag:s2] =	ssyncadd.s32 $0xFFFFFE00  }
0x21: {  	v1 =	vld [tilespmem:s4+$0x0];
	_ =	sdelay $0x4  }
0x22: {  	v1 =	vshll.u32 v1, $0x3;
	_ =	sdelay $0x4  }
0x23: {  	v2 =	vld.idx.msk [tilespmem:v1+s9+$0x0], $0xffff  }
0x24: {  	v3 =	vor.u32 $0x1, v1  }
0x25: {  	s29 =	sand.u32 $0xC00, s3;
	s1 =	simm.s32 $0x10  }
0x26: {  	s5 =	sor.u32 $0x12380, s29;
	s8 =	sand.u32 $0x70, s1;
	v4 =	vld [tilespmem:s4+$0xFFFFFFF0]  }
0x27: {  	s6 =	sor.u32 s8, s5  }
0x28: {  	[tilespmem:s6+$0x0] =	vst v2  }
0x29: {  	v2 =	vld.idx.msk [tilespmem:v3+s9+$0x0], $0xffff  }
0x2a: {  	v3 =	vor.u32 $0x2, v1  }
0x2b: {  	v4 =	vshll.u32 v4, $0x3;
	_ =	sdelay $0x2  }
0x2c: {  	[tilespmem:s6+$0x80] =	vst v2  }
0x2d: {  	v2 =	vld.idx.msk [tilespmem:v3+s9+$0x0], $0xffff  }
0x2e: {  	v5 =	vor.u32 $0x3, v1;
	v3 =	vld.idx.msk [tilespmem:v4+s9+$0x0], $0xffff  }
0x2f: {  	v6 =	vor.u32 $0x1, v4;
	_ =	sdelay $0x1  }
0x30: {  	s22 =	sand.u32 $0x60, s3  }
0x31: {  	s0 =	sor.u32 s22, s5;
	[tilespmem:s6+$0x100] =	vst v2  }
0x32: {  	[tilespmem:s0+$0x0] =	vst v3;
	v2 =	vld.idx.msk [tilespmem:v5+s9+$0x0], $0xffff  }
0x33: {  	v3 =	vld.idx.msk [tilespmem:v6+s9+$0x0], $0xffff;
	v5 =	vor.u32 $0x4, v1  }
0x34: {  	v6 =	vor.u32 $0x2, v4;
	_ =	sdelay $0x2  }
0x35: {  	[tilespmem:s6+$0x180] =	vst v2  }
0x36: {  	[tilespmem:s0+$0x80] =	vst v3;
	v2 =	vld.idx.msk [tilespmem:v5+s9+$0x0], $0xffff  }
0x37: {  	v3 =	vld.idx.msk [tilespmem:v6+s9+$0x0], $0xffff;
	v5 =	vor.u32 $0x5, v1  }
0x38: {  	v6 =	vor.u32 $0x3, v4;
	_ =	sdelay $0x2  }
0x39: {  	[tilespmem:s6+$0x200] =	vst v2  }
0x3a: {  	[tilespmem:s0+$0x100] =	vst v3;
	v2 =	vld.idx.msk [tilespmem:v5+s9+$0x0], $0xffff  }
0x3b: {  	v3 =	vld.idx.msk [tilespmem:v6+s9+$0x0], $0xffff;
	v5 =	vor.u32 $0x6, v1  }
0x3c: {  	v6 =	vor.u32 $0x4, v4;
	_ =	sdelay $0x2  }
0x3d: {  	[tilespmem:s6+$0x280] =	vst v2  }
0x3e: {  	s7 =	sand.u32 $0x7, s3;
	[tilespmem:s0+$0x180] =	vst v3;
	v2 =	vld.idx.msk [tilespmem:v5+s9+$0x0], $0xffff  }
0x3f: {  	s2 =	sshll.u32 s7, $0x4;
	v1 =	vor.u32 $0x7, v1;
	v3 =	vld.idx.msk [tilespmem:v6+s9+$0x0], $0xffff  }
0x40: {  	s2 =	sadd.s32 $0x0, s2;
	v5 =	vor.u32 $0x5, v4  }
0x41: {  	s2 =	sadd.s32 $0x10, s2  }
0x42: {  	s2 =	sor.u32 $0x300, s2  }
0x43: {  	[tilespmem:s2+$0x12380] =	vst v2;
	v2 =	vmov s1  }
0x44: {  	[tilespmem:s0+$0x200] =	vst v3;
	v1 =	vld.idx.msk [tilespmem:v1+s9+$0x0], $0xffff;
	v2 =	vshll.u32 v2, $0x7  }
0x45: {  	v3 =	vld.idx.msk [tilespmem:v5+s9+$0x0], $0xffff;
	v7 =	vor.u32 v0, v2  }
0x46: {  	v2 =	vor.u32 $0x6, v4  }
0x47: {  	s1 =	sor.u32 s1, s3  }
0x48: {  	s1 =	sor.u32 $0x380, s1  }
0x49: {  	[tilespmem:s1+$0x12380] =	vst v1  }
0x4a: {  	[tilespmem:s0+$0x280] =	vst v3;
	v1 =	vld.idx.msk [tilespmem:v7+s31+$0x0], $0xffff  }
0x4b: {  	v2 =	vld.idx.msk [tilespmem:v2+s9+$0x0], $0xffff  }
0x4c: {  	s10 =	sand.u32 $0x3, s3;
	v3 =	vor.u32 $0x7, v4  }
0x4d: {  	s0 =	sshll.u32 s10, $0x5  }
0x4e: {  	s0 =	sadd.s32 $0x0, s0  }
0x4f: {  	s0 =	sor.u32 $0x300, s0;
	v1 =	vshll.u32 v1, $0x2  }
0x50: {  	v4 =	vmov s3;
	[tilespmem:s0+$0x12380] =	vst v2  }
0x51: {  	v2 =	vshll.u32 v4, $0x7;
	v4 =	vld.idx.msk [tilespmem:v3+s9+$0x0], $0xffff  }
0x52: {  	v3 =	vor.u32 v0, v2;
	_ =	sdelay $0x1  }
0x53: {  	s12 =	sor.u32 s3, s3;
	v2 =	vld.idx.msk [tilespmem:v1+s11+$0x0], $0xffff  }
0x54: {  	s0 =	sor.u32 $0x380, s12;
	v5 =	vor.u32 $0x1, v1  }
0x55: {  	[tilespmem:s0+$0x12380] =	vst v4  }
0x56: {  	s13 =	sor.u32 $0x13380, s29;
	v4 =	vld.idx.msk [tilespmem:v3+s31+$0x0], $0xffff  }
0x57: {  	s14 =	sor.u32 s8, s13  }
0x58: {  	[tilespmem:s14+$0x0] =	vst v2  }
0x59: {  	v2 =	vld.idx.msk [tilespmem:v5+s11+$0x0], $0xffff  }
0x5a: {  	v5 =	vor.u32 $0x2, v1  }
0x5b: {  	v4 =	vshll.u32 v4, $0x2  }
0x5c: {  	s15 =	sadd.s32 $0x13400, s29  }
0x5d: {  	s16 =	sor.u32 s8, s15  }
0x5e: {  	[tilespmem:s16+$0x0] =	vst v2  }
0x5f: {  	v2 =	vld.idx.msk [tilespmem:v5+s11+$0x0], $0xffff  }
0x60: {  	v1 =	vor.u32 $0x3, v1;
	v5 =	vld.idx.msk [tilespmem:v4+s11+$0x0], $0xffff  }
0x61: {  	v6 =	vor.u32 $0x1, v4  }
0x62: {  	s17 =	sadd.s32 $0x13480, s29  }
0x63: {  	s18 =	sor.u32 s8, s17  }
0x64: {  	s0 =	sor.u32 s22, s13;
	[tilespmem:s18+$0x0] =	vst v2  }
0x65: {  	[tilespmem:s0+$0x0] =	vst v5;
	v1 =	vld.idx.msk [tilespmem:v1+s11+$0x0], $0xffff  }
0x66: {  	v5 =	vor.u32 $0x1, v7;
	v2 =	vld.idx.msk [tilespmem:v6+s11+$0x0], $0xffff  }
0x67: {  	v6 =	vor.u32 $0x2, v4  }
0x68: {  	s19 =	sadd.s32 $0x13500, s29  }
0x69: {  	s20 =	sor.u32 s8, s19;
	s4 =	simm.s32 $0x30  }
0x6a: {  	v8 =	vld [tilespmem:s4+$0x0];
	s1 =	sor.u32 s22, s15;
	[tilespmem:s20+$0x0] =	vst v1  }
0x6b: {  	[tilespmem:s1+$0x0] =	vst v2;
	v1 =	vld.idx.msk [tilespmem:v5+s31+$0x0], $0xffff  }
0x6c: {  	v2 =	vld.idx.msk [tilespmem:v6+s11+$0x0], $0xffff  }
0x6d: {  	v4 =	vor.u32 $0x3, v4;
	_ =	sdelay $0x1  }
0x6e: {  	v5 =	vld [tilespmem:s4+$0xFFFFFFF0];
	v6 =	vshll.u32 v8, $0x3  }
0x6f: {  	s21 =	sor.u32 s22, s17;
	v1 =	vshll.u32 v1, $0x2  }
0x70: {  	[tilespmem:s21+$0x0] =	vst v2;
	v2 =	vadd.s32 $0x2C, v1  }
0x71: {  	v4 =	vld.idx.msk [tilespmem:v4+s11+$0x0], $0xffff  }
0x72: {  	v8 =	vor.u32 $0x1, v3  }
0x73: {  	v5 =	vshll.u32 v5, $0x3;
	v9 =	vld.idx.msk [tilespmem:v6+s9+$0x0], $0xffff  }
0x74: {  	s1 =	simm.s32 $0x100;
	v10 =	vor.u32 $0x1, v6  }
0x75: {  	s0 =	sor.u32 s22, s19;
	s17 =	sand.u32 $0xC00, s1;
	s4 =	simm.s32 $0x30;
	v2 =	vld.idx.msk [tilespmem:v2+s11+$0x0], $0xffff  }
0x76: {  	s23 =	sor.u32 $0x12380, s17;
	s21 =	sand.u32 $0x70, s4;
	[tilespmem:s0+$0x0] =	vst v4;
	v4 =	vadd.s32 $0x2D, v1  }
0x77: {  	s5 =	sor.u32 s21, s23;
	v8 =	vld.idx.msk [tilespmem:v8+s31+$0x0], $0xffff  }
0x78: {  	s24 =	sadd.s32 $0x13580, s29;
	v11 =	vld.idx.msk [tilespmem:v5+s9+$0x0], $0xffff;
	[tilespmem:s5+$0x0] =	vst v9  }
0x79: {  	s6 =	sor.u32 s8, s24;
	v9 =	vor.u32 $0x1, v5;
	v10 =	vld.idx.msk [tilespmem:v10+s9+$0x0], $0xffff  }
0x7a: {  	s3 =	simm.s32 $0x20;
	[tilespmem:s6+$0x0] =	vst v2;
	v2 =	vor.u32 $0x2, v6  }
0x7b: {  	s16 =	sand.u32 $0x60, s3;
	v4 =	vld.idx.msk [tilespmem:v4+s11+$0x0], $0xffff  }
0x7c: {  	v12 =	vadd.s32 $0x2E, v1;
	s0 =	sor.u32 s16, s23;
	v8 =	vshll.u32 v8, $0x2  }
0x7d: {  	[tilespmem:s0+$0x0] =	vst v11;
	v13 =	vadd.s32 $0x2C, v8  }
0x7e: {  	s25 =	sadd.s32 $0x13600, s29;
	v9 =	vld.idx.msk [tilespmem:v9+s9+$0x0], $0xffff;
	[tilespmem:s5+$0x80] =	vst v10  }
0x7f: {  	s7 =	sor.u32 s8, s25;
	v10 =	vor.u32 $0x2, v5;
	v2 =	vld.idx.msk [tilespmem:v2+s9+$0x0], $0xffff  }
0x80: {  	[tilespmem:s7+$0x0] =	vst v4;
	v4 =	vor.u32 $0x3, v6  }
0x81: {  	v11 =	vld.idx.msk [tilespmem:v12+s11+$0x0], $0xffff  }
0x82: {  	v1 =	vadd.s32 $0x2F, v1;
	v12 =	vld.idx.msk [tilespmem:v13+s11+$0x0], $0xffff  }
0x83: {  	[tilespmem:s0+$0x80] =	vst v9;
	v13 =	vadd.s32 $0x2D, v8  }
0x84: {  	s26 =	sadd.s32 $0x13680, s29;
	s19 =	simm.s32 $0x10200;
	v9 =	vld.idx.msk [tilespmem:v10+s9+$0x0], $0xffff;
	[tilespmem:s5+$0x100] =	vst v2  }
0x85: {  	s10 =	sor.u32 s8, s26;
	v2 =	vor.u32 $0x3, v5;
	v4 =	vld.idx.msk [tilespmem:v4+s19+$0x0], $0xffff  }
0x86: {  	s2 =	sor.u32 s22, s24;
	v10 =	vor.u32 $0x4, v6;
	[tilespmem:s10+$0x0] =	vst v11  }
0x87: {  	[tilespmem:s2+$0x0] =	vst v12;
	v1 =	vld.idx.msk [tilespmem:v1+s11+$0x0], $0xffff  }
0x88: {  	v12 =	vor.u32 $0x2, v7;
	v11 =	vld.idx.msk [tilespmem:v13+s11+$0x0], $0xffff  }
0x89: {  	[tilespmem:s0+$0x100] =	vst v9;
	v13 =	vadd.s32 $0x2E, v8  }
0x8a: {  	s12 =	sadd.s32 $0x13700, s29;
	v2 =	vld.idx.msk [tilespmem:v2+s19+$0x0], $0xffff;
	[tilespmem:s5+$0x180] =	vst v4  }
0x8b: {  	s13 =	sor.u32 s8, s12;
	v4 =	vor.u32 $0x4, v5;
	v9 =	vld.idx.msk [tilespmem:v10+s19+$0x0], $0xffff  }
0x8c: {  	s6 =	sor.u32 s22, s25;
	[tilespmem:s13+$0x0] =	vst v1;
	v1 =	vor.u32 $0x5, v6  }
0x8d: {  	[tilespmem:s6+$0x0] =	vst v11;
	v10 =	vld.idx.msk [tilespmem:v12+s31+$0x0], $0xffff  }
0x8e: {  	v11 =	vld.idx.msk [tilespmem:v13+s11+$0x0], $0xffff  }
0x8f: {  	v8 =	vadd.s32 $0x2F, v8;
	[tilespmem:s0+$0x180] =	vst v2  }
0x90: {  	v2 =	vld.idx.msk [tilespmem:v4+s19+$0x0], $0xffff;
	[tilespmem:s5+$0x200] =	vst v9  }
0x91: {  	v4 =	vor.u32 $0x5, v5;
	v1 =	vld.idx.msk [tilespmem:v1+s19+$0x0], $0xffff  }
0x92: {  	s14 =	sor.u32 s22, s26;
	v9 =	vor.u32 $0x6, v6;
	v10 =	vshll.u32 v10, $0x2  }
0x93: {  	[tilespmem:s14+$0x0] =	vst v11;
	v11 =	vadd.s32 $0x58, v10  }
0x94: {  	v8 =	vld.idx.msk [tilespmem:v8+s11+$0x0], $0xffff  }
0x95: {  	v12 =	vor.u32 $0x2, v3;
	[tilespmem:s0+$0x200] =	vst v2  }
0x96: {  	s15 =	simm.s32 $0x2;
	v2 =	vld.idx.msk [tilespmem:v4+s19+$0x0], $0xffff;
	[tilespmem:s5+$0x280] =	vst v1  }
0x97: {  	v1 =	vor.u32 $0x6, v5;
	s5 =	sand.u32 $0x7, s15;
	v4 =	vld.idx.msk [tilespmem:v9+s19+$0x0], $0xffff  }
0x98: {  	s2 =	sor.u32 s22, s12;
	v6 =	vor.u32 $0x7, v6;
	s5 =	sshll.u32 s5, $0x4;
	v9 =	vld.idx.msk [tilespmem:v11+s11+$0x0], $0xffff  }
0x99: {  	[tilespmem:s2+$0x0] =	vst v8;
	s18 =	sadd.s32 $0x100, s5;
	v8 =	vadd.s32 $0x59, v10  }
0x9a: {  	v11 =	vld.idx.msk [tilespmem:v12+s31+$0x0], $0xffff;
	s2 =	sadd.s32 $0x10, s18  }
0x9b: {  	s23 =	sor.u32 $0x14380, s29;
	[tilespmem:s0+$0x280] =	vst v2;
	s20 =	sor.u32 $0x300, s2  }
0x9c: {  	s24 =	simm.s32 $0x1;
	s25 =	sor.u32 s8, s23;
	v2 =	vmov s4;
	v1 =	vld.idx.msk [tilespmem:v1+s19+$0x0], $0xffff;
	[tilespmem:s20+$0x12380] =	vst v4  }
0x9d: {  	s5 =	sand.u32 $0x3, s24;
	v2 =	vshll.u32 v2, $0x7;
	v4 =	vor.u32 $0x7, v5;
	v6 =	vld.idx.msk [tilespmem:v6+s19+$0x0], $0xffff;
	[tilespmem:s25+$0x0] =	vst v9  }
0x9e: {  	s26 =	sshll.u32 s5, $0x5;
	v5 =	vor.u32 v0, v2;
	v2 =	vld.idx.msk [tilespmem:v8+s11+$0x0], $0xffff  }
0x9f: {  	s0 =	sadd.s32 $0x100, s26;
	v9 =	vadd.s32 $0x5A, v10;
	v8 =	vshll.u32 v11, $0x2  }
0xa0: {  	s4 =	sor.u32 s4, s1;
	s0 =	sor.u32 $0x300, s0;
	v11 =	vadd.s32 $0x58, v8  }
0xa1: {  	v12 =	vmov s3;
	s5 =	sadd.s32 $0x14400, s29;
	s4 =	sor.u32 $0x380, s4;
	[tilespmem:s0+$0x12380] =	vst v1  }
0xa2: {  	s6 =	sor.u32 s8, s5;
	v1 =	vshll.u32 v12, $0x7;
	v12 =	vld.idx.msk [tilespmem:v4+s19+$0x0], $0xffff;
	[tilespmem:s4+$0x12380] =	vst v6  }
0xa3: {  	v4 =	vor.u32 v0, v1;
	v1 =	vld.idx.msk [tilespmem:v5+s31+$0x0], $0xffff;
	[tilespmem:s6+$0x0] =	vst v2  }
0xa4: {  	v2 =	vld.idx.msk [tilespmem:v9+s11+$0x0], $0xffff  }
0xa5: {  	v6 =	vld.idx.msk [tilespmem:v11+s11+$0x0], $0xffff;
	v9 =	vadd.s32 $0x5B, v10  }
0xa6: {  	s7 =	sor.u32 s3, s1;
	v10 =	vadd.s32 $0x59, v8  }
0xa7: {  	s9 =	sadd.s32 $0x14480, s29;
	s0 =	sor.u32 $0x380, s7  }
0xa8: {  	s10 =	sor.u32 s8, s9;
	[tilespmem:s0+$0x12380] =	vst v12  }
0xa9: {  	s2 =	sor.u32 s22, s23;
	v11 =	vld.idx.msk [tilespmem:v4+s31+$0x0], $0xffff;
	v1 =	vshll.u32 v1, $0x2;
	[tilespmem:s10+$0x0] =	vst v2  }
0xaa: {  	[tilespmem:s2+$0x0] =	vst v6;
	v2 =	vld.idx.msk [tilespmem:v9+s11+$0x0], $0xffff  }
0xab: {  	v6 =	vld.idx.msk [tilespmem:v10+s11+$0x0], $0xffff;
	v9 =	vor.u32 $0x3, v7  }
0xac: {  	v10 =	vadd.s32 $0x5A, v8  }
0xad: {  	s12 =	sadd.s32 $0x14500, s29  }
0xae: {  	s13 =	sor.u32 s8, s12;
	v11 =	vshll.u32 v11, $0x2;
	v12 =	vld.idx.msk [tilespmem:v1+s11+$0x0], $0xffff  }
0xaf: {  	s14 =	sor.u32 s22, s5;
	v13 =	vor.u32 $0x1, v1;
	[tilespmem:s13+$0x0] =	vst v2  }
0xb0: {  	[tilespmem:s14+$0x0] =	vst v6;
	v2 =	vld.idx.msk [tilespmem:v9+s31+$0x0], $0xffff  }
0xb1: {  	s15 =	sor.u32 $0x13380, s17;
	v6 =	vld.idx.msk [tilespmem:v10+s11+$0x0], $0xffff  }
0xb2: {  	s18 =	sor.u32 s21, s15;
	v8 =	vadd.s32 $0x5B, v8  }
0xb3: {  	v9 =	vld.idx.msk [tilespmem:v11+s11+$0x0], $0xffff;
	[tilespmem:s18+$0x0] =	vst v12  }
0xb4: {  	v10 =	vor.u32 $0x1, v11;
	v12 =	vld.idx.msk [tilespmem:v13+s11+$0x0], $0xffff  }
0xb5: {  	s0 =	sor.u32 s22, s9;
	v13 =	vor.u32 $0x2, v1;
	v2 =	vshll.u32 v2, $0x2  }
0xb6: {  	[tilespmem:s0+$0x0] =	vst v6;
	v6 =	vadd.s32 $0x84, v2  }
0xb7: {  	s20 =	sadd.s32 $0x13400, s17;
	s2 =	sor.u32 s16, s15;
	v8 =	vld.idx.msk [tilespmem:v8+s11+$0x0], $0xffff  }
0xb8: {  	s23 =	sor.u32 s21, s20;
	[tilespmem:s2+$0x0] =	vst v9  }
0xb9: {  	v9 =	vor.u32 $0x3, v3;
	v10 =	vld.idx.msk [tilespmem:v10+s11+$0x0], $0xffff;
	[tilespmem:s23+$0x0] =	vst v12  }
0xba: {  	v14 =	vor.u32 $0x2, v11;
	v12 =	vld.idx.msk [tilespmem:v13+s11+$0x0], $0xffff  }
0xbb: {  	s1 =	sor.u32 s22, s12;
	v1 =	vor.u32 $0x3, v1;
	v6 =	vld.idx.msk [tilespmem:v6+s11+$0x0], $0xffff  }
0xbc: {  	[tilespmem:s1+$0x0] =	vst v8;
	v8 =	vadd.s32 $0x85, v2  }
0xbd: {  	s24 =	sadd.s32 $0x13480, s17;
	s0 =	sor.u32 s16, s20  }
0xbe: {  	s26 =	sadd.s32 $0x14580, s29;
	s25 =	sor.u32 s21, s24;
	v9 =	vld.idx.msk [tilespmem:v9+s31+$0x0], $0xffff;
	[tilespmem:s0+$0x0] =	vst v10  }
0xbf: {  	s4 =	sor.u32 s8, s26;
	v10 =	vld.idx.msk [tilespmem:v14+s11+$0x0], $0xffff;
	[tilespmem:s25+$0x0] =	vst v12  }
0xc0: {  	v11 =	vor.u32 $0x3, v11;
	v1 =	vld.idx.msk [tilespmem:v1+s11+$0x0], $0xffff;
	[tilespmem:s4+$0x0] =	vst v6  }
0xc1: {  	v6 =	vor.u32 $0x1, v5;
	v8 =	vld.idx.msk [tilespmem:v8+s11+$0x0], $0xffff  }
0xc2: {  	v12 =	vadd.s32 $0x86, v2  }
0xc3: {  	s5 =	sadd.s32 $0x13500, s17;
	s7 =	simm.s32 $0x50;
	s0 =	sor.u32 s16, s24;
	v9 =	vshll.u32 v9, $0x2  }
0xc4: {  	s6 =	sor.u32 s21, s5;
	s9 =	sadd.s32 $0x14600, s29;
	v13 =	vld [tilespmem:s7+$0x0];
	[tilespmem:s0+$0x0] =	vst v10;
	v10 =	vadd.s32 $0x84, v9  }
0xc5: {  	s10 =	sor.u32 s8, s9;
	v11 =	vld.idx.msk [tilespmem:v11+s11+$0x0], $0xffff;
	[tilespmem:s6+$0x0] =	vst v1  }
0xc6: {  	v1 =	vld.idx.msk [tilespmem:v6+s31+$0x0], $0xffff;
	[tilespmem:s10+$0x0] =	vst v8  }
0xc7: {  	v6 =	vld.idx.msk [tilespmem:v12+s11+$0x0], $0xffff  }
0xc8: {  	v8 =	vld [tilespmem:s7+$0xFFFFFFF0];
	v12 =	vadd.s32 $0x87, v2  }
0xc9: {  	v14 =	vor.u32 $0x1, v4;
	v10 =	vld.idx.msk [tilespmem:v10+s11+$0x0], $0xffff  }
0xca: {  	v15 =	vadd.s32 $0x85, v9;
	s7 =	sadd.s32 $0x14680, s29  }
0xcb: {  	v2 =	vshll.u32 v13, $0x3;
	s12 =	sor.u32 s8, s7;
	v13 =	vshll.u32 v1, $0x2  }
0xcc: {  	s0 =	sor.u32 s16, s5;
	v16 =	vadd.s32 $0x2C, v13;
	[tilespmem:s12+$0x0] =	vst v6  }
0xcd: {  	s13 =	sor.u32 s22, s26;
	[tilespmem:s0+$0x0] =	vst v11;
	v1 =	vshll.u32 v8, $0x3;
	v6 =	vld.idx.msk [tilespmem:v12+s11+$0x0], $0xffff  }
0xce: {  	v8 =	vld.idx.msk [tilespmem:v14+s31+$0x0], $0xffff;
	[tilespmem:s13+$0x0] =	vst v10;
	v10 =	vor.u32 $0x4, v7  }
0xcf: {  	v11 =	vld.idx.msk [tilespmem:v15+s11+$0x0], $0xffff  }
0xd0: {  	s14 =	sadd.s32 $0x14700, s29;
	v14 =	vld.idx.msk [tilespmem:v2+s19+$0x0], $0xffff;
	v12 =	vadd.s32 $0x86, v9  }
0xd1: {  	s15 =	sor.u32 s8, s14;
	s1 =	simm.s32 $0x200;
	v15 =	vld.idx.msk [tilespmem:v16+s11+$0x0], $0xffff;
	v16 =	vor.u32 $0x1, v2  }
0xd2: {  	s3 =	simm.s32 $0x50;
	s25 =	sand.u32 $0xC00, s1;
	v18 =	vadd.s32 $0x2D, v13;
	v17 =	vld.idx.msk [tilespmem:v1+s19+$0x0], $0xffff;
	[tilespmem:s15+$0x0] =	vst v6  }
0xd3: {  	s18 =	sor.u32 s22, s9;
	s24 =	sand.u32 $0x70, s3;
	s20 =	sor.u32 $0x12380, s25;
	v6 =	vld.idx.msk [tilespmem:v10+s31+$0x0], $0xffff  }
0xd4: {  	s23 =	sadd.s32 $0x13580, s17;
	s6 =	sor.u32 s24, s20;
	v8 =	vshll.u32 v8, $0x2;
	[tilespmem:s18+$0x0] =	vst v11;
	v10 =	vor.u32 $0x1, v1  }
0xd5: {  	s4 =	simm.s32 $0x40;
	s10 =	sor.u32 s21, s23;
	[tilespmem:s6+$0x0] =	vst v14;
	v11 =	vadd.s32 $0x2C, v8;
	v12 =	vld.idx.msk [tilespmem:v12+s11+$0x0], $0xffff  }
0xd6: {  	s26 =	sand.u32 $0x60, s4;
	v9 =	vadd.s32 $0x87, v9;
	v14 =	vld.idx.msk [tilespmem:v16+s19+$0x0], $0xffff;
	[tilespmem:s10+$0x0] =	vst v15  }
0xd7: {  	s5 =	sor.u32 s26, s20;
	v16 =	vor.u32 $0x2, v2;
	v15 =	vld.idx.msk [tilespmem:v18+s11+$0x0], $0xffff  }
0xd8: {  	[tilespmem:s5+$0x0] =	vst v17;
	v17 =	vadd.s32 $0x2E, v13;
	v6 =	vshll.u32 v6, $0x2  }
0xd9: {  	s7 =	sor.u32 s22, s7;
	v10 =	vld.idx.msk [tilespmem:v10+s19+$0x0], $0xffff;
	v18 =	vadd.s32 $0xB0, v6  }
0xda: {  	v19 =	vor.u32 $0x2, v1;
	s12 =	sadd.s32 $0x13600, s17;
	v11 =	vld.idx.msk [tilespmem:v11+s11+$0x0], $0xffff;
	[tilespmem:s7+$0x0] =	vst v12  }
0xdb: {  	s13 =	sor.u32 s21, s12;
	v12 =	vadd.s32 $0x2D, v8;
	v9 =	vld.idx.msk [tilespmem:v9+s11+$0x0], $0xffff;
	[tilespmem:s6+$0x80] =	vst v14  }
0xdc: {  	v14 =	vor.u32 $0x4, v3;
	v16 =	vld.idx.msk [tilespmem:v16+s19+$0x0], $0xffff;
	[tilespmem:s13+$0x0] =	vst v15  }
0xdd: {  	v15 =	vld.idx.msk [tilespmem:v17+s11+$0x0], $0xffff;
	v17 =	vor.u32 $0x3, v2  }
0xde: {  	s2 =	sor.u32 s16, s23;
	[tilespmem:s5+$0x80] =	vst v10;
	v10 =	vadd.s32 $0x2F, v13;
	v13 =	vld.idx.msk [tilespmem:v18+s11+$0x0], $0xffff  }
0xdf: {  	s0 =	sor.u32 s22, s14;
	v18 =	vld.idx.msk [tilespmem:v19+s19+$0x0], $0xffff;
	[tilespmem:s2+$0x0] =	vst v11;
	v11 =	vadd.s32 $0xB1, v6  }
0xe0: {  	s14 =	sadd.s32 $0x13680, s17;
	v19 =	vor.u32 $0x3, v1;
	[tilespmem:s0+$0x0] =	vst v9;
	v9 =	vld.idx.msk [tilespmem:v12+s11+$0x0], $0xffff  }
0xe1: {  	s9 =	sor.u32 $0x15380, s29;
	s15 =	sor.u32 s21, s14;
	v12 =	vadd.s32 $0x2E, v8;
	v14 =	vld.idx.msk [tilespmem:v14+s31+$0x0], $0xffff;
	[tilespmem:s6+$0x100] =	vst v16  }
0xe2: {  	s18 =	sor.u32 s8, s9;
	v16 =	vld.idx.msk [tilespmem:v17+s19+$0x0], $0xffff;
	[tilespmem:s15+$0x0] =	vst v15  }
0xe3: {  	v15 =	vor.u32 $0x4, v2;
	v10 =	vld.idx.msk [tilespmem:v10+s11+$0x0], $0xffff;
	[tilespmem:s18+$0x0] =	vst v13  }
0xe4: {  	s20 =	sor.u32 s16, s12;
	[tilespmem:s5+$0x100] =	vst v18;
	v13 =	vor.u32 $0x2, v5;
	v11 =	vld.idx.msk [tilespmem:v11+s11+$0x0], $0xffff  }
0xe5: {  	v17 =	vld.idx.msk [tilespmem:v19+s19+$0x0], $0xffff;
	[tilespmem:s20+$0x0] =	vst v9;
	v9 =	vadd.s32 $0xB2, v6  }
0xe6: {  	s23 =	sadd.s32 $0x13700, s17;
	v18 =	vor.u32 $0x4, v1;
	v12 =	vld.idx.msk [tilespmem:v12+s11+$0x0], $0xffff  }
0xe7: {  	s12 =	sor.u32 s21, s23;
	s10 =	sadd.s32 $0x15400, s29;
	v8 =	vadd.s32 $0x2F, v8;
	v14 =	vshll.u32 v14, $0x2;
	[tilespmem:s6+$0x180] =	vst v16  }
0xe8: {  	s13 =	sor.u32 s8, s10;
	v16 =	vadd.s32 $0xB0, v14;
	v15 =	vld.idx.msk [tilespmem:v15+s19+$0x0], $0xffff;
	[tilespmem:s12+$0x0] =	vst v10  }
0xe9: {  	v10 =	vld.idx.msk [tilespmem:v13+s31+$0x0], $0xffff;
	v13 =	vor.u32 $0x5, v2;
	[tilespmem:s13+$0x0] =	vst v11  }
0xea: {  	s0 =	sor.u32 s16, s14;
	[tilespmem:s5+$0x180] =	vst v17;
	v9 =	vld.idx.msk [tilespmem:v9+s11+$0x0], $0xffff  }
0xeb: {  	v6 =	vadd.s32 $0xB3, v6;
	v11 =	vld.idx.msk [tilespmem:v18+s19+$0x0], $0xffff;
	[tilespmem:s0+$0x0] =	vst v12  }
0xec: {  	v12 =	vor.u32 $0x5, v1;
	v8 =	vld.idx.msk [tilespmem:v8+s11+$0x0], $0xffff  }
0xed: {  	s2 =	sadd.s32 $0x15480, s29;
	v17 =	vor.u32 $0x2, v4;
	[tilespmem:s6+$0x200] =	vst v15;
	v15 =	vld.idx.msk [tilespmem:v16+s11+$0x0], $0xffff  }
0xee: {  	s14 =	sor.u32 s8, s2;
	v16 =	vadd.s32 $0xB1, v14;
	v13 =	vld.idx.msk [tilespmem:v13+s19+$0x0], $0xffff  }
0xef: {  	v18 =	vor.u32 $0x6, v2;
	v10 =	vshll.u32 v10, $0x2;
	[tilespmem:s14+$0x0] =	vst v9  }
0xf0: {  	s15 =	sor.u32 s16, s23;
	[tilespmem:s5+$0x200] =	vst v11;
	v9 =	vadd.s32 $0x58, v10;
	v6 =	vld.idx.msk [tilespmem:v6+s11+$0x0], $0xffff  }
0xf1: {  	s18 =	sor.u32 s22, s9;
	v11 =	vld.idx.msk [tilespmem:v12+s19+$0x0], $0xffff;
	[tilespmem:s15+$0x0] =	vst v8;
	v8 =	vor.u32 $0x5, v7  }
0xf2: {  	v12 =	vor.u32 $0x6, v1;
	v17 =	vld.idx.msk [tilespmem:v17+s31+$0x0], $0xffff;
	[tilespmem:s18+$0x0] =	vst v15  }
0xf3: {  	s20 =	simm.s32 $0x4;
	s0 =	sadd.s32 $0x15500, s29;
	[tilespmem:s6+$0x280] =	vst v13;
	v13 =	vld.idx.msk [tilespmem:v16+s11+$0x0], $0xffff  }
0xf4: {  	s23 =	sor.u32 s8, s0;
	v15 =	vadd.s32 $0xB2, v14;
	s6 =	sand.u32 $0x7, s20;
	v16 =	vld.idx.msk [tilespmem:v18+s19+$0x0], $0xffff  }
0xf5: {  	v2 =	vor.u32 $0x7, v2;
	s6 =	sshll.u32 s6, $0x4;
	v9 =	vld.idx.msk [tilespmem:v9+s11+$0x0], $0xffff;
	[tilespmem:s23+$0x0] =	vst v6  }
0xf6: {  	s6 =	sadd.s32 $0x200, s6;
	[tilespmem:s5+$0x280] =	vst v11;
	v6 =	vld.idx.msk [tilespmem:v8+s31+$0x0], $0xffff  }
0xf7: {  	s9 =	simm.s32 $0x2;
	s12 =	sor.u32 s22, s10;
	s6 =	sadd.s32 $0x10, s6;
	v11 =	vadd.s32 $0x59, v10;
	v8 =	vld.idx.msk [tilespmem:v12+s19+$0x0], $0xffff  }
0xf8: {  	s5 =	sand.u32 $0x3, s9;
	v12 =	vor.u32 $0x7, v1;
	v17 =	vshll.u32 v17, $0x2;
	s6 =	sor.u32 $0x300, s6;
	[tilespmem:s12+$0x0] =	vst v13  }
0xf9: {  	s13 =	sor.u32 $0x14380, s17;
	s5 =	sshll.u32 s5, $0x5;
	v1 =	vmov s3;
	v13 =	vadd.s32 $0x58, v17;
	[tilespmem:s6+$0x12380] =	vst v16;
	v15 =	vld.idx.msk [tilespmem:v15+s11+$0x0], $0xffff  }
0xfa: {  	s14 =	sor.u32 s21, s13;
	v14 =	vadd.s32 $0xB3, v14;
	s5 =	sadd.s32 $0x200, s5;
	v1 =	vshll.u32 v1, $0x7;
	v2 =	vld.idx.msk [tilespmem:v2+s19+$0x0], $0xffff  }
0xfb: {  	s5 =	sor.u32 $0x300, s5;
	v1 =	vor.u32 v0, v1;
	[tilespmem:s14+$0x0] =	vst v9;
	v9 =	vshll.u32 v6, $0x2  }
0xfc: {  	v6 =	vmov s4;
	[tilespmem:s5+$0x12380] =	vst v8;
	v8 =	vld.idx.msk [tilespmem:v11+s11+$0x0], $0xffff;
	v11 =	vadd.s32 $0xDC, v9  }
0xfd: {  	s2 =	sor.u32 s22, s2;
	s3 =	sor.u32 s3, s1;
	v16 =	vadd.s32 $0x5A, v10;
	v6 =	vshll.u32 v6, $0x7;
	v12 =	vld.idx.msk [tilespmem:v12+s19+$0x0], $0xffff  }
0xfe: {  	s3 =	sor.u32 $0x380, s3;
	v13 =	vld.idx.msk [tilespmem:v13+s11+$0x0], $0xffff;
	v6 =	vor.u32 v0, v6;
	[tilespmem:s2+$0x0] =	vst v15  }
0xff: {  	s15 =	sadd.s32 $0x14400, s17;
	v15 =	vadd.s32 $0x59, v17;
	[tilespmem:s3+$0x12380] =	vst v2;
	v2 =	vld.idx.msk [tilespmem:v14+s11+$0x0], $0xffff  }
0x100: {  	s18 =	sor.u32 s21, s15;
	s1 =	sor.u32 s4, s1;
	v14 =	vor.u32 $0x5, v3;
	v18 =	vld.idx.msk [tilespmem:v1+s31+$0x0], $0xffff  }
0x101: {  	s1 =	sor.u32 $0x380, s1;
	[tilespmem:s18+$0x0] =	vst v8;
	v11 =	vld.idx.msk [tilespmem:v11+s11+$0x0], $0xffff  }
0x102: {  	s20 =	sor.u32 s16, s13;
	[tilespmem:s1+$0x12380] =	vst v12;
	v8 =	vld.idx.msk [tilespmem:v16+s11+$0x0], $0xffff;
	v12 =	vadd.s32 $0xDD, v9  }
0x103: {  	s0 =	sor.u32 s22, s0;
	v10 =	vadd.s32 $0x5B, v10;
	[tilespmem:s20+$0x0] =	vst v13;
	v16 =	vld.idx.msk [tilespmem:v6+s31+$0x0], $0xffff  }
0x104: {  	s23 =	sadd.s32 $0x15580, s29;
	v13 =	vld.idx.msk [tilespmem:v15+s11+$0x0], $0xffff;
	[tilespmem:s0+$0x0] =	vst v2  }
0x105: {  	s7 =	sor.u32 s8, s23;
	s6 =	sadd.s32 $0x14480, s17;
	v2 =	vld.idx.msk [tilespmem:v14+s31+$0x0], $0xffff  }
0x106: {  	s9 =	sor.u32 s21, s6;
	v14 =	vadd.s32 $0x5A, v17;
	[tilespmem:s7+$0x0] =	vst v11  }
0x107: {  	v11 =	vshll.u32 v18, $0x2;
	[tilespmem:s9+$0x0] =	vst v8;
	v8 =	vld.idx.msk [tilespmem:v12+s11+$0x0], $0xffff  }
0x108: {  	v10 =	vld.idx.msk [tilespmem:v10+s11+$0x0], $0xffff;
	v12 =	vadd.s32 $0xDE, v9  }
0x109: {  	s10 =	sor.u32 s16, s15;
	v15 =	vor.u32 $0x3, v5  }
0x10a: {  	s1 =	sadd.s32 $0x15600, s29;
	v16 =	vshll.u32 v16, $0x2;
	[tilespmem:s10+$0x0] =	vst v13;
	v2 =	vshll.u32 v2, $0x2  }
0x10b: {  	s12 =	sadd.s32 $0x14500, s17;
	s13 =	sor.u32 s8, s1;
	v13 =	vld.idx.msk [tilespmem:v14+s11+$0x0], $0xffff;
	v14 =	vadd.s32 $0xDC, v2  }
0x10c: {  	s14 =	sor.u32 s21, s12;
	v17 =	vadd.s32 $0x5B, v17;
	v18 =	vld.idx.msk [tilespmem:v11+s11+$0x0], $0xffff;
	[tilespmem:s13+$0x0] =	vst v8  }
0x10d: {  	v8 =	vor.u32 $0x1, v11;
	[tilespmem:s14+$0x0] =	vst v10;
	v10 =	vld.idx.msk [tilespmem:v12+s11+$0x0], $0xffff  }
0x10e: {  	v12 =	vld.idx.msk [tilespmem:v15+s31+$0x0], $0xffff  }
0x10f: {  	s15 =	sor.u32 $0x13380, s25;
	s0 =	sor.u32 s16, s6;
	v15 =	vld.idx.msk [tilespmem:v16+s11+$0x0], $0xffff  }
0x110: {  	s18 =	sor.u32 s24, s15;
	v9 =	vadd.s32 $0xDF, v9;
	[tilespmem:s0+$0x0] =	vst v13;
	v13 =	vld.idx.msk [tilespmem:v14+s11+$0x0], $0xffff  }
0x111: {  	v19 =	vor.u32 $0x1, v16;
	s0 =	sadd.s32 $0x15680, s29;
	v17 =	vld.idx.msk [tilespmem:v17+s11+$0x0], $0xffff;
	[tilespmem:s18+$0x0] =	vst v18  }
0x112: {  	s20 =	sor.u32 s8, s0;
	v18 =	vor.u32 $0x3, v4;
	v8 =	vld.idx.msk [tilespmem:v8+s11+$0x0], $0xffff  }
0x113: {  	s4 =	sor.u32 s26, s15;
	v20 =	vor.u32 $0x2, v11;
	[tilespmem:s20+$0x0] =	vst v10  }
0x114: {  	s3 =	sor.u32 s22, s23;
	v14 =	vadd.s32 $0xDD, v2;
	v10 =	vshll.u32 v12, $0x2;
	[tilespmem:s4+$0x0] =	vst v15  }
0x115: {  	s2 =	sor.u32 s16, s12;
	s23 =	sadd.s32 $0x13400, s25;
	v9 =	vld.idx.msk [tilespmem:v9+s11+$0x0], $0xffff;
	v12 =	vadd.s32 $0x84, v10;
	[tilespmem:s3+$0x0] =	vst v13  }
0x116: {  	s6 =	sor.u32 s24, s23;
	v15 =	vld.idx.msk [tilespmem:v19+s11+$0x0], $0xffff;
	v13 =	vor.u32 $0x6, v7;
	[tilespmem:s2+$0x0] =	vst v17  }
0x117: {  	v19 =	vor.u32 $0x2, v16;
	[tilespmem:s6+$0x0] =	vst v8;
	v8 =	vld.idx.msk [tilespmem:v18+s31+$0x0], $0xffff  }
0x118: {  	s4 =	sadd.s32 $0x15700, s29;
	v17 =	vld.idx.msk [tilespmem:v20+s11+$0x0], $0xffff  }
0x119: {  	v11 =	vor.u32 $0x3, v11;
	s7 =	sor.u32 s8, s4;
	v14 =	vld.idx.msk [tilespmem:v14+s11+$0x0], $0xffff  }
0x11a: {  	s9 =	sor.u32 s26, s23;
	v12 =	vld.idx.msk [tilespmem:v12+s11+$0x0], $0xffff;
	[tilespmem:s7+$0x0] =	vst v9;
	v9 =	vadd.s32 $0xDE, v2  }
0x11b: {  	s10 =	sadd.s32 $0x13480, s25;
	v18 =	vadd.s32 $0x85, v10;
	[tilespmem:s9+$0x0] =	vst v15;
	v13 =	vld.idx.msk [tilespmem:v13+s31+$0x0], $0xffff  }
0x11c: {  	s12 =	sor.u32 s24, s10;
	v15 =	vld.idx.msk [tilespmem:v19+s11+$0x0], $0xffff  }
0x11d: {  	s1 =	sor.u32 s22, s1;
	s13 =	sadd.s32 $0x14580, s17;
	v16 =	vor.u32 $0x3, v16;
	v19 =	vshll.u32 v8, $0x2;
	[tilespmem:s12+$0x0] =	vst v17  }
0x11e: {  	s14 =	sor.u32 s21, s13;
	[tilespmem:s1+$0x0] =	vst v14;
	v8 =	vadd.s32 $0x84, v19;
	v11 =	vld.idx.msk [tilespmem:v11+s11+$0x0], $0xffff  }
0x11f: {  	v9 =	vld.idx.msk [tilespmem:v9+s11+$0x0], $0xffff;
	[tilespmem:s14+$0x0] =	vst v12;
	v12 =	vor.u32 $0x1, v1  }
0x120: {  	s20 =	simm.s32 $0x70;
	s2 =	sor.u32 s26, s10;
	v13 =	vshll.u32 v13, $0x2;
	v14 =	vld.idx.msk [tilespmem:v18+s11+$0x0], $0xffff  }
0x121: {  	s15 =	sadd.s32 $0x13500, s25;
	[tilespmem:s2+$0x0] =	vst v15;
	v18 =	vld [tilespmem:s20+$0x0];
	v15 =	vadd.s32 $0x108, v13  }
0x122: {  	s18 =	sor.u32 s24, s15;
	v17 =	vadd.s32 $0x86, v10;
	v16 =	vld.idx.msk [tilespmem:v16+s11+$0x0], $0xffff  }
0x123: {  	s23 =	sadd.s32 $0x14600, s17;
	v8 =	vld.idx.msk [tilespmem:v8+s11+$0x0], $0xffff;
	[tilespmem:s18+$0x0] =	vst v11  }
0x124: {  	s7 =	sor.u32 s21, s23;
	v2 =	vadd.s32 $0xDF, v2;
	v12 =	vld.idx.msk [tilespmem:v12+s31+$0x0], $0xffff  }
0x125: {  	v20 =	vadd.s32 $0x85, v19;
	[tilespmem:s7+$0x0] =	vst v14;
	v14 =	vld [tilespmem:s20+$0xFFFFFFF0]  }
0x126: {  	s0 =	sor.u32 s22, s0;
	v11 =	vor.u32 $0x1, v6;
	v15 =	vld.idx.msk [tilespmem:v15+s11+$0x0], $0xffff  }
0x127: {  	s1 =	sor.u32 s26, s15;
	v21 =	vadd.s32 $0x109, v13;
	[tilespmem:s0+$0x0] =	vst v9;
	v17 =	vld.idx.msk [tilespmem:v17+s11+$0x0], $0xffff  }
0x128: {  	s3 =	sor.u32 s16, s13;
	v10 =	vadd.s32 $0x87, v10;
	[tilespmem:s1+$0x0] =	vst v16  }
0x129: {  	s1 =	sor.u32 $0x16380, s29;
	[tilespmem:s3+$0x0] =	vst v8;
	v8 =	vshll.u32 v18, $0x3;
	v18 =	vld.idx.msk [tilespmem:v2+s11+$0x0], $0xffff  }
0x12a: {  	s12 =	sadd.s32 $0x14680, s17;
	s9 =	sor.u32 s8, s1;
	v9 =	vld.idx.msk [tilespmem:v20+s11+$0x0], $0xffff;
	v12 =	vshll.u32 v12, $0x2;
	v2 =	vshll.u32 v14, $0x3  }
0x12b: {  	s10 =	sor.u32 s21, s12;
	v11 =	vld.idx.msk [tilespmem:v11+s31+$0x0], $0xffff;
	v16 =	vadd.s32 $0x2C, v12;
	[tilespmem:s9+$0x0] =	vst v15  }
0x12c: {  	v14 =	vadd.s32 $0x86, v19;
	[tilespmem:s10+$0x0] =	vst v17;
	v15 =	vld.idx.msk [tilespmem:v21+s11+$0x0], $0xffff  }
0x12d: {  	v17 =	vadd.s32 $0x10A, v13;
	v10 =	vld.idx.msk [tilespmem:v10+s11+$0x0], $0xffff  }
0x12e: {  	s13 =	sor.u32 s16, s23;
	v21 =	vor.u32 $0x4, v5;
	v20 =	vld.idx.msk [tilespmem:v8+s19+$0x0], $0xffff  }
0x12f: {  	v22 =	vor.u32 $0x6, v3;
	s7 =	sadd.s32 $0x16400, s29;
	[tilespmem:s13+$0x0] =	vst v9;
	v9 =	vld.idx.msk [tilespmem:v2+s19+$0x0], $0xffff  }
0x130: {  	s2 =	sadd.s32 $0x14700, s17;
	s14 =	sor.u32 s8, s7;
	s3 =	simm.s32 $0x300;
	v23 =	vor.u32 $0x1, v8;
	v16 =	vld.idx.msk [tilespmem:v16+s11+$0x0], $0xffff  }
0x131: {  	s15 =	sor.u32 s21, s2;
	s0 =	simm.s32 $0x70;
	s28 =	sand.u32 $0xC00, s3;
	v24 =	vadd.s32 $0x2D, v12;
	v14 =	vld.idx.msk [tilespmem:v14+s11+$0x0], $0xffff;
	[tilespmem:s14+$0x0] =	vst v15  }
0x132: {  	s4 =	sor.u32 s22, s4;
	s23 =	sand.u32 $0x70, s0;
	s18 =	sor.u32 $0x12380, s28;
	v11 =	vshll.u32 v11, $0x2;
	v15 =	vor.u32 $0x1, v2;
	[tilespmem:s15+$0x0] =	vst v10;
	v10 =	vld.idx.msk [tilespmem:v17+s11+$0x0], $0xffff  }
0x133: {  	s6 =	simm.s32 $0x60;
	s10 =	sor.u32 s23, s18;
	[tilespmem:s4+$0x0] =	vst v18;
	s13 =	sadd.s32 $0x13580, s25;
	v17 =	vadd.s32 $0x2C, v11;
	v18 =	vld.idx.msk [tilespmem:v21+s31+$0x0], $0xffff  }
0x134: {  	s30 =	sand.u32 $0x60, s6;
	v13 =	vadd.s32 $0x10B, v13;
	s20 =	sor.u32 s24, s13;
	[tilespmem:s10+$0x0] =	vst v20;
	v20 =	vld.idx.msk [tilespmem:v22+s31+$0x0], $0xffff  }
0x135: {  	v19 =	vadd.s32 $0x87, v19;
	s9 =	sor.u32 s30, s18;
	v21 =	vld.idx.msk [tilespmem:v23+s19+$0x0], $0xffff;
	[tilespmem:s20+$0x0] =	vst v16  }
0x136: {  	s5 =	sadd.s32 $0x16480, s29;
	[tilespmem:s9+$0x0] =	vst v9;
	v16 =	vor.u32 $0x2, v8;
	v9 =	vld.idx.msk [tilespmem:v24+s11+$0x0], $0xffff  }
0x137: {  	s14 =	sor.u32 s8, s5;
	v22 =	vadd.s32 $0x2E, v12;
	v15 =	vld.idx.msk [tilespmem:v15+s19+$0x0], $0xffff  }
0x138: {  	s12 =	sor.u32 s16, s12;
	v23 =	vor.u32 $0x2, v2;
	v17 =	vld.idx.msk [tilespmem:v17+s11+$0x0], $0xffff;
	[tilespmem:s14+$0x0] =	vst v10;
	v10 =	vshll.u32 v18, $0x2  }
0x139: {  	s15 =	sadd.s32 $0x13600, s25;
	[tilespmem:s12+$0x0] =	vst v14;
	v13 =	vld.idx.msk [tilespmem:v13+s11+$0x0], $0xffff;
	v14 =	vadd.s32 $0xB0, v10  }
0x13a: {  	s18 =	sor.u32 s24, s15;
	v18 =	vld.idx.msk [tilespmem:v19+s11+$0x0], $0xffff;
	v19 =	vor.u32 $0x7, v7;
	[tilespmem:s10+$0x80] =	vst v21  }
0x13b: {  	v21 =	vadd.s32 $0x2D, v11;
	v16 =	vld.idx.msk [tilespmem:v16+s19+$0x0], $0xffff;
	[tilespmem:s18+$0x0] =	vst v9  }
0x13c: {  	s4 =	sadd.s32 $0x16500, s29;
	v24 =	vor.u32 $0x4, v4;
	[tilespmem:s9+$0x80] =	vst v15;
	v15 =	vld.idx.msk [tilespmem:v22+s11+$0x0], $0xffff  }
0x13d: {  	s14 =	sor.u32 s8, s4;
	v22 =	vld.idx.msk [tilespmem:v23+s19+$0x0], $0xffff;
	v23 =	vor.u32 $0x3, v8  }
0x13e: {  	s13 =	sor.u32 s26, s13;
	v12 =	vadd.s32 $0x2F, v12;
	v14 =	vld.idx.msk [tilespmem:v14+s11+$0x0], $0xffff;
	[tilespmem:s14+$0x0] =	vst v13  }
0x13f: {  	s2 =	sor.u32 s16, s2;
	[tilespmem:s13+$0x0] =	vst v17;
	v13 =	vor.u32 $0x3, v2;
	v17 =	vld.idx.msk [tilespmem:v19+s31+$0x0], $0xffff  }
0x140: {  	v9 =	vshll.u32 v20, $0x2;
	[tilespmem:s2+$0x0] =	vst v18;
	s2 =	sadd.s32 $0x13680, s25;
	v18 =	vld.idx.msk [tilespmem:v21+s11+$0x0], $0xffff;
	v19 =	vadd.s32 $0xB1, v10  }
0x141: {  	v20 =	vadd.s32 $0x108, v9;
	s20 =	sor.u32 s24, s2;
	[tilespmem:s10+$0x100] =	vst v16;
	v16 =	vld.idx.msk [tilespmem:v24+s31+$0x0], $0xffff  }
0x142: {  	s18 =	sor.u32 $0x15380, s17;
	v21 =	vadd.s32 $0x2E, v11;
	v23 =	vld.idx.msk [tilespmem:v23+s19+$0x0], $0xffff;
	[tilespmem:s20+$0x0] =	vst v15  }
0x143: {  	s14 =	sor.u32 s21, s18;
	[tilespmem:s9+$0x100] =	vst v22;
	v15 =	vor.u32 $0x4, v8;
	v12 =	vld.idx.msk [tilespmem:v12+s11+$0x0], $0xffff  }
0x144: {  	v13 =	vld.idx.msk [tilespmem:v13+s19+$0x0], $0xffff;
	[tilespmem:s14+$0x0] =	vst v14;
	v14 =	vor.u32 $0x2, v1;
	v17 =	vshll.u32 v17, $0x2  }
0x145: {  	s12 =	sor.u32 s26, s15;
	v19 =	vld.idx.msk [tilespmem:v19+s11+$0x0], $0xffff;
	v22 =	vadd.s32 $0x134, v17  }
0x146: {  	[tilespmem:s12+$0x0] =	vst v18;
	v18 =	vld.idx.msk [tilespmem:v20+s11+$0x0], $0xffff;
	s12 =	sadd.s32 $0x13700, s25;
	v20 =	vadd.s32 $0xB2, v10  }
0x147: {  	v24 =	vor.u32 $0x4, v2;
	v21 =	vld.idx.msk [tilespmem:v21+s11+$0x0], $0xffff;
	s15 =	sor.u32 s24, s12;
	[tilespmem:s10+$0x180] =	vst v23  }
0x148: {  	v11 =	vadd.s32 $0x2F, v11;
	s14 =	sadd.s32 $0x15400, s17;
	v16 =	vshll.u32 v16, $0x2;
	v15 =	vld.idx.msk [tilespmem:v15+s19+$0x0], $0xffff;
	[tilespmem:s15+$0x0] =	vst v12  }
0x149: {  	s20 =	sor.u32 s21, s14;
	v12 =	vadd.s32 $0xB0, v16;
	v14 =	vld.idx.msk [tilespmem:v14+s31+$0x0], $0xffff  }
0x14a: {  	v23 =	vor.u32 $0x5, v8;
	[tilespmem:s20+$0x0] =	vst v19;
	v19 =	vld.idx.msk [tilespmem:v22+s11+$0x0], $0xffff  }
0x14b: {  	s2 =	sor.u32 s26, s2;
	[tilespmem:s9+$0x180] =	vst v13;
	v22 =	vadd.s32 $0x109, v9;
	v13 =	vld.idx.msk [tilespmem:v20+s11+$0x0], $0xffff  }
0x14c: {  	[tilespmem:s2+$0x0] =	vst v21;
	v21 =	vadd.s32 $0x135, v17;
	v20 =	vld.idx.msk [tilespmem:v24+s19+$0x0], $0xffff  }
0x14d: {  	v10 =	vadd.s32 $0xB3, v10;
	v11 =	vld.idx.msk [tilespmem:v11+s11+$0x0], $0xffff  }
0x14e: {  	s13 =	sor.u32 s22, s1;
	s1 =	sadd.s32 $0x16580, s29;
	v24 =	vor.u32 $0x5, v2;
	[tilespmem:s10+$0x200] =	vst v15;
	v12 =	vld.idx.msk [tilespmem:v12+s11+$0x0], $0xffff  }
0x14f: {  	[tilespmem:s13+$0x0] =	vst v18;
	s13 =	sadd.s32 $0x15480, s17;
	s15 =	sor.u32 s8, s1;
	v15 =	vor.u32 $0x2, v6;
	v18 =	vld.idx.msk [tilespmem:v23+s19+$0x0], $0xffff  }
0x150: {  	s20 =	sor.u32 s21, s13;
	v23 =	vadd.s32 $0xB1, v16;
	[tilespmem:s15+$0x0] =	vst v19;
	v19 =	vld.idx.msk [tilespmem:v22+s11+$0x0], $0xffff  }
0x151: {  	v14 =	vshll.u32 v14, $0x2;
	v22 =	vor.u32 $0x6, v8;
	[tilespmem:s20+$0x0] =	vst v13;
	v13 =	vld.idx.msk [tilespmem:v21+s11+$0x0], $0xffff  }
0x152: {  	s15 =	sor.u32 s26, s12;
	[tilespmem:s9+$0x200] =	vst v20;
	v20 =	vadd.s32 $0x58, v14;
	v10 =	vld.idx.msk [tilespmem:v10+s11+$0x0], $0xffff  }
0x153: {  	s18 =	sor.u32 s16, s18;
	v21 =	vld.idx.msk [tilespmem:v24+s19+$0x0], $0xffff;
	[tilespmem:s15+$0x0] =	vst v11;
	v11 =	vadd.s32 $0x136, v17  }
0x154: {  	v15 =	vld.idx.msk [tilespmem:v15+s31+$0x0], $0xffff;
	[tilespmem:s18+$0x0] =	vst v12;
	v12 =	vor.u32 $0x5, v5  }
0x155: {  	s7 =	sor.u32 s22, s7;
	s20 =	simm.s32 $0x6;
	v24 =	vor.u32 $0x6, v2;
	[tilespmem:s10+$0x280] =	vst v18;
	v18 =	vld.idx.msk [tilespmem:v23+s11+$0x0], $0xffff;
	s10 =	sadd.s32 $0x16600, s29  }
0x156: {  	v25 =	vadd.s32 $0xB2, v16;
	s12 =	sadd.s32 $0x15500, s17;
	s2 =	sand.u32 $0x7, s20;
	v22 =	vld.idx.msk [tilespmem:v22+s19+$0x0], $0xffff;
	s15 =	sor.u32 s8, s10;
	[tilespmem:s7+$0x0] =	vst v19  }
0x157: {  	v8 =	vor.u32 $0x7, v8;
	s20 =	sor.u32 s21, s12;
	s2 =	sshll.u32 s2, $0x4;
	v20 =	vld.idx.msk [tilespmem:v20+s11+$0x0], $0xffff;
	[tilespmem:s15+$0x0] =	vst v13  }
0x158: {  	s2 =	sadd.s32 $0x300, s2;
	v23 =	vadd.s32 $0x10A, v9;
	[tilespmem:s20+$0x0] =	vst v10;
	v10 =	vld.idx.msk [tilespmem:v11+s11+$0x0], $0xffff  }
0x159: {  	s14 =	sor.u32 s16, s14;
	s2 =	sadd.s32 $0x10, s2;
	[tilespmem:s9+$0x280] =	vst v21;
	v11 =	vld.idx.msk [tilespmem:v12+s31+$0x0], $0xffff;
	v12 =	vadd.s32 $0x137, v17  }
0x15a: {  	s2 =	sor.u32 $0x300, s2;
	s15 =	simm.s32 $0x3;
	v13 =	vld.idx.msk [tilespmem:v24+s19+$0x0], $0xffff;
	v17 =	vadd.s32 $0x59, v14;
	[tilespmem:s14+$0x0] =	vst v18  }
0x15b: {  	v19 =	vor.u32 $0x7, v2;
	s7 =	sadd.s32 $0x16680, s29;
	s9 =	sand.u32 $0x3, s15;
	v15 =	vshll.u32 v15, $0x2;
	[tilespmem:s2+$0x12380] =	vst v22;
	v22 =	vld.idx.msk [tilespmem:v25+s11+$0x0], $0xffff  }
0x15c: {  	v2 =	vmov s0;
	s18 =	sor.u32 s8, s7;
	s9 =	sshll.u32 s9, $0x5;
	v21 =	vadd.s32 $0x58, v15;
	s2 =	sor.u32 $0x14380, s25;
	v8 =	vld.idx.msk [tilespmem:v8+s19+$0x0], $0xffff  }
0x15d: {  	v16 =	vadd.s32 $0xB3, v16;
	v2 =	vshll.u32 v2, $0x7;
	v18 =	vld.idx.msk [tilespmem:v23+s11+$0x0], $0xffff;
	s9 =	sadd.s32 $0x300, s9;
	s20 =	sor.u32 s24, s2;
	[tilespmem:s18+$0x0] =	vst v10  }
0x15e: {  	v2 =	vor.u32 v0, v2;
	s9 =	sor.u32 $0x300, s9;
	[tilespmem:s20+$0x0] =	vst v20;
	v10 =	vshll.u32 v11, $0x2;
	v11 =	vld.idx.msk [tilespmem:v12+s11+$0x0], $0xffff  }
0x15f: {  	s0 =	sor.u32 s0, s3;
	s15 =	sor.u32 s16, s13;
	[tilespmem:s9+$0x12380] =	vst v13;
	v12 =	vld.idx.msk [tilespmem:v17+s11+$0x0], $0xffff;
	v13 =	vadd.s32 $0xDC, v10  }
0x160: {  	s0 =	sor.u32 $0x380, s0;
	v20 =	vor.u32 $0x8, v7;
	v17 =	vmov s6;
	v19 =	vld.idx.msk [tilespmem:v19+s19+$0x0], $0xffff;
	[tilespmem:s15+$0x0] =	vst v22  }
0x161: {  	s18 =	sadd.s32 $0x16700, s29;
	v7 =	vshll.u32 v17, $0x7;
	v17 =	vld.idx.msk [tilespmem:v21+s11+$0x0], $0xffff;
	v21 =	vadd.s32 $0x5A, v14;
	[tilespmem:s0+$0x12380] =	vst v8  }
0x162: {  	v7 =	vor.u32 v0, v7;
	v8 =	vld.idx.msk [tilespmem:v16+s11+$0x0], $0xffff;
	[dreg:$0x1a] =	wrdreg s18  }
0x163: {  	s19 =	sadd.s32 $0x14400, s25;
	s9 =	sor.u32 s8, s18;
	v16 =	vadd.s32 $0x59, v15;
	v22 =	vld.idx.msk [tilespmem:v2+s31+$0x0], $0xffff  }
0x164: {  	s3 =	sor.u32 s6, s3;
	v23 =	vor.u32 $0x5, v4;
	s20 =	sor.u32 s24, s19;
	[tilespmem:s9+$0x0] =	vst v11;
	v13 =	vld.idx.msk [tilespmem:v13+s11+$0x0], $0xffff  }
0x165: {  	s3 =	sor.u32 $0x380, s3;
	[tilespmem:s20+$0x0] =	vst v12;
	v11 =	vld.idx.msk [tilespmem:v20+s31+$0x0], $0xffff  }
0x166: {  	v9 =	vadd.s32 $0x10B, v9;
	s2 =	sor.u32 s26, s2;
	[tilespmem:s3+$0x12380] =	vst v19;
	v12 =	vld.idx.msk [tilespmem:v21+s11+$0x0], $0xffff  }
0x167: {  	s6 =	sor.u32 s16, s12;
	[tilespmem:s2+$0x0] =	vst v17;
	v17 =	vadd.s32 $0xDD, v10;
	v19 =	vld.idx.msk [tilespmem:v7+s31+$0x0], $0xffff  }
0x168: {  	v14 =	vadd.s32 $0x5B, v14;
	v16 =	vld.idx.msk [tilespmem:v16+s11+$0x0], $0xffff;
	[tilespmem:s6+$0x0] =	vst v8  }
0x169: {  	s9 =	sor.u32 s22, s5;
	s5 =	sadd.s32 $0x15580, s17;
	v8 =	vadd.s32 $0x5A, v15;
	v20 =	vld.idx.msk [tilespmem:v23+s31+$0x0], $0xffff  }
0x16a: {  	s12 =	sadd.s32 $0x14480, s25;
	[tilespmem:s9+$0x0] =	vst v18;
	s13 =	sor.u32 s21, s5;
	v18 =	vshll.u32 v22, $0x2;
	v11 =	vshll.u32 v11, $0x2  }
0x16b: {  	s14 =	sor.u32 s24, s12;
	v9 =	vld.idx.msk [tilespmem:v9+s11+$0x0], $0xffff;
	[tilespmem:s13+$0x0] =	vst v13;
	v13 =	vadd.s32 $0x160, v11  }
0x16c: {  	s0 =	sor.u32 s26, s19;
	[tilespmem:s14+$0x0] =	vst v12;
	v12 =	vld.idx.msk [tilespmem:v17+s11+$0x0], $0xffff;
	v17 =	vshll.u32 v19, $0x2  }
0x16d: {  	v14 =	vld.idx.msk [tilespmem:v14+s11+$0x0], $0xffff;
	[tilespmem:s0+$0x0] =	vst v16;
	v16 =	vadd.s32 $0xDE, v10  }
0x16e: {  	v19 =	vor.u32 $0x3, v1;
	v8 =	vld.idx.msk [tilespmem:v8+s11+$0x0], $0xffff;
	v20 =	vshll.u32 v20, $0x2  }
0x16f: {  	s0 =	sadd.s32 $0x15600, s17;
	v21 =	vld.idx.msk [tilespmem:v18+s11+$0x0], $0xffff;
	v22 =	vadd.s32 $0xDC, v20  }
0x170: {  	s6 =	sadd.s32 $0x14500, s25;
	s15 =	sor.u32 s21, s0;
	v13 =	vld.idx.msk [tilespmem:v13+s11+$0x0], $0xffff  }
0x171: {  	v15 =	vadd.s32 $0x5B, v15;
	s18 =	sor.u32 s24, s6;
	v23 =	vld.idx.msk [tilespmem:v17+s11+$0x0], $0xffff;
	[tilespmem:s15+$0x0] =	vst v12  }
0x172: {  	s2 =	sor.u32 s26, s12;
	v24 =	vor.u32 $0x1, v18;
	[tilespmem:s18+$0x0] =	vst v14;
	v12 =	vld.idx.msk [tilespmem:v16+s11+$0x0], $0xffff  }
0x173: {  	s19 =	sor.u32 $0x13380, s28;
	s12 =	sor.u32 $0x17380, s29;
	v14 =	vadd.s32 $0x161, v11;
	v19 =	vld.idx.msk [tilespmem:v19+s31+$0x0], $0xffff;
	[tilespmem:s2+$0x0] =	vst v8  }
0x174: {  	s20 =	sor.u32 s23, s19;
	v16 =	vor.u32 $0x1, v17;
	v8 =	vld.idx.msk [tilespmem:v22+s11+$0x0], $0xffff;
	[dreg:$0x17] =	wrdreg s12  }
0x175: {  	s4 =	sor.u32 s22, s4;
	v10 =	vadd.s32 $0xDF, v10;
	[tilespmem:s20+$0x0] =	vst v21  }
0x176: {  	s2 =	sor.u32 s8, s12;
	v22 =	vor.u32 $0x7, v3;
	v15 =	vld.idx.msk [tilespmem:v15+s11+$0x0], $0xffff;
	[tilespmem:s4+$0x0] =	vst v9  }
0x177: {  	s3 =	sadd.s32 $0x15680, s17;
	s13 =	sor.u32 s30, s19;
	v21 =	vadd.s32 $0xDD, v20;
	v24 =	vld.idx.msk [tilespmem:v24+s11+$0x0], $0xffff;
	[tilespmem:s2+$0x0] =	vst v13  }
0x178: {  	s14 =	sor.u32 s21, s3;
	v13 =	vor.u32 $0x3, v6;
	[tilespmem:s13+$0x0] =	vst v23;
	v14 =	vld.idx.msk [tilespmem:v14+s11+$0x0], $0xffff  }
0x179: {  	s15 =	sor.u32 s16, s5;
	v23 =	vor.u32 $0x2, v18;
	v16 =	vld.idx.msk [tilespmem:v16+s11+$0x0], $0xffff;
	[tilespmem:s14+$0x0] =	vst v12  }
0x17a: {  	s18 =	sor.u32 s26, s6;
	v9 =	vshll.u32 v19, $0x2;
	v12 =	vadd.s32 $0x162, v11;
	v10 =	vld.idx.msk [tilespmem:v10+s11+$0x0], $0xffff;
	[tilespmem:s15+$0x0] =	vst v8  }
0x17b: {  	s19 =	sadd.s32 $0x13400, s28;
	s5 =	sadd.s32 $0x17400, s29;
	v19 =	vadd.s32 $0x84, v9;
	v8 =	vld.idx.msk [tilespmem:v22+s31+$0x0], $0xffff;
	[tilespmem:s18+$0x0] =	vst v15  }
0x17c: {  	s20 =	sor.u32 s23, s19;
	v22 =	vor.u32 $0x2, v17;
	v15 =	vld.idx.msk [tilespmem:v21+s11+$0x0], $0xffff;
	[dreg:$0x18] =	wrdreg s5  }
0x17d: {  	s9 =	sor.u32 s8, s5;
	v21 =	vor.u32 $0x6, v5;
	[tilespmem:s20+$0x0] =	vst v24;
	v13 =	vld.idx.msk [tilespmem:v13+s31+$0x0], $0xffff  }
0x17e: {  	s13 =	sor.u32 s30, s19;
	s5 =	sadd.s32 $0x15700, s17;
	v24 =	vadd.s32 $0xDE, v20;
	[tilespmem:s9+$0x0] =	vst v14;
	v23 =	vld.idx.msk [tilespmem:v23+s11+$0x0], $0xffff  }
0x17f: {  	s12 =	sor.u32 s21, s5;
	[tilespmem:s13+$0x0] =	vst v16;
	v12 =	vld.idx.msk [tilespmem:v12+s11+$0x0], $0xffff  }
0x180: {  	s0 =	sor.u32 s16, s0;
	v14 =	vor.u32 $0x3, v18;
	v18 =	vld.idx.msk [tilespmem:v19+s11+$0x0], $0xffff;
	[tilespmem:s12+$0x0] =	vst v10  }
0x181: {  	s18 =	sadd.s32 $0x17480, s29;
	v10 =	vadd.s32 $0x163, v11;
	v11 =	vshll.u32 v8, $0x2;
	v8 =	vadd.s32 $0x85, v9;
	v19 =	vld.idx.msk [tilespmem:v22+s11+$0x0], $0xffff;
	[tilespmem:s0+$0x0] =	vst v15  }
0x182: {  	s14 =	sadd.s32 $0x13480, s28;
	v16 =	vld.idx.msk [tilespmem:v21+s31+$0x0], $0xffff;
	[dreg:$0x19] =	wrdreg s18  }
0x183: {  	s19 =	sadd.s32 $0x14580, s25;
	s15 =	sor.u32 s23, s14;
	v17 =	vor.u32 $0x3, v17;
	s12 =	simm.s32 $0x90;
	v21 =	vld.idx.msk [tilespmem:v24+s11+$0x0], $0xffff  }
0x184: {  	s20 =	sor.u32 s24, s19;
	v15 =	vadd.s32 $0x134, v11;
	v13 =	vshll.u32 v13, $0x2;
	v24 =	vld [tilespmem:s12+$0x0];
	[tilespmem:s15+$0x0] =	vst v23  }
0x185: {  	s4 =	sor.u32 s8, s18;
	v22 =	vadd.s32 $0x84, v13;
	[tilespmem:s20+$0x0] =	vst v18;
	v14 =	vld.idx.msk [tilespmem:v14+s11+$0x0], $0xffff  }
0x186: {  	s2 =	sor.u32 s30, s14;
	[tilespmem:s4+$0x0] =	vst v12;
	v8 =	vld.idx.msk [tilespmem:v8+s11+$0x0], $0xffff  }
0x187: {  	v23 =	vld.idx.msk [tilespmem:v10+s11+$0x0], $0xffff;
	v10 =	vor.u32 $0x1, v2;
	[tilespmem:s2+$0x0] =	vst v19;
	v12 =	vshll.u32 v16, $0x2  }
0x188: {  	s6 =	sadd.s32 $0x13500, s28;
	v17 =	vld.idx.msk [tilespmem:v17+s11+$0x0], $0xffff;
	v16 =	vadd.s32 $0x108, v12  }
0x189: {  	s9 =	sor.u32 s23, s6;
	s13 =	sadd.s32 $0x14600, s25;
	v18 =	vadd.s32 $0x86, v9;
	v15 =	vld.idx.msk [tilespmem:v15+s11+$0x0], $0xffff  }
0x18a: {  	v20 =	vadd.s32 $0xDF, v20;
	s14 =	sor.u32 s24, s13;
	v19 =	vld.idx.msk [tilespmem:v22+s11+$0x0], $0xffff;
	[tilespmem:s9+$0x0] =	vst v14  }
0x18b: {  	s15 =	sor.u32 s16, s3;
	v22 =	vor.u32 $0x1, v7;
	[tilespmem:s14+$0x0] =	vst v8;
	v8 =	vld [tilespmem:s12+$0xFFFFFFF0]  }
0x18c: {  	s2 =	sor.u32 s30, s6;
	[tilespmem:s15+$0x0] =	vst v21;
	v14 =	vadd.s32 $0x85, v13;
	v10 =	vld.idx.msk [tilespmem:v10+s31+$0x0], $0xffff  }
0x18d: {  	v25 =	vadd.s32 $0x135, v11;
	s18 =	sor.u32 s22, s1;
	[tilespmem:s2+$0x0] =	vst v17;
	v16 =	vld.idx.msk [tilespmem:v16+s11+$0x0], $0xffff  }
0x18e: {  	s0 =	sor.u32 s26, s19;
	v18 =	vld.idx.msk [tilespmem:v18+s11+$0x0], $0xffff;
	v17 =	vadd.s32 $0x109, v12;
	[tilespmem:s18+$0x0] =	vst v15  }
0x18f: {  	v15 =	vld.idx.msk [tilespmem:v20+s11+$0x0], $0xffff;
	[tilespmem:s0+$0x0] =	vst v19;
	v19 =	vadd.s32 $0x87, v9  }
0x190: {  	s14 =	sor.u32 $0x16380, s17;
	v22 =	vld.idx.msk [tilespmem:v22+s31+$0x0], $0xffff;
	v9 =	vshll.u32 v24, $0x3  }
0x191: {  	s3 =	sadd.s32 $0x14680, s25;
	s19 =	sor.u32 s21, s14;
	v14 =	vld.idx.msk [tilespmem:v14+s11+$0x0], $0xffff;
	v8 =	vshll.u32 v8, $0x3;
	v10 =	vshll.u32 v10, $0x2  }
0x192: {  	s20 =	sor.u32 s24, s3;
	v20 =	vadd.s32 $0x2C, v10;
	[tilespmem:s19+$0x0] =	vst v16;
	v16 =	vld.idx.msk [tilespmem:v25+s11+$0x0], $0xffff  }
0x193: {  	v21 =	vadd.s32 $0x86, v13;
	[tilespmem:s20+$0x0] =	vst v18;
	v17 =	vld.idx.msk [tilespmem:v17+s11+$0x0], $0xffff  }
0x194: {  	s9 =	simm.s32 $0x10200;
	v18 =	vld.idx.msk [tilespmem:v19+s11+$0x0], $0xffff;
	v19 =	vadd.s32 $0x10A, v12  }
0x195: {  	s1 =	sor.u32 s26, s13;
	s4 =	simm.s32 $0x400;
	v25 =	vor.u32 $0x4, v1;
	v24 =	vld.idx.msk [tilespmem:v9+s9+$0x0], $0xffff  }
0x196: {  	v26 =	vor.u32 $0x6, v4;
	s6 =	sand.u32 $0xC00, s4;
	s12 =	sadd.s32 $0x16400, s17;
	[tilespmem:s1+$0x0] =	vst v14;
	v14 =	vld.idx.msk [tilespmem:v8+s9+$0x0], $0xffff  }
0x197: {  	s2 =	sor.u32 s21, s12;
	s0 =	sadd.s32 $0x14700, s25;
	v27 =	vor.u32 $0x1, v9;
	v20 =	vld.idx.msk [tilespmem:v20+s11+$0x0], $0xffff;
	[dreg:$0x1b] =	wrdreg s6  }
0x198: {  	s18 =	simm.s32 $0x90;
	s13 =	sor.u32 s24, s0;
	[tilespmem:s2+$0x0] =	vst v17;
	v17 =	vadd.s32 $0x2D, v10;
	v21 =	vld.idx.msk [tilespmem:v21+s11+$0x0], $0xffff  }
0x199: {  	s15 =	sor.u32 s16, s5;
	s5 =	sand.u32 $0x70, s18;
	v22 =	vshll.u32 v22, $0x2;
	s2 =	sor.u32 $0x12380, s6;
	[tilespmem:s13+$0x0] =	vst v18;
	v18 =	vor.u32 $0x1, v8;
	v19 =	vld.idx.msk [tilespmem:v19+s11+$0x0], $0xffff  }
0x19a: {  	s1 =	simm.s32 $0x80;
	[tilespmem:s15+$0x0] =	vst v15;
	v15 =	vadd.s32 $0x2C, v22;
	s6 =	sadd.s32 $0x13580, s28;
	s20 =	sor.u32 s5, s2;
	v25 =	vld.idx.msk [tilespmem:v25+s31+$0x0], $0xffff  }
0x19b: {  	v13 =	vadd.s32 $0x87, v13;
	s15 =	sand.u32 $0x60, s1;
	s19 =	sor.u32 s23, s6;
	[tilespmem:s20+$0x0] =	vst v24;
	v24 =	vld.idx.msk [tilespmem:v26+s31+$0x0], $0xffff  }
0x19c: {  	v12 =	vadd.s32 $0x10B, v12;
	[tilespmem:s19+$0x0] =	vst v20;
	s19 =	sor.u32 s15, s2;
	v20 =	vld.idx.msk [tilespmem:v27+s9+$0x0], $0xffff  }
0x19d: {  	s3 =	sor.u32 s26, s3;
	v26 =	vadd.s32 $0x136, v11;
	s2 =	sadd.s32 $0x16480, s17;
	[tilespmem:s19+$0x0] =	vst v14;
	v14 =	vld.idx.msk [tilespmem:v17+s11+$0x0], $0xffff  }
0x19e: {  	s13 =	sor.u32 s21, s2;
	[tilespmem:s3+$0x0] =	vst v21;
	v17 =	vld.idx.msk [tilespmem:v18+s9+$0x0], $0xffff;
	v18 =	vor.u32 $0x2, v9  }
0x19f: {  	v15 =	vld.idx.msk [tilespmem:v15+s11+$0x0], $0xffff;
	[tilespmem:s13+$0x0] =	vst v19;
	v19 =	vadd.s32 $0x2E, v10  }
0x1a0: {  	s10 =	sor.u32 s22, s10;
	v21 =	vor.u32 $0x2, v8;
	v13 =	vld.idx.msk [tilespmem:v13+s11+$0x0], $0xffff;
	v25 =	vshll.u32 v25, $0x2  }
0x1a1: {  	[tilespmem:s10+$0x0] =	vst v16;
	s10 =	sadd.s32 $0x13600, s28;
	v12 =	vld.idx.msk [tilespmem:v12+s11+$0x0], $0xffff;
	v16 =	vadd.s32 $0xB0, v25  }
0x1a2: {  	s13 =	sor.u32 s23, s10;
	v26 =	vld.idx.msk [tilespmem:v26+s11+$0x0], $0xffff;
	[tilespmem:s20+$0x80] =	vst v20;
	v20 =	vor.u32 $0x7, v5  }
0x1a3: {  	[tilespmem:s13+$0x0] =	vst v14;
	v14 =	vadd.s32 $0x2D, v22;
	v18 =	vld.idx.msk [tilespmem:v18+s9+$0x0], $0xffff  }
0x1a4: {  	s6 =	sor.u32 s30, s6;
	v11 =	vadd.s32 $0x137, v11;
	s13 =	sadd.s32 $0x16500, s17;
	[tilespmem:s19+$0x80] =	vst v17;
	v17 =	vld.idx.msk [tilespmem:v19+s11+$0x0], $0xffff  }
0x1a5: {  	v27 =	vor.u32 $0x4, v6;
	[tilespmem:s6+$0x0] =	vst v15;
	s3 =	sor.u32 s21, s13;
	v19 =	vld.idx.msk [tilespmem:v21+s9+$0x0], $0xffff  }
0x1a6: {  	s0 =	sor.u32 s26, s0;
	v21 =	vor.u32 $0x3, v9;
	[tilespmem:s3+$0x0] =	vst v12;
	v16 =	vld.idx.msk [tilespmem:v16+s11+$0x0], $0xffff  }
0x1a7: {  	s7 =	sor.u32 s22, s7;
	[tilespmem:s0+$0x0] =	vst v13;
	v12 =	vadd.s32 $0x2F, v10;
	v20 =	vld.idx.msk [tilespmem:v20+s31+$0x0], $0xffff  }
0x1a8: {  	s6 =	sadd.s32 $0x13680, s28;
	v10 =	vshll.u32 v24, $0x2;
	[tilespmem:s7+$0x0] =	vst v26;
	v13 =	vld.idx.msk [tilespmem:v14+s11+$0x0], $0xffff;
	v14 =	vadd.s32 $0xB1, v25  }
0x1a9: {  	s3 =	sor.u32 s23, s6;
	v24 =	vadd.s32 $0x108, v10;
	v11 =	vld.idx.msk [tilespmem:v11+s11+$0x0], $0xffff;
	[tilespmem:s20+$0x100] =	vst v18  }
0x1aa: {  	v15 =	vor.u32 $0x3, v8;
	v18 =	vld.idx.msk [tilespmem:v27+s31+$0x0], $0xffff;
	[tilespmem:s3+$0x0] =	vst v17;
	s3 =	sor.u32 $0x15380, s25  }
0x1ab: {  	v17 =	vadd.s32 $0x2E, v22;
	v21 =	vld.idx.msk [tilespmem:v21+s9+$0x0], $0xffff;
	s0 =	sor.u32 s24, s3  }
0x1ac: {  	v12 =	vld.idx.msk [tilespmem:v12+s11+$0x0], $0xffff;
	[tilespmem:s0+$0x0] =	vst v16;
	v16 =	vor.u32 $0x4, v9  }
0x1ad: {  	s10 =	sor.u32 s30, s10;
	[tilespmem:s19+$0x100] =	vst v19;
	v19 =	vor.u32 $0x2, v2;
	v20 =	vshll.u32 v20, $0x2;
	v14 =	vld.idx.msk [tilespmem:v14+s11+$0x0], $0xffff  }
0x1ae: {  	[tilespmem:s10+$0x0] =	vst v13;
	v13 =	vld.idx.msk [tilespmem:v24+s11+$0x0], $0xffff;
	v24 =	vadd.s32 $0x134, v20  }
0x1af: {  	v26 =	vadd.s32 $0xB2, v25;
	s7 =	sadd.s32 $0x13700, s28;
	v15 =	vld.idx.msk [tilespmem:v15+s9+$0x0], $0xffff  }
0x1b0: {  	v27 =	vor.u32 $0x4, v8;
	s10 =	sor.u32 s23, s7;
	v17 =	vld.idx.msk [tilespmem:v17+s11+$0x0], $0xffff;
	[tilespmem:s20+$0x180] =	vst v21  }
0x1b1: {  	s0 =	sadd.s32 $0x15400, s25;
	v18 =	vshll.u32 v18, $0x2;
	[tilespmem:s10+$0x0] =	vst v12;
	v12 =	vadd.s32 $0x2F, v22;
	v16 =	vld.idx.msk [tilespmem:v16+s9+$0x0], $0xffff  }
0x1b2: {  	v21 =	vadd.s32 $0xB0, v18;
	s10 =	sor.u32 s24, s0;
	v19 =	vld.idx.msk [tilespmem:v19+s31+$0x0], $0xffff  }
0x1b3: {  	[tilespmem:s10+$0x0] =	vst v14;
	v22 =	vld.idx.msk [tilespmem:v24+s11+$0x0], $0xffff  }
0x1b4: {  	s6 =	sor.u32 s30, s6;
	[tilespmem:s19+$0x180] =	vst v15;
	v14 =	vor.u32 $0x5, v9;
	v15 =	vld.idx.msk [tilespmem:v26+s11+$0x0], $0xffff  }
0x1b5: {  	v24 =	vadd.s32 $0x109, v10;
	[tilespmem:s6+$0x0] =	vst v17;
	v17 =	vld.idx.msk [tilespmem:v27+s9+$0x0], $0xffff  }
0x1b6: {  	s10 =	sadd.s32 $0x16580, s17;
	v26 =	vadd.s32 $0x135, v20;
	v12 =	vld.idx.msk [tilespmem:v12+s11+$0x0], $0xffff;
	[tilespmem:s20+$0x200] =	vst v16  }
0x1b7: {  	s14 =	sor.u32 s16, s14;
	v25 =	vadd.s32 $0xB3, v25;
	v16 =	vld.idx.msk [tilespmem:v21+s11+$0x0], $0xffff;
	[dreg:$0x1c] =	wrdreg s10  }
0x1b8: {  	v27 =	vor.u32 $0x5, v8;
	s10 =	sor.u32 s21, s10;
	[tilespmem:s14+$0x0] =	vst v13  }
0x1b9: {  	v21 =	vadd.s32 $0xB1, v18;
	v14 =	vld.idx.msk [tilespmem:v14+s9+$0x0], $0xffff;
	s14 =	sadd.s32 $0x15480, s25;
	[tilespmem:s10+$0x0] =	vst v22  }
0x1ba: {  	v13 =	vor.u32 $0x2, v7;
	v22 =	vld.idx.msk [tilespmem:v24+s11+$0x0], $0xffff;
	s10 =	sor.u32 s24, s14;
	[tilespmem:s19+$0x200] =	vst v17  }
0x1bb: {  	v24 =	vshll.u32 v19, $0x2;
	v19 =	vld.idx.msk [tilespmem:v26+s11+$0x0], $0xffff;
	[tilespmem:s10+$0x0] =	vst v15;
	v15 =	vor.u32 $0x6, v9;
	s10 =	sor.u32 s30, s7  }
0x1bc: {  	s3 =	sor.u32 s26, s3;
	v17 =	vadd.s32 $0x58, v24;
	v25 =	vld.idx.msk [tilespmem:v25+s11+$0x0], $0xffff;
	[tilespmem:s10+$0x0] =	vst v12  }
0x1bd: {  	v12 =	vld.idx.msk [tilespmem:v27+s9+$0x0], $0xffff;
	[tilespmem:s3+$0x0] =	vst v16  }
0x1be: {  	v21 =	vld.idx.msk [tilespmem:v21+s11+$0x0], $0xffff;
	[tilespmem:s20+$0x280] =	vst v14;
	s20 =	sadd.s32 $0x16600, s17  }
0x1bf: {  	v26 =	vadd.s32 $0x136, v20;
	s7 =	smov.u32 s30;
	v13 =	vld.idx.msk [tilespmem:v13+s31+$0x0], $0xffff;
	[dreg:$0x1d] =	wrdreg s20;
	s6 =	sor.u32 s21, s20  }
0x1c0: {  	v16 =	vor.u32 $0x5, v1;
	s10 =	simm.s32 $0x8;
	s3 =	sadd.s32 $0x15500, s25;
	s20 =	simm.s32 $0x8;
	v15 =	vld.idx.msk [tilespmem:v15+s9+$0x0], $0xffff;
	[tilespmem:s6+$0x0] =	vst v19  }
0x1c1: {  	s10 =	sand.u32 $0x7, s10;
	s30 =	sor.u32 s24, s3;
	v14 =	vor.u32 $0x6, v8;
	v17 =	vld.idx.msk [tilespmem:v17+s11+$0x0], $0xffff;
	[dreg:$0x7] =	wrdreg s20  }
0x1c2: {  	v27 =	vadd.s32 $0x10A, v10;
	s6 =	sshll.u32 s10, $0x4;
	[tilespmem:s30+$0x0] =	vst v25  }
0x1c3: {  	s12 =	sor.u32 s16, s12;
	v19 =	vadd.s32 $0xB2, v18;
	s6 =	sadd.s32 $0x400, s6;
	[tilespmem:s19+$0x280] =	vst v12  }
0x1c4: {  	s0 =	sor.u32 s26, s0;
	v25 =	vld.idx.msk [tilespmem:v26+s11+$0x0], $0xffff;
	[tilespmem:s12+$0x0] =	vst v22;
	s6 =	sadd.s32 $0x10, s6  }
0x1c5: {  	v9 =	vor.u32 $0x7, v9;
	[tilespmem:s0+$0x0] =	vst v21;
	v12 =	vld.idx.msk [tilespmem:v16+s31+$0x0], $0xffff;
	s12 =	sor.u32 $0x300, s6  }
0x1c6: {  	v14 =	vld.idx.msk [tilespmem:v14+s9+$0x0], $0xffff;
	v16 =	vadd.s32 $0x137, v20;
	[tilespmem:s12+$0x12380] =	vst v15  }
0x1c7: {  	v3 =	vor.u32 $0x8, v3;
	s20 =	simm.s32 $0x4;
	s19 =	simm.s32 $0x4;
	v21 =	vld.idx.msk [tilespmem:v27+s11+$0x0], $0xffff;
	s0 =	rddreg [dreg:$0x1a]  }
0x1c8: {  	v20 =	vadd.s32 $0x59, v24;
	s10 =	sand.u32 $0x3, s19;
	v15 =	vld.idx.msk [tilespmem:v19+s11+$0x0], $0xffff;
	s12 =	sadd.s32 $0x16680, s17;
	[dreg:$0x9] =	wrdreg s20  }
0x1c9: {  	v8 =	vor.u32 $0x7, v8;
	[dreg:$0x1e] =	wrdreg s12;
	s20 =	sshll.u32 s10, $0x5;
	s10 =	sor.u32 s21, s12  }
0x1ca: {  	v18 =	vadd.s32 $0xB3, v18;
	v13 =	vshll.u32 v13, $0x2;
	s19 =	sor.u32 $0x14380, s28;
	v19 =	vmov s18;
	s0 =	sor.u32 s22, s0;
	v9 =	vld.idx.msk [tilespmem:v9+s9+$0x0], $0xffff;
	[tilespmem:s10+$0x0] =	vst v25  }
0x1cb: {  	v19 =	vshll.u32 v19, $0x7;
	s12 =	sor.u32 s23, s19;
	[tilespmem:s0+$0x0] =	vst v11;
	v11 =	vadd.s32 $0x58, v13;
	s0 =	sadd.s32 $0x400, s20;
	v16 =	vld.idx.msk [tilespmem:v16+s11+$0x0], $0xffff  }
0x1cc: {  	[tilespmem:s12+$0x0] =	vst v17;
	v12 =	vshll.u32 v12, $0x2;
	v22 =	vld.idx.msk [tilespmem:v3+s31+$0x0], $0xffff;
	s0 =	sor.u32 $0x300, s0;
	v3 =	vor.u32 v0, v19  }
0x1cd: {  	s10 =	smov.u32 s23;
	s23 =	sor.u32 s18, s4;
	s20 =	sor.u32 s26, s14;
	v17 =	vadd.s32 $0xDC, v12;
	[tilespmem:s0+$0x12380] =	vst v14;
	v14 =	vld.idx.msk [tilespmem:v20+s11+$0x0], $0xffff  }
0x1ce: {  	v5 =	vor.u32 $0x8, v5;
	s6 =	sor.u32 $0x380, s23;
	v19 =	vmov s1;
	[tilespmem:s20+$0x0] =	vst v15;
	v8 =	vld.idx.msk [tilespmem:v8+s9+$0x0], $0xffff  }
0x1cf: {  	v15 =	vshll.u32 v19, $0x7;
	v20 =	vadd.s32 $0x5A, v24;
	s20 =	sadd.s32 $0x16700, s17;
	[tilespmem:s6+$0x12380] =	vst v9;
	v9 =	vld.idx.msk [tilespmem:v18+s11+$0x0], $0xffff  }
0x1d0: {  	v19 =	vor.u32 v0, v15;
	s12 =	sor.u32 s21, s20;
	v11 =	vld.idx.msk [tilespmem:v11+s11+$0x0], $0xffff  }
0x1d1: {  	s18 =	simm.s32 $0x80;
	s0 =	sadd.s32 $0x14400, s28;
	v15 =	vadd.s32 $0x59, v13;
	[tilespmem:s12+$0x0] =	vst v16;
	v18 =	vld.idx.msk [tilespmem:v3+s31+$0x0], $0xffff  }
0x1d2: {  	s6 =	sor.u32 s1, s4;
	s12 =	sor.u32 s10, s0;
	v17 =	vld.idx.msk [tilespmem:v17+s11+$0x0], $0xffff;
	[dreg:$0x5] =	wrdreg s18  }
0x1d3: {  	v16 =	vor.u32 $0x5, v6;
	s14 =	sor.u32 $0x380, s6;
	v25 =	vshll.u32 v22, $0x2;
	[tilespmem:s12+$0x0] =	vst v14;
	v5 =	vld.idx.msk [tilespmem:v5+s31+$0x0], $0xffff  }
0x1d4: {  	s18 =	sor.u32 s7, s19;
	[tilespmem:s14+$0x12380] =	vst v8;
	v8 =	vadd.s32 $0x160, v25;
	v14 =	vld.idx.msk [tilespmem:v20+s11+$0x0], $0xffff  }
0x1d5: {  	s3 =	sor.u32 s26, s3;
	v20 =	vadd.s32 $0xDD, v12;
	[tilespmem:s18+$0x0] =	vst v11;
	v11 =	vld.idx.msk [tilespmem:v19+s31+$0x0], $0xffff  }
0x1d6: {  	s2 =	sor.u32 s16, s2;
	[tilespmem:s3+$0x0] =	vst v9;
	v9 =	vld.idx.msk [tilespmem:v15+s11+$0x0], $0xffff;
	v15 =	vadd.s32 $0x5B, v24  }
0x1d7: {  	v10 =	vadd.s32 $0x10B, v10;
	[tilespmem:s2+$0x0] =	vst v21;
	s2 =	sadd.s32 $0x15580, s25  }
0x1d8: {  	v21 =	vadd.s32 $0x5A, v13;
	s19 =	sor.u32 s24, s2;
	s3 =	sadd.s32 $0x14480, s28;
	v16 =	vld.idx.msk [tilespmem:v16+s31+$0x0], $0xffff;
	v22 =	vshll.u32 v5, $0x2  }
0x1d9: {  	s1 =	sor.u32 s10, s3;
	[tilespmem:s19+$0x0] =	vst v17;
	v26 =	vld.idx.msk [tilespmem:v8+s11+$0x0], $0xffff;
	v5 =	vadd.s32 $0x160, v22  }
0x1da: {  	s0 =	sor.u32 s7, s0;
	v18 =	vshll.u32 v18, $0x2;
	[tilespmem:s1+$0x0] =	vst v14;
	v8 =	vld.idx.msk [tilespmem:v20+s11+$0x0], $0xffff  }
0x1db: {  	v11 =	vshll.u32 v11, $0x2;
	[tilespmem:s0+$0x0] =	vst v9;
	v9 =	vld.idx.msk [tilespmem:v15+s11+$0x0], $0xffff  }
0x1dc: {  	v10 =	vld.idx.msk [tilespmem:v10+s11+$0x0], $0xffff;
	v14 =	vadd.s32 $0xDE, v12  }
0x1dd: {  	s14 =	sadd.s32 $0x15600, s25;
	v17 =	vor.u32 $0x3, v2;
	v27 =	vshll.u32 v16, $0x2;
	v15 =	vld.idx.msk [tilespmem:v21+s11+$0x0], $0xffff  }
0x1de: {  	s6 =	sor.u32 s24, s14;
	v20 =	vadd.s32 $0xDC, v27;
	s0 =	sadd.s32 $0x14500, s28;
	v5 =	vld.idx.msk [tilespmem:v5+s11+$0x0], $0xffff  }
0x1df: {  	v13 =	vadd.s32 $0x5B, v13;
	v16 =	vld.idx.msk [tilespmem:v18+s11+$0x0], $0xffff;
	s12 =	sor.u32 s10, s0;
	[tilespmem:s6+$0x0] =	vst v8  }
0x1e0: {  	v21 =	vor.u32 $0x1, v18;
	v8 =	vld.idx.msk [tilespmem:v11+s11+$0x0], $0xffff;
	[tilespmem:s12+$0x0] =	vst v9  }
0x1e1: {  	s30 =	sor.u32 $0x17380, s17;
	s3 =	sor.u32 s7, s3;
	v9 =	vld.idx.msk [tilespmem:v14+s11+$0x0], $0xffff;
	v14 =	vadd.s32 $0x161, v22;
	s1 =	rddreg [dreg:$0x1b]  }
0x1e2: {  	s4 =	smov.u32 s10;
	v24 =	vor.u32 $0x1, v11;
	s10 =	sor.u32 s21, s30;
	v17 =	vld.idx.msk [tilespmem:v17+s31+$0x0], $0xffff;
	[tilespmem:s3+$0x0] =	vst v15;
	s19 =	sor.u32 $0x13380, s1  }
0x1e3: {  	v12 =	vadd.s32 $0xDF, v12;
	v15 =	vld.idx.msk [tilespmem:v20+s11+$0x0], $0xffff;
	[tilespmem:s10+$0x0] =	vst v5;
	s6 =	sor.u32 s5, s19  }
0x1e4: {  	s13 =	sor.u32 s16, s13;
	v13 =	vld.idx.msk [tilespmem:v13+s11+$0x0], $0xffff;
	v5 =	vadd.s32 $0xDD, v27;
	[tilespmem:s6+$0x0] =	vst v16  }
0x1e5: {  	[tilespmem:s13+$0x0] =	vst v10;
	s18 =	sor.u32 s15, s19;
	s19 =	sadd.s32 $0x15680, s25;
	v20 =	vld.idx.msk [tilespmem:v21+s11+$0x0], $0xffff  }
0x1e6: {  	v16 =	vor.u32 $0x7, v4;
	[tilespmem:s18+$0x0] =	vst v8;
	s12 =	sor.u32 s24, s19;
	v14 =	vld.idx.msk [tilespmem:v14+s11+$0x0], $0xffff  }
0x1e7: {  	s2 =	sor.u32 s26, s2;
	v21 =	vor.u32 $0x3, v7;
	[tilespmem:s12+$0x0] =	vst v9;
	v24 =	vld.idx.msk [tilespmem:v24+s11+$0x0], $0xffff  }
0x1e8: {  	v28 =	vor.u32 $0x2, v18;
	s0 =	sor.u32 s7, s0;
	s3 =	sadd.s32 $0x13400, s1;
	v10 =	vld.idx.msk [tilespmem:v12+s11+$0x0], $0xffff;
	[tilespmem:s2+$0x0] =	vst v15  }
0x1e9: {  	s10 =	sadd.s32 $0x17400, s17;
	s12 =	sor.u32 s5, s3;
	v12 =	vadd.s32 $0x162, v22;
	[tilespmem:s0+$0x0] =	vst v13;
	v31 =	vld.idx.msk [tilespmem:v5+s11+$0x0], $0xffff  }
0x1ea: {  	v32 =	vor.u32 $0x6, v1;
	s18 =	sor.u32 s21, s10;
	v29 =	vshll.u32 v17, $0x2;
	[tilespmem:s12+$0x0] =	vst v20  }
0x1eb: {  	s13 =	sor.u32 s15, s3;
	s6 =	sadd.s32 $0x15700, s25;
	v30 =	vadd.s32 $0x84, v29;
	v16 =	vld.idx.msk [tilespmem:v16+s31+$0x0], $0xffff;
	[tilespmem:s18+$0x0] =	vst v14  }
0x1ec: {  	s0 =	sor.u32 s24, s6;
	v33 =	vld.idx.msk [tilespmem:v21+s31+$0x0], $0xffff;
	[tilespmem:s13+$0x0] =	vst v24  }
0x1ed: {  	s14 =	sor.u32 s26, s14;
	v28 =	vld.idx.msk [tilespmem:v28+s11+$0x0], $0xffff;
	[tilespmem:s0+$0x0] =	vst v10  }
0x1ee: {  	v34 =	vld.idx.msk [tilespmem:v12+s11+$0x0], $0xffff;
	s0 =	rddreg [dreg:$0x17];
	[tilespmem:s14+$0x0] =	vst v31  }
0x1ef: {  	v32 =	vld.idx.msk [tilespmem:v32+s31+$0x0], $0xffff;
	s31 =	smov.u32 s4;
	s4 =	rddreg [dreg:$0x19]  }
0x1f0: {  	v20 =	vor.u32 $0x2, v11;
	v30 =	vld.idx.msk [tilespmem:v30+s11+$0x0], $0xffff;
	s2 =	sor.u32 s22, s0;
	s3 =	rddreg [dreg:$0x18];
	s0 =	sor.u32 s22, s4  }
0x1f1: {  	v8 =	vor.u32 $0x8, v4;
	v4 =	vor.u32 $0x8, v6;
	v14 =	vadd.s32 $0xDE, v27;
	s14 =	sadd.s32 $0x13480, s1;
	[dreg:$0x4] =	wrdreg s0  }
0x1f2: {  	v9 =	vor.u32 $0x7, v6;
	v13 =	vor.u32 $0x6, v6;
	v6 =	vadd.s32 $0x161, v25;
	s18 =	sor.u32 s22, s3;
	s3 =	sor.u32 s5, s14;
	[tilespmem:s2+$0x0] =	vst v26;
	s2 =	sadd.s32 $0x17480, s17  }
0x1f3: {  	v35 =	vor.u32 $0x3, v18;
	s12 =	sadd.s32 $0x17500, s29;
	s0 =	sadd.s32 $0x14580, s28;
	[tilespmem:s3+$0x0] =	vst v28;
	s4 =	sor.u32 s21, s2  }
0x1f4: {  	v41 =	vor.u32 $0x3, v11;
	v18 =	vor.u32 $0x4, v19;
	v17 =	vor.u32 $0x4, v7;
	s3 =	sor.u32 s8, s12;
	s12 =	sor.u32 s22, s12;
	s22 =	sor.u32 s31, s0;
	[tilespmem:s4+$0x0] =	vst v34  }
0x1f5: {  	v15 =	vor.u32 $0x5, v7;
	v22 =	vadd.s32 $0x163, v22;
	v31 =	vshll.u32 v16, $0x2;
	v36 =	vld.idx.msk [tilespmem:v20+s11+$0x0], $0xffff;
	s13 =	rddreg [dreg:$0x1c];
	[tilespmem:s22+$0x0] =	vst v30  }
0x1f6: {  	v5 =	vor.u32 $0x8, v7;
	v37 =	vadd.s32 $0x85, v29;
	v39 =	vadd.s32 $0x134, v31;
	v40 =	vld.idx.msk [tilespmem:v14+s11+$0x0], $0xffff;
	s22 =	rddreg [dreg:$0x1e]  }
0x1f7: {  	s23 =	simm.s32 $0x400;
	v24 =	vor.u32 $0x1, v19;
	v21 =	vor.u32 $0x2, v19;
	v42 =	vshll.u32 v33, $0x2;
	s8 =	smov.u32 s1;
	v43 =	vld.idx.msk [tilespmem:v6+s11+$0x0], $0xffff;
	s1 =	sor.u32 s16, s22  }
0x1f8: {  	v11 =	vor.u32 $0x7, v19;
	s29 =	sor.u32 s16, s30;
	v12 =	vor.u32 $0x6, v7;
	v44 =	vadd.s32 $0x84, v42;
	v38 =	vld.idx.msk [tilespmem:v35+s11+$0x0], $0xffff;
	s22 =	sor.u32 s16, s20;
	[dreg:$0x8] =	wrdreg s1  }
0x1f9: {  	s30 =	smov.u32 s24;
	s24 =	sor.u32 s26, s19;
	v10 =	vor.u32 $0x7, v7;
	v7 =	vor.u32 $0x8, v19;
	v16 =	vor.u32 $0x5, v19;
	[dreg:$0x6] =	wrdreg s22  }
0x1fa: {  	s14 =	sor.u32 s15, s14;
	v20 =	vor.u32 $0x3, v19;
	v14 =	vor.u32 $0x6, v19;
	v19 =	vadd.s32 $0x162, v25;
	s0 =	sor.u32 s7, s0;
	s17 =	sadd.s32 $0x17500, s17;
	v22 =	vld.idx.msk [tilespmem:v22+s11+$0x0], $0xffff  }
0x1fb: {  	v26 =	vadd.s32 $0xDF, v27;
	v28 =	vadd.s32 $0x135, v31;
	v33 =	vadd.s32 $0x86, v42;
	s19 =	sor.u32 s16, s2;
	s4 =	sor.u32 s16, s13;
	s13 =	rddreg [dreg:$0x1d];
	[tilespmem:s14+$0x0] =	vst v36;
	v30 =	vld.idx.msk [tilespmem:v39+s11+$0x0], $0xffff  }
0x1fc: {  	v6 =	vadd.s32 $0x163, v25;
	v27 =	vshll.u32 v32, $0x2;
	s13 =	sor.u32 s16, s13;
	s20 =	smov.u32 s26;
	v35 =	vld.idx.msk [tilespmem:v37+s11+$0x0], $0xffff;
	s14 =	sor.u32 s16, s10;
	[tilespmem:s24+$0x0] =	vst v40;
	v40 =	vor.u32 $0x1, v3  }
0x1fd: {  	v25 =	vadd.s32 $0x136, v31;
	v34 =	vadd.s32 $0x85, v42;
	v32 =	vadd.s32 $0x108, v27;
	[tilespmem:s3+$0x0] =	vst v23;
	s10 =	sor.u32 s26, s6;
	s26 =	smov.u32 s16;
	s16 =	sadd.s32 $0x13500, s8;
	v37 =	vld.idx.msk [tilespmem:v44+s11+$0x0], $0xffff  }
0x1fe: {  	v23 =	vadd.s32 $0x137, v31;
	v31 =	vadd.s32 $0x87, v42;
	[tilespmem:s18+$0x0] =	vst v43;
	v36 =	vadd.s32 $0x86, v29;
	s6 =	simm.s32 $0x8;
	s3 =	simm.s32 $0xB0;
	v39 =	vld.idx.msk [tilespmem:v41+s11+$0x0], $0xffff;
	s2 =	sor.u32 s5, s16  }
.LBB2_2:
0x1ff: {  	v41 =	vld [tilespmem:s3+$0x0];
	[tilespmem:s2+$0x0] =	vst v38  }
0x200: {  	s18 =	sadd.s32 $0x14600, s28;
	s22 =	sor.u32 s21, s17;
	s24 =	simm.s32 $0x200;
	[tilespmem:s4+$0x0] =	vst v30  }
0x201: {  	s2 =	sor.u32 s7, s18;
	s18 =	sor.u32 s31, s18;
	v38 =	vld.idx.msk [tilespmem:v40+s24+$0x0], $0xffff;
	[tilespmem:s22+$0x0] =	vst v22  }
0x202: {  	v30 =	vld [tilespmem:s3+$0xFFFFFFF0];
	[tilespmem:s18+$0x0] =	vst v35  }
0x203: {  	[dreg:$0xe] =	wrdreg s12;
	s16 =	sor.u32 s15, s16;
	v22 =	vld.idx.msk [tilespmem:v32+s11+$0x0], $0xffff  }
0x204: {  	[dreg:$0xd] =	wrdreg s29;
	s1 =	sor.u32 s26, s17;
	[tilespmem:s16+$0x0] =	vst v39;
	v53 =	vld.idx.msk [tilespmem:v36+s11+$0x0], $0xffff  }
0x205: {  	s17 =	smov.u32 s25;
	s26 =	smov.u32 s28;
	s29 =	smov.u32 s8;
	v54 =	vadd.s32 $0x109, v27;
	v24 =	vld.idx.msk [tilespmem:v24+s24+$0x0], $0xffff;
	[tilespmem:s0+$0x0] =	vst v37  }
0x206: {  	s12 =	smov.u32 s15;
	s21 =	smov.u32 s30;
	v55 =	vadd.s32 $0x87, v29;
	s15 =	sor.u32 $0x16380, s17;
	v39 =	vld.idx.msk [tilespmem:v34+s11+$0x0], $0xffff  }
0x207: {  	s28 =	smov.u32 s31;
	s16 =	sadd.s32 $0x14680, s26;
	v29 =	vshll.u32 v41, $0x3;
	s0 =	sor.u32 s21, s15;
	v26 =	vld.idx.msk [tilespmem:v26+s11+$0x0], $0xffff;
	v38 =	vshll.u32 v38, $0x2  }
0x208: {  	s8 =	smov.u32 s14;
	[dreg:$0xc] =	wrdreg s1;
	s1 =	sor.u32 s28, s16;
	v45 =	vld.idx.msk [tilespmem:v19+s11+$0x0], $0xffff;
	v56 =	vadd.s32 $0x2C, v38;
	[tilespmem:s0+$0x0] =	vst v22  }
0x209: {  	s6 =	sadd.s32 $0x2, s6;
	[dreg:$0xb] =	wrdreg s8;
	v22 =	vld.idx.msk [tilespmem:v28+s11+$0x0], $0xffff;
	v28 =	vshll.u32 v30, $0x3;
	[tilespmem:s1+$0x0] =	vst v53  }
0x20a: {  	s25 =	smov.u32 s7;
	s7 =	smov.u32 s5;
	[dreg:$0xa] =	wrdreg s6;
	v35 =	vld.idx.msk [tilespmem:v54+s11+$0x0], $0xffff  }
0x20b: {  	p0 =	slt.u32 s6, $0x1E;
	s8 =	smov.u32 s19;
	s5 =	rddreg [dreg:$0x5];
	v43 =	vld.idx.msk [tilespmem:v55+s11+$0x0], $0xffff  }
0x20c: {  	s19 =	sadd.s32 $0x100, s23;
	s23 =	rddreg [dreg:$0x4];
	s6 =	sadd.s32 $0x20, s5;
	[tilespmem:s2+$0x0] =	vst v39;
	v46 =	vld.idx.msk [tilespmem:v29+s9+$0x0], $0xffff  }
0x20d: {  	v44 =	vadd.s32 $0x10A, v27;
	s30 =	sadd.s32 $0x14700, s26;
	s4 =	rddreg [dreg:$0x9];
	s14 =	sadd.s32 $0x10, s6;
	[tilespmem:s10+$0x0] =	vst v26;
	v40 =	vld.idx.msk [tilespmem:v56+s11+$0x0], $0xffff  }
0x20e: {  	v47 =	vor.u32 $0x4, v2;
	s22 =	smov.u32 s20;
	s18 =	sor.u32 s25, s16;
	s16 =	sadd.s32 $0x16400, s17;
	v48 =	vld.idx.msk [tilespmem:v28+s9+$0x0], $0xffff;
	[tilespmem:s13+$0x0] =	vst v22  }
0x20f: {  	s5 =	sand.u32 $0x70, s14;
	s20 =	sor.u32 s22, s15;
	v49 =	vor.u32 $0x1, v29;
	s10 =	sor.u32 s21, s16;
	v53 =	vld.idx.msk [tilespmem:v33+s11+$0x0], $0xffff;
	[tilespmem:s23+$0x0] =	vst v45  }
0x210: {  	v52 =	vadd.s32 $0x2D, v38;
	s0 =	sadd.s32 $0x1, s4;
	s4 =	sand.u32 $0xC00, s19;
	s13 =	sor.u32 s28, s30;
	[tilespmem:s10+$0x0] =	vst v35  }
0x211: {  	s15 =	sand.u32 $0x60, s6;
	[dreg:$0x10] =	wrdreg s20;
	v24 =	vshll.u32 v24, $0x2;
	v57 =	vor.u32 $0x1, v28;
	s20 =	sor.u32 $0x12380, s4;
	v45 =	vld.idx.msk [tilespmem:v13+s24+$0x0], $0xffff;
	[tilespmem:s13+$0x0] =	vst v43  }
0x212: {  	v50 =	vadd.s32 $0x2C, v24;
	s2 =	sor.u32 s15, s20;
	s13 =	sor.u32 s5, s20;
	s20 =	sadd.s32 $0x13580, s29;
	v43 =	vld.idx.msk [tilespmem:v44+s11+$0x0], $0xffff  }
0x213: {  	v58 =	vld.idx.msk [tilespmem:v47+s24+$0x0], $0xffff;
	[tilespmem:s13+$0x0] =	vst v46;
	s23 =	sor.u32 s7, s20  }
0x214: {  	v49 =	vld.idx.msk [tilespmem:v49+s9+$0x0], $0xffff;
	[tilespmem:s23+$0x0] =	vst v40  }
0x215: {  	v59 =	vadd.s32 $0x10B, v27;
	[tilespmem:s2+$0x0] =	vst v48;
	v40 =	vld.idx.msk [tilespmem:v52+s11+$0x0], $0xffff  }
0x216: {  	v48 =	vor.u32 $0x2, v29;
	v41 =	vld.idx.msk [tilespmem:v57+s9+$0x0], $0xffff;
	[tilespmem:s18+$0x0] =	vst v53  }
0x217: {  	[dreg:$0x5] =	wrdreg s6;
	s1 =	sadd.s32 $0x16480, s17;
	v22 =	vmov s6;
	s6 =	sor.u32 s6, s19;
	v50 =	vld.idx.msk [tilespmem:v50+s11+$0x0], $0xffff  }
0x218: {  	v42 =	vor.u32 $0x2, v28;
	s10 =	sor.u32 $0x380, s6;
	s6 =	sor.u32 s21, s1;
	s23 =	smov.u32 s8;
	v61 =	vld.idx.msk [tilespmem:v31+s11+$0x0], $0xffff  }
0x219: {  	[dreg:$0x4] =	wrdreg s23;
	v52 =	vadd.s32 $0x2E, v38;
	s23 =	sadd.s32 $0x13600, s29;
	v56 =	vld.idx.msk [tilespmem:v25+s11+$0x0], $0xffff;
	[tilespmem:s6+$0x0] =	vst v43  }
0x21a: {  	v51 =	vadd.s32 $0x2D, v24;
	v43 =	vshll.u32 v58, $0x2;
	s6 =	sor.u32 s7, s23;
	v60 =	vld.idx.msk [tilespmem:v59+s11+$0x0], $0xffff;
	[tilespmem:s13+$0x80] =	vst v49  }
0x21b: {  	v62 =	vadd.s32 $0xB0, v43;
	v48 =	vld.idx.msk [tilespmem:v48+s9+$0x0], $0xffff;
	[tilespmem:s6+$0x0] =	vst v40  }
0x21c: {  	s20 =	sor.u32 s12, s20;
	s8 =	sor.u32 s12, s23;
	s23 =	simm.s32 $0x10200;
	[tilespmem:s2+$0x80] =	vst v41  }
0x21d: {  	v55 =	vor.u32 $0x7, v1;
	s30 =	sor.u32 s25, s30;
	v41 =	vld.idx.msk [tilespmem:v42+s23+$0x0], $0xffff;
	[tilespmem:s20+$0x0] =	vst v50  }
0x21e: {  	v40 =	vld.idx.msk [tilespmem:v52+s11+$0x0], $0xffff;
	v52 =	vor.u32 $0x3, v29;
	[tilespmem:s30+$0x0] =	vst v61  }
0x21f: {  	s18 =	sor.u32 s22, s1;
	s1 =	sadd.s32 $0x16500, s17;
	v38 =	vadd.s32 $0x2F, v38;
	s20 =	rddreg [dreg:$0x8];
	v46 =	vld.idx.msk [tilespmem:v51+s11+$0x0], $0xffff  }
0x220: {  	v36 =	vor.u32 $0x3, v28;
	v45 =	vshll.u32 v45, $0x2;
	s9 =	sor.u32 s21, s1;
	[tilespmem:s20+$0x0] =	vst v56;
	v53 =	vld.idx.msk [tilespmem:v62+s11+$0x0], $0xffff  }
0x221: {  	v63 =	vadd.s32 $0x108, v45;
	[tilespmem:s9+$0x0] =	vst v60;
	s9 =	sadd.s32 $0x13680, s29;
	v58 =	vld.idx.msk [tilespmem:v17+s24+$0x0], $0xffff  }
0x222: {  	v57 =	vadd.s32 $0xB1, v43;
	v44 =	vld.idx.msk [tilespmem:v55+s24+$0x0], $0xffff;
	[tilespmem:s13+$0x100] =	vst v48;
	s20 =	sor.u32 s12, s9;
	s9 =	sor.u32 s7, s9  }
0x223: {  	v39 =	vadd.s32 $0x2E, v24;
	v42 =	vld.idx.msk [tilespmem:v52+s23+$0x0], $0xffff;
	[tilespmem:s9+$0x0] =	vst v40  }
0x224: {  	s6 =	sor.u32 s22, s1;
	s1 =	sor.u32 $0x15380, s26;
	v60 =	vor.u32 $0x4, v29;
	[tilespmem:s2+$0x100] =	vst v41;
	v38 =	vld.idx.msk [tilespmem:v38+s11+$0x0], $0xffff  }
0x225: {  	s9 =	sor.u32 s28, s1;
	v59 =	vld.idx.msk [tilespmem:v36+s23+$0x0], $0xffff;
	[tilespmem:s8+$0x0] =	vst v46  }
0x226: {  	v34 =	vor.u32 $0x4, v28;
	v54 =	vadd.s32 $0x109, v45;
	v61 =	vor.u32 $0x2, v3;
	[tilespmem:s9+$0x0] =	vst v53;
	v46 =	vld.idx.msk [tilespmem:v63+s11+$0x0], $0xffff  }
0x227: {  	v31 =	vadd.s32 $0x10A, v45;
	v25 =	vadd.s32 $0x10B, v45;
	s30 =	sor.u32 s25, s1;
	s1 =	sadd.s32 $0x13700, s29;
	v45 =	vld.idx.msk [tilespmem:v57+s11+$0x0], $0xffff;
	v44 =	vshll.u32 v44, $0x2  }
0x228: {  	s8 =	sor.u32 s7, s1;
	v39 =	vld.idx.msk [tilespmem:v39+s11+$0x0], $0xffff;
	v62 =	vadd.s32 $0x134, v44;
	[tilespmem:s13+$0x180] =	vst v42  }
0x229: {  	v48 =	vshll.u32 v58, $0x2;
	v63 =	vadd.s32 $0xB2, v43;
	v58 =	vld.idx.msk [tilespmem:v60+s23+$0x0], $0xffff;
	[tilespmem:s8+$0x0] =	vst v38  }
0x22a: {  	s31 =	sadd.s32 $0x15400, s26;
	v37 =	vadd.s32 $0x2F, v24;
	s9 =	sor.u32 s12, s1;
	v23 =	vld.idx.msk [tilespmem:v23+s11+$0x0], $0xffff;
	s1 =	rddreg [dreg:$0x10];
	[tilespmem:s2+$0x180] =	vst v59  }
0x22b: {  	v56 =	vadd.s32 $0xB0, v48;
	s8 =	sor.u32 s25, s31;
	s31 =	sor.u32 s28, s31;
	v38 =	vld.idx.msk [tilespmem:v61+s24+$0x0], $0xffff;
	[tilespmem:s1+$0x0] =	vst v46  }
0x22c: {  	[tilespmem:s31+$0x0] =	vst v45;
	v46 =	vld.idx.msk [tilespmem:v34+s23+$0x0], $0xffff  }
0x22d: {  	v59 =	vor.u32 $0x5, v29;
	v60 =	vld.idx.msk [tilespmem:v62+s11+$0x0], $0xffff  }
0x22e: {  	v32 =	vor.u32 $0x5, v28;
	[tilespmem:s20+$0x0] =	vst v39;
	s20 =	rddreg [dreg:$0x6];
	v45 =	vld.idx.msk [tilespmem:v63+s11+$0x0], $0xffff  }
0x22f: {  	v61 =	vadd.s32 $0x135, v44;
	v37 =	vld.idx.msk [tilespmem:v37+s11+$0x0], $0xffff;
	[tilespmem:s20+$0x0] =	vst v23;
	s20 =	sadd.s32 $0x16580, s17  }
0x230: {  	v43 =	vadd.s32 $0xB3, v43;
	[tilespmem:s13+$0x200] =	vst v58;
	v23 =	vld.idx.msk [tilespmem:v56+s11+$0x0], $0xffff;
	s1 =	sor.u32 s22, s20  }
0x231: {  	s31 =	sadd.s32 $0x15480, s26;
	v62 =	vld.idx.msk [tilespmem:v54+s11+$0x0], $0xffff;
	[dreg:$0xf] =	wrdreg s1;
	s1 =	sor.u32 s21, s20;
	[tilespmem:s2+$0x200] =	vst v46  }
0x232: {  	v57 =	vadd.s32 $0xB1, v48;
	v40 =	vld.idx.msk [tilespmem:v59+s23+$0x0], $0xffff;
	s20 =	sor.u32 s25, s31;
	s31 =	sor.u32 s28, s31;
	[tilespmem:s1+$0x0] =	vst v60  }
0x233: {  	v63 =	vor.u32 $0x6, v29;
	v34 =	vshll.u32 v38, $0x2;
	v32 =	vld.idx.msk [tilespmem:v32+s23+$0x0], $0xffff;
	[tilespmem:s31+$0x0] =	vst v45  }
0x234: {  	v51 =	vadd.s32 $0xB2, v48;
	v36 =	vadd.s32 $0xB3, v48;
	v49 =	vadd.s32 $0x58, v34;
	v48 =	vld.idx.msk [tilespmem:v61+s11+$0x0], $0xffff  }
0x235: {  	[tilespmem:s9+$0x0] =	vst v37;
	v43 =	vld.idx.msk [tilespmem:v43+s11+$0x0], $0xffff  }
0x236: {  	v52 =	vadd.s32 $0x136, v44;
	v53 =	vld.idx.msk [tilespmem:v21+s24+$0x0], $0xffff;
	[tilespmem:s30+$0x0] =	vst v23  }
0x237: {  	v30 =	vor.u32 $0x6, v28;
	s16 =	sor.u32 s22, s16;
	s1 =	sadd.s32 $0x16600, s17;
	s9 =	rddreg [dreg:$0x7];
	[tilespmem:s13+$0x280] =	vst v40;
	v54 =	vld.idx.msk [tilespmem:v57+s11+$0x0], $0xffff  }
0x238: {  	s31 =	smov.u32 s7;
	v23 =	vor.u32 $0x5, v2;
	s13 =	sadd.s32 $0x15500, s26;
	[tilespmem:s16+$0x0] =	vst v62;
	v40 =	vld.idx.msk [tilespmem:v63+s23+$0x0], $0xffff;
	s23 =	sor.u32 s21, s1  }
0x239: {  	s7 =	smov.u32 s12;
	s12 =	sadd.s32 $0x2, s9;
	v39 =	vld.idx.msk [tilespmem:v49+s11+$0x0], $0xffff;
	s9 =	sor.u32 s28, s13;
	[tilespmem:s23+$0x0] =	vst v48  }
0x23a: {  	s30 =	sand.u32 $0x7, s12;
	[tilespmem:s9+$0x0] =	vst v43  }
0x23b: {  	v29 =	vor.u32 $0x7, v29;
	s30 =	sshll.u32 s30, $0x4;
	[tilespmem:s2+$0x280] =	vst v32;
	s9 =	simm.s32 $0x10200;
	v37 =	vld.idx.msk [tilespmem:v52+s11+$0x0], $0xffff  }
0x23c: {  	[dreg:$0x9] =	wrdreg s0;
	s0 =	sand.u32 $0x3, s0;
	s23 =	sadd.s32 s19, s30;
	v30 =	vld.idx.msk [tilespmem:v30+s9+$0x0], $0xffff  }
0x23d: {  	v19 =	vor.u32 $0x7, v28;
	s16 =	sor.u32 s25, s13;
	s13 =	sor.u32 s22, s1;
	s1 =	sadd.s32 $0x10, s23;
	v55 =	vld.idx.msk [tilespmem:v23+s24+$0x0], $0xffff;
	[tilespmem:s8+$0x0] =	vst v54  }
0x23e: {  	s0 =	sshll.u32 s0, $0x5;
	v56 =	vadd.s32 $0x137, v44;
	s2 =	sadd.s32 $0x16680, s17;
	v23 =	vshll.u32 v53, $0x2;
	s1 =	sor.u32 $0x300, s1;
	v31 =	vld.idx.msk [tilespmem:v31+s11+$0x0], $0xffff  }
0x23f: {  	s0 =	sadd.s32 s0, s19;
	v57 =	vadd.s32 $0x58, v23;
	[tilespmem:s1+$0x12380] =	vst v40;
	v60 =	vld.idx.msk [tilespmem:v51+s11+$0x0], $0xffff;
	s1 =	sor.u32 s21, s2  }
0x240: {  	s0 =	sor.u32 $0x300, s0;
	v59 =	vadd.s32 $0x59, v34;
	v61 =	vmov s14;
	s23 =	sor.u32 $0x14380, s29;
	v29 =	vld.idx.msk [tilespmem:v29+s9+$0x0], $0xffff;
	[tilespmem:s1+$0x0] =	vst v37  }
0x241: {  	[dreg:$0x7] =	wrdreg s12;
	v44 =	vshll.u32 v61, $0x7;
	s12 =	sor.u32 s22, s2;
	s2 =	sor.u32 s31, s23;
	v62 =	vld.idx.msk [tilespmem:v8+s24+$0x0], $0xffff;
	[tilespmem:s0+$0x12380] =	vst v30  }
0x242: {  	v63 =	vor.u32 v0, v44;
	v32 =	vshll.u32 v55, $0x2;
	[tilespmem:s2+$0x0] =	vst v39;
	v48 =	vld.idx.msk [tilespmem:v19+s9+$0x0], $0xffff  }
0x243: {  	v22 =	vshll.u32 v22, $0x7;
	v30 =	vadd.s32 $0xDC, v32;
	[tilespmem:s18+$0x0] =	vst v31;
	v38 =	vld.idx.msk [tilespmem:v56+s11+$0x0], $0xffff  }
0x244: {  	v26 =	vor.u32 v0, v22;
	s14 =	sor.u32 s14, s19;
	v41 =	vld.idx.msk [tilespmem:v57+s11+$0x0], $0xffff  }
0x245: {  	v58 =	vadd.s32 $0x59, v23;
	s0 =	sor.u32 $0x380, s14;
	v39 =	vld.idx.msk [tilespmem:v59+s11+$0x0], $0xffff;
	[tilespmem:s20+$0x0] =	vst v60  }
0x246: {  	v24 =	vor.u32 $0x1, v26;
	v33 =	vor.u32 $0x8, v26;
	v31 =	vor.u32 $0x8, v1;
	s18 =	sadd.s32 $0x16700, s17;
	[tilespmem:s0+$0x12380] =	vst v29;
	v29 =	vld.idx.msk [tilespmem:v36+s11+$0x0], $0xffff  }
0x247: {  	v49 =	vadd.s32 $0x5A, v34;
	v8 =	vmovc v4;
	v4 =	vmovc v5;
	v5 =	vmov v7;
	v7 =	vmov v33;
	s0 =	sor.u32 s21, s18;
	v33 =	vld.idx.msk [tilespmem:v63+s24+$0x0], $0xffff;
	[tilespmem:s10+$0x12380] =	vst v48  }
0x248: {  	v35 =	vor.u32 $0x2, v26;
	v22 =	vor.u32 $0x3, v26;
	v28 =	vor.u32 $0x5, v26;
	s8 =	sor.u32 s7, s23;
	s23 =	smov.u32 s19;
	s19 =	sadd.s32 $0x14400, s29;
	v51 =	vld.idx.msk [tilespmem:v30+s11+$0x0], $0xffff;
	[tilespmem:s0+$0x0] =	vst v38  }
0x249: {  	v13 =	vmovc v12;
	v12 =	vmovc v14;
	v14 =	vor.u32 $0x6, v26;
	v27 =	vor.u32 $0x7, v26;
	v47 =	vor.u32 $0x4, v26;
	s1 =	sor.u32 s31, s19;
	v26 =	vld.idx.msk [tilespmem:v26+s24+$0x0], $0xffff;
	[tilespmem:s8+$0x0] =	vst v41  }
0x24a: {  	v50 =	vshll.u32 v62, $0x2;
	[tilespmem:s1+$0x0] =	vst v39;
	v41 =	vld.idx.msk [tilespmem:v58+s11+$0x0], $0xffff  }
0x24b: {  	v52 =	vadd.s32 $0x160, v50;
	v31 =	vld.idx.msk [tilespmem:v31+s24+$0x0], $0xffff  }
0x24c: {  	[tilespmem:s16+$0x0] =	vst v29;
	v39 =	vld.idx.msk [tilespmem:v49+s11+$0x0], $0xffff  }
0x24d: {  	v21 =	vmov v35;
	v35 =	vadd.s32 $0x5A, v23;
	v29 =	vld.idx.msk [tilespmem:v15+s24+$0x0], $0xffff  }
0x24e: {  	s30 =	smov.u32 s28;
	[dreg:$0x8] =	wrdreg s12;
	v53 =	vadd.s32 $0xDD, v32  }
0x24f: {  	v34 =	vadd.s32 $0x5B, v34;
	s14 =	sor.u32 s7, s19;
	s12 =	sor.u32 s22, s18;
	s18 =	sadd.s32 $0x15580, s26;
	v25 =	vld.idx.msk [tilespmem:v25+s11+$0x0], $0xffff  }
0x250: {  	s19 =	sadd.s32 $0x14480, s29;
	s0 =	sor.u32 s30, s18;
	v15 =	vmov v16;
	v16 =	vmov v28;
	v28 =	vshll.u32 v33, $0x2;
	v54 =	vld.idx.msk [tilespmem:v52+s11+$0x0], $0xffff;
	[tilespmem:s14+$0x0] =	vst v41  }
0x251: {  	s1 =	sor.u32 s31, s19;
	[tilespmem:s0+$0x0] =	vst v51;
	v56 =	vshll.u32 v26, $0x2;
	v31 =	vshll.u32 v31, $0x2;
	v43 =	vld.idx.msk [tilespmem:v6+s11+$0x0], $0xffff  }
0x252: {  	[tilespmem:s1+$0x0] =	vst v39;
	v35 =	vld.idx.msk [tilespmem:v35+s11+$0x0], $0xffff;
	v26 =	vshll.u32 v29, $0x2;
	v55 =	vadd.s32 $0x160, v31  }
0x253: {  	v37 =	vld.idx.msk [tilespmem:v53+s11+$0x0], $0xffff;
	v61 =	vadd.s32 $0xDC, v26  }
0x254: {  	v23 =	vadd.s32 $0x5B, v23;
	s20 =	smov.u32 s25;
	s14 =	rddreg [dreg:$0xd];
	[tilespmem:s6+$0x0] =	vst v25;
	v34 =	vld.idx.msk [tilespmem:v34+s11+$0x0], $0xffff  }
0x255: {  	v1 =	vmov v2;
	v2 =	vmov v3;
	v59 =	vadd.s32 $0xDE, v32;
	s10 =	sor.u32 s20, s18;
	s18 =	rddreg [dreg:$0xe];
	v29 =	vld.idx.msk [tilespmem:v28+s11+$0x0], $0xffff;
	[tilespmem:s14+$0x0] =	vst v54  }
0x256: {  	s2 =	sadd.s32 $0x15600, s26;
	v60 =	vor.u32 $0x3, v2;
	s8 =	sor.u32 s7, s19;
	v33 =	vld.idx.msk [tilespmem:v56+s11+$0x0], $0xffff;
	[tilespmem:s18+$0x0] =	vst v43  }
0x257: {  	[dreg:$0x6] =	wrdreg s12;
	s12 =	sadd.s32 $0x14500, s29;
	v48 =	vor.u32 $0x1, v28;
	s1 =	sor.u32 s30, s2;
	v25 =	vld.idx.msk [tilespmem:v55+s11+$0x0], $0xffff;
	[tilespmem:s8+$0x0] =	vst v35  }
0x258: {  	s0 =	sor.u32 s20, s2;
	v57 =	vor.u32 $0x1, v56;
	s2 =	sor.u32 s31, s12;
	[tilespmem:s1+$0x0] =	vst v37;
	v35 =	vld.idx.msk [tilespmem:v61+s11+$0x0], $0xffff  }
0x259: {  	s16 =	sor.u32 $0x13380, s4;
	v49 =	vadd.s32 $0x161, v31;
	[tilespmem:s2+$0x0] =	vst v34;
	v23 =	vld.idx.msk [tilespmem:v23+s11+$0x0], $0xffff  }
0x25a: {  	v19 =	vadd.s32 $0x162, v50;
	s1 =	sor.u32 s5, s16;
	v34 =	vld.idx.msk [tilespmem:v59+s11+$0x0], $0xffff  }
0x25b: {  	v32 =	vadd.s32 $0xDF, v32;
	v36 =	vadd.s32 $0x163, v50;
	v30 =	vadd.s32 $0x161, v50;
	s14 =	sor.u32 s15, s16;
	s16 =	sor.u32 $0x17380, s17;
	v50 =	vld.idx.msk [tilespmem:v60+s24+$0x0], $0xffff;
	[tilespmem:s1+$0x0] =	vst v29  }
0x25c: {  	s19 =	rddreg [dreg:$0xc];
	v62 =	vadd.s32 $0xDD, v26;
	s18 =	sor.u32 s21, s16;
	[tilespmem:s14+$0x0] =	vst v33;
	v38 =	vld.idx.msk [tilespmem:v48+s11+$0x0], $0xffff  }
0x25d: {  	s6 =	sor.u32 s7, s12;
	s12 =	smov.u32 s19;
	s19 =	sadd.s32 $0x15680, s26;
	v33 =	vld.idx.msk [tilespmem:v57+s11+$0x0], $0xffff;
	[tilespmem:s18+$0x0] =	vst v25  }
0x25e: {  	v51 =	vor.u32 $0x2, v28;
	s14 =	sor.u32 s30, s19;
	v25 =	vld.idx.msk [tilespmem:v49+s11+$0x0], $0xffff;
	[tilespmem:s10+$0x0] =	vst v35  }
0x25f: {  	v58 =	vor.u32 $0x2, v56;
	[tilespmem:s14+$0x0] =	vst v34;
	v35 =	vld.idx.msk [tilespmem:v9+s24+$0x0], $0xffff  }
0x260: {  	s28 =	smov.u32 s29;
	v52 =	vadd.s32 $0x162, v31;
	s29 =	sor.u32 s22, s16;
	s16 =	sadd.s32 $0x13400, s4;
	v29 =	vshll.u32 v50, $0x2;
	[tilespmem:s6+$0x0] =	vst v23;
	v32 =	vld.idx.msk [tilespmem:v32+s11+$0x0], $0xffff  }
0x261: {  	s1 =	sor.u32 s5, s16;
	v39 =	vadd.s32 $0x84, v29;
	v23 =	vld.idx.msk [tilespmem:v62+s11+$0x0], $0xffff  }
0x262: {  	s2 =	sor.u32 s20, s19;
	s19 =	sadd.s32 $0x17400, s17;
	s18 =	sor.u32 s15, s16;
	v9 =	vmovc v10;
	v10 =	vmov v11;
	v11 =	vmov v27;
	v27 =	vor.u32 $0x6, v1;
	[tilespmem:s1+$0x0] =	vst v38;
	v53 =	vld.idx.msk [tilespmem:v20+s24+$0x0], $0xffff  }
0x263: {  	v3 =	vmov v63;
	v63 =	vadd.s32 $0xDE, v26;
	s10 =	sor.u32 s21, s19;
	v20 =	vmov v22;
	[tilespmem:s18+$0x0] =	vst v33;
	v22 =	vld.idx.msk [tilespmem:v51+s11+$0x0], $0xffff  }
0x264: {  	s16 =	sadd.s32 $0x15700, s26;
	v58 =	vld.idx.msk [tilespmem:v58+s11+$0x0], $0xffff;
	[tilespmem:s10+$0x0] =	vst v25  }
0x265: {  	v6 =	vmovc v36;
	v36 =	vor.u32 $0x3, v56;
	v55 =	vor.u32 $0x3, v28;
	s18 =	sor.u32 s30, s16;
	v54 =	vld.idx.msk [tilespmem:v52+s11+$0x0], $0xffff;
	v56 =	vshll.u32 v35, $0x2  }
0x266: {  	v39 =	vld.idx.msk [tilespmem:v39+s11+$0x0], $0xffff;
	[tilespmem:s18+$0x0] =	vst v32;
	v60 =	vadd.s32 $0x134, v56  }
0x267: {  	s14 =	sor.u32 s22, s19;
	s19 =	sadd.s32 $0x13480, s4;
	[tilespmem:s0+$0x0] =	vst v23;
	v27 =	vld.idx.msk [tilespmem:v27+s24+$0x0], $0xffff  }
0x268: {  	v57 =	vadd.s32 $0x163, v31;
	s8 =	sor.u32 s5, s19;
	v61 =	vld.idx.msk [tilespmem:v63+s11+$0x0], $0xffff  }
0x269: {  	v59 =	vadd.s32 $0x85, v29;
	s10 =	sor.u32 s20, s16;
	s16 =	sadd.s32 $0x17480, s17;
	v31 =	vshll.u32 v53, $0x2;
	s24 =	sor.u32 s15, s19;
	[tilespmem:s8+$0x0] =	vst v22;
	v63 =	vld.idx.msk [tilespmem:v30+s11+$0x0], $0xffff  }
0x26a: {  	s1 =	sor.u32 s21, s16;
	s18 =	sadd.s32 $0x14580, s28;
	v62 =	vadd.s32 $0x84, v31;
	v38 =	vld.idx.msk [tilespmem:v55+s11+$0x0], $0xffff;
	[tilespmem:s24+$0x0] =	vst v58  }
.Ltmp0:
0x26b: {  	s8 =	sor.u32 s31, s18;
	[tilespmem:s1+$0x0] =	vst v54;
	v30 =	vld.idx.msk [tilespmem:v60+s11+$0x0], $0xffff;
	(pc) =	sbr.rel @p0 .LBB2_2-.Ltmp0, $4  }
0x26c: {  	s3 =	sadd.s32 $0x20, s3;
	s25 =	smov.u32 s26;
	v40 =	vor.u32 $0x1, v3;
	v26 =	vadd.s32 $0xDF, v26;
	s26 =	smov.u32 s22;
	[tilespmem:s8+$0x0] =	vst v39;
	v39 =	vld.idx.msk [tilespmem:v36+s11+$0x0], $0xffff  }
0x26d: {  	s6 =	rddreg [dreg:$0xa];
	s17 =	sadd.s32 $0x17500, s17;
	v28 =	vadd.s32 $0x135, v56;
	v25 =	vadd.s32 $0x136, v56;
	v23 =	vadd.s32 $0x137, v56;
	s8 =	smov.u32 s4;
	v22 =	vld.idx.msk [tilespmem:v57+s11+$0x0], $0xffff  }
0x26e: {  	v34 =	vadd.s32 $0x85, v31;
	v33 =	vadd.s32 $0x86, v31;
	s19 =	sor.u32 s22, s16;
	s24 =	rddreg [dreg:$0xb];
	v35 =	vld.idx.msk [tilespmem:v59+s11+$0x0], $0xffff;
	v27 =	vshll.u32 v27, $0x2;
	s16 =	sadd.s32 $0x13500, s8;
	[tilespmem:s2+$0x0] =	vst v61  }
0x26f: {  	v17 =	vmovc v18;
	v18 =	vmovc v47;
	s0 =	sor.u32 s7, s18;
	v31 =	vadd.s32 $0x87, v31;
	s4 =	rddreg [dreg:$0xf];
	v36 =	vadd.s32 $0x86, v29;
	v32 =	vadd.s32 $0x108, v27;
	s2 =	sor.u32 s5, s16;
	v37 =	vld.idx.msk [tilespmem:v62+s11+$0x0], $0xffff;
	[tilespmem:s24+$0x0] =	vst v63  }
0x270: {  	_ =	sdelay $0x2  }
0x271: {  	[tilespmem:s2+$0x0] =	vst v38;
	s1 =	sor.u32 s15, s16;
	s6 =	simm.s32 $0x200  }
0x272: {  	v38 =	vld.idx.msk [tilespmem:v40+s6+$0x0], $0xffff;
	[tilespmem:s1+$0x0] =	vst v39  }
0x273: {  	v24 =	vld.idx.msk [tilespmem:v24+s6+$0x0], $0xffff;
	_ =	sdelay $0x3  }
0x274: {  	v38 =	vshll.u32 v38, $0x2  }
0x275: {  	v57 =	vadd.s32 $0x2C, v38;
	v24 =	vshll.u32 v24, $0x2  }
0x276: {  	v58 =	vadd.s32 $0x2C, v24;
	_ =	sdelay $0x3  }
0x277: {  	v39 =	vld.idx.msk [tilespmem:v57+s11+$0x0], $0xffff  }
0x278: {  	v41 =	vadd.s32 $0x2D, v38;
	v40 =	vld.idx.msk [tilespmem:v58+s11+$0x0], $0xffff  }
0x279: {  	v42 =	vadd.s32 $0x2D, v24  }
0x27a: {  	s3 =	sadd.s32 $0x13580, s8  }
0x27b: {  	s16 =	sor.u32 s5, s3  }
0x27c: {  	s1 =	sor.u32 s15, s3;
	[tilespmem:s16+$0x0] =	vst v39  }
0x27d: {  	v39 =	vld.idx.msk [tilespmem:v41+s11+$0x0], $0xffff;
	[tilespmem:s1+$0x0] =	vst v40  }
0x27e: {  	v59 =	vadd.s32 $0x2E, v38;
	v40 =	vld.idx.msk [tilespmem:v42+s11+$0x0], $0xffff  }
0x27f: {  	v60 =	vadd.s32 $0x2E, v24  }
0x280: {  	s18 =	sadd.s32 $0x13600, s8  }
0x281: {  	s22 =	sor.u32 s5, s18  }
0x282: {  	s1 =	sor.u32 s15, s18;
	[tilespmem:s22+$0x0] =	vst v39  }
0x283: {  	v39 =	vld.idx.msk [tilespmem:v59+s11+$0x0], $0xffff;
	[tilespmem:s1+$0x0] =	vst v40  }
0x284: {  	v38 =	vadd.s32 $0x2F, v38;
	v40 =	vld.idx.msk [tilespmem:v60+s11+$0x0], $0xffff  }
0x285: {  	v24 =	vadd.s32 $0x2F, v24  }
0x286: {  	s23 =	sadd.s32 $0x13680, s8  }
0x287: {  	s24 =	sor.u32 s5, s23  }
0x288: {  	s1 =	sor.u32 s15, s23;
	[tilespmem:s24+$0x0] =	vst v39  }
0x289: {  	v38 =	vld.idx.msk [tilespmem:v38+s11+$0x0], $0xffff;
	[tilespmem:s1+$0x0] =	vst v40  }
0x28a: {  	v61 =	vor.u32 $0x2, v3;
	v24 =	vld.idx.msk [tilespmem:v24+s11+$0x0], $0xffff;
	_ =	sdelay $0x1  }
0x28b: {  	s3 =	sadd.s32 $0x13700, s8  }
0x28c: {  	s16 =	sor.u32 s5, s3  }
0x28d: {  	s1 =	sor.u32 s15, s3;
	[tilespmem:s16+$0x0] =	vst v38  }
0x28e: {  	v38 =	vld.idx.msk [tilespmem:v61+s6+$0x0], $0xffff;
	[tilespmem:s1+$0x0] =	vst v24  }
0x28f: {  	v21 =	vld.idx.msk [tilespmem:v21+s6+$0x0], $0xffff;
	_ =	sdelay $0x3  }
0x290: {  	v62 =	vshll.u32 v38, $0x2  }
0x291: {  	v38 =	vadd.s32 $0x58, v62;
	v21 =	vshll.u32 v21, $0x2  }
0x292: {  	v63 =	vadd.s32 $0x58, v21;
	_ =	sdelay $0x3  }
0x293: {  	v38 =	vld.idx.msk [tilespmem:v38+s11+$0x0], $0xffff  }
0x294: {  	v44 =	vadd.s32 $0x59, v62;
	v39 =	vld.idx.msk [tilespmem:v63+s11+$0x0], $0xffff  }
0x295: {  	v45 =	vadd.s32 $0x59, v21  }
0x296: {  	s18 =	sor.u32 $0x14380, s8  }
0x297: {  	s22 =	sor.u32 s5, s18  }
0x298: {  	s1 =	sor.u32 s15, s18;
	[tilespmem:s22+$0x0] =	vst v38  }
0x299: {  	v38 =	vld.idx.msk [tilespmem:v44+s11+$0x0], $0xffff;
	[tilespmem:s1+$0x0] =	vst v39  }
0x29a: {  	v46 =	vadd.s32 $0x5A, v62;
	v39 =	vld.idx.msk [tilespmem:v45+s11+$0x0], $0xffff  }
0x29b: {  	v47 =	vadd.s32 $0x5A, v21  }
0x29c: {  	s23 =	sadd.s32 $0x14400, s8  }
0x29d: {  	s24 =	sor.u32 s5, s23  }
0x29e: {  	s1 =	sor.u32 s15, s23;
	[tilespmem:s24+$0x0] =	vst v38  }
0x29f: {  	v38 =	vld.idx.msk [tilespmem:v46+s11+$0x0], $0xffff;
	[tilespmem:s1+$0x0] =	vst v39  }
0x2a0: {  	v24 =	vadd.s32 $0x5B, v62;
	v39 =	vld.idx.msk [tilespmem:v47+s11+$0x0], $0xffff  }
0x2a1: {  	v21 =	vadd.s32 $0x5B, v21  }
0x2a2: {  	s3 =	sadd.s32 $0x14480, s8  }
0x2a3: {  	s16 =	sor.u32 s5, s3  }
0x2a4: {  	s1 =	sor.u32 s15, s3;
	[tilespmem:s16+$0x0] =	vst v38  }
0x2a5: {  	v24 =	vld.idx.msk [tilespmem:v24+s11+$0x0], $0xffff;
	[tilespmem:s1+$0x0] =	vst v39  }
0x2a6: {  	v48 =	vor.u32 $0x3, v3;
	v21 =	vld.idx.msk [tilespmem:v21+s11+$0x0], $0xffff;
	_ =	sdelay $0x1  }
0x2a7: {  	s18 =	sadd.s32 $0x14500, s8  }
0x2a8: {  	s22 =	sor.u32 s5, s18  }
0x2a9: {  	s1 =	sor.u32 s15, s18;
	[tilespmem:s22+$0x0] =	vst v24  }
0x2aa: {  	v24 =	vld.idx.msk [tilespmem:v48+s6+$0x0], $0xffff;
	[tilespmem:s1+$0x0] =	vst v21  }
0x2ab: {  	v20 =	vld.idx.msk [tilespmem:v20+s6+$0x0], $0xffff;
	_ =	sdelay $0x3  }
0x2ac: {  	v49 =	vshll.u32 v24, $0x2  }
0x2ad: {  	v24 =	vadd.s32 $0x84, v49;
	v20 =	vshll.u32 v20, $0x2  }
0x2ae: {  	v50 =	vadd.s32 $0x84, v20;
	_ =	sdelay $0x3  }
0x2af: {  	v24 =	vld.idx.msk [tilespmem:v24+s11+$0x0], $0xffff  }
0x2b0: {  	v51 =	vadd.s32 $0x85, v49;
	v38 =	vld.idx.msk [tilespmem:v50+s11+$0x0], $0xffff  }
0x2b1: {  	s2 =	sadd.s32 $0x14600, s28;
	v52 =	vadd.s32 $0x85, v20  }
0x2b2: {  	[tilespmem:s0+$0x0] =	vst v37;
	s23 =	sadd.s32 $0x14580, s8;
	s3 =	sor.u32 s31, s2  }
0x2b3: {  	v34 =	vld.idx.msk [tilespmem:v34+s11+$0x0], $0xffff;
	s24 =	sor.u32 s5, s23;
	[tilespmem:s3+$0x0] =	vst v35  }
0x2b4: {  	v36 =	vld.idx.msk [tilespmem:v36+s11+$0x0], $0xffff;
	s1 =	sor.u32 s15, s23;
	[tilespmem:s24+$0x0] =	vst v24  }
0x2b5: {  	v29 =	vadd.s32 $0x87, v29;
	v24 =	vld.idx.msk [tilespmem:v51+s11+$0x0], $0xffff;
	[tilespmem:s1+$0x0] =	vst v38  }
0x2b6: {  	v53 =	vadd.s32 $0x86, v49;
	v38 =	vld.idx.msk [tilespmem:v52+s11+$0x0], $0xffff  }
0x2b7: {  	s22 =	sadd.s32 $0x14680, s28;
	v54 =	vadd.s32 $0x86, v20;
	s1 =	sor.u32 s7, s2  }
0x2b8: {  	s16 =	sadd.s32 $0x14600, s8;
	s23 =	sor.u32 s31, s22;
	[tilespmem:s1+$0x0] =	vst v34  }
0x2b9: {  	s18 =	sor.u32 s5, s16;
	[tilespmem:s23+$0x0] =	vst v36;
	v33 =	vld.idx.msk [tilespmem:v33+s11+$0x0], $0xffff  }
0x2ba: {  	s0 =	sor.u32 s15, s16;
	v29 =	vld.idx.msk [tilespmem:v29+s11+$0x0], $0xffff;
	[tilespmem:s18+$0x0] =	vst v24  }
0x2bb: {  	v56 =	vor.u32 $0x4, v2;
	v24 =	vld.idx.msk [tilespmem:v53+s11+$0x0], $0xffff;
	[tilespmem:s0+$0x0] =	vst v38  }
0x2bc: {  	v21 =	vadd.s32 $0x87, v49;
	v55 =	vld.idx.msk [tilespmem:v54+s11+$0x0], $0xffff  }
0x2bd: {  	s16 =	sadd.s32 $0x14700, s28;
	v20 =	vadd.s32 $0x87, v20;
	s1 =	sor.u32 s7, s22  }
0x2be: {  	s24 =	sadd.s32 $0x14680, s8;
	s18 =	sor.u32 s31, s16;
	[tilespmem:s1+$0x0] =	vst v33  }
0x2bf: {  	s3 =	sor.u32 s5, s24;
	[tilespmem:s18+$0x0] =	vst v29;
	v57 =	vld.idx.msk [tilespmem:v31+s11+$0x0], $0xffff  }
0x2c0: {  	s0 =	sor.u32 s15, s24;
	v29 =	vld.idx.msk [tilespmem:v56+s6+$0x0], $0xffff;
	[tilespmem:s3+$0x0] =	vst v24  }
0x2c1: {  	v21 =	vld.idx.msk [tilespmem:v21+s11+$0x0], $0xffff;
	[tilespmem:s0+$0x0] =	vst v55  }
0x2c2: {  	v58 =	vor.u32 $0x4, v3;
	v20 =	vld.idx.msk [tilespmem:v20+s11+$0x0], $0xffff  }
0x2c3: {  	s1 =	sor.u32 s7, s16  }
0x2c4: {  	s22 =	sadd.s32 $0x14700, s8;
	[tilespmem:s1+$0x0] =	vst v57  }
0x2c5: {  	s23 =	sor.u32 s5, s22;
	v59 =	vshll.u32 v29, $0x2;
	v17 =	vld.idx.msk [tilespmem:v17+s6+$0x0], $0xffff  }
0x2c6: {  	s0 =	sor.u32 s15, s22;
	v60 =	vadd.s32 $0xB0, v59;
	[tilespmem:s23+$0x0] =	vst v21  }
0x2c7: {  	v21 =	vld.idx.msk [tilespmem:v58+s6+$0x0], $0xffff;
	[tilespmem:s0+$0x0] =	vst v20  }
0x2c8: {  	v18 =	vld.idx.msk [tilespmem:v18+s6+$0x0], $0xffff;
	_ =	sdelay $0x1  }
0x2c9: {  	v17 =	vshll.u32 v17, $0x2  }
0x2ca: {  	v24 =	vld.idx.msk [tilespmem:v60+s11+$0x0], $0xffff;
	v62 =	vadd.s32 $0xB0, v17  }
0x2cb: {  	v40 =	vadd.s32 $0xB1, v59;
	v21 =	vshll.u32 v21, $0x2  }
0x2cc: {  	v61 =	vadd.s32 $0xB0, v21;
	v18 =	vshll.u32 v18, $0x2  }
0x2cd: {  	s24 =	sor.u32 $0x15380, s28;
	v63 =	vadd.s32 $0xB0, v18  }
0x2ce: {  	s2 =	sor.u32 s31, s24  }
0x2cf: {  	[tilespmem:s2+$0x0] =	vst v24;
	v31 =	vld.idx.msk [tilespmem:v62+s11+$0x0], $0xffff  }
0x2d0: {  	v42 =	vadd.s32 $0xB1, v17;
	v34 =	vld.idx.msk [tilespmem:v40+s11+$0x0], $0xffff  }
0x2d1: {  	v44 =	vadd.s32 $0xB2, v59;
	v29 =	vld.idx.msk [tilespmem:v61+s11+$0x0], $0xffff  }
0x2d2: {  	v41 =	vadd.s32 $0xB1, v21;
	v33 =	vld.idx.msk [tilespmem:v63+s11+$0x0], $0xffff  }
0x2d3: {  	s22 =	sadd.s32 $0x15400, s28;
	s0 =	sor.u32 s7, s24;
	v43 =	vadd.s32 $0xB1, v18  }
0x2d4: {  	s3 =	sor.u32 $0x15380, s8;
	s23 =	sor.u32 s31, s22;
	[tilespmem:s0+$0x0] =	vst v31  }
0x2d5: {  	s16 =	sor.u32 s5, s3;
	[tilespmem:s23+$0x0] =	vst v34;
	v31 =	vld.idx.msk [tilespmem:v42+s11+$0x0], $0xffff  }
0x2d6: {  	s18 =	sor.u32 s15, s3;
	v46 =	vadd.s32 $0xB2, v17;
	v48 =	vld.idx.msk [tilespmem:v44+s11+$0x0], $0xffff;
	[tilespmem:s16+$0x0] =	vst v29  }
0x2d7: {  	v20 =	vadd.s32 $0xB3, v59;
	v29 =	vld.idx.msk [tilespmem:v41+s11+$0x0], $0xffff;
	[tilespmem:s18+$0x0] =	vst v33  }
0x2d8: {  	v45 =	vadd.s32 $0xB2, v21;
	v24 =	vld.idx.msk [tilespmem:v43+s11+$0x0], $0xffff  }
0x2d9: {  	s1 =	sor.u32 s7, s22;
	v47 =	vadd.s32 $0xB2, v18;
	s16 =	sadd.s32 $0x15480, s28  }
0x2da: {  	s24 =	sadd.s32 $0x15400, s8;
	s18 =	sor.u32 s31, s16;
	[tilespmem:s1+$0x0] =	vst v31  }
0x2db: {  	s3 =	sor.u32 s5, s24;
	[tilespmem:s18+$0x0] =	vst v48;
	v31 =	vld.idx.msk [tilespmem:v46+s11+$0x0], $0xffff  }
0x2dc: {  	v17 =	vadd.s32 $0xB3, v17;
	s0 =	sor.u32 s15, s24;
	v20 =	vld.idx.msk [tilespmem:v20+s11+$0x0], $0xffff;
	[tilespmem:s3+$0x0] =	vst v29  }
0x2dd: {  	v49 =	vor.u32 $0x5, v2;
	v29 =	vld.idx.msk [tilespmem:v45+s11+$0x0], $0xffff;
	[tilespmem:s0+$0x0] =	vst v24  }
0x2de: {  	v21 =	vadd.s32 $0xB3, v21;
	v24 =	vld.idx.msk [tilespmem:v47+s11+$0x0], $0xffff  }
0x2df: {  	v18 =	vadd.s32 $0xB3, v18;
	s24 =	sadd.s32 $0x15500, s28;
	s1 =	sor.u32 s7, s16  }
0x2e0: {  	s22 =	sadd.s32 $0x15480, s8;
	s2 =	sor.u32 s31, s24;
	[tilespmem:s1+$0x0] =	vst v31  }
0x2e1: {  	s23 =	sor.u32 s5, s22;
	[tilespmem:s2+$0x0] =	vst v20;
	v17 =	vld.idx.msk [tilespmem:v17+s11+$0x0], $0xffff  }
0x2e2: {  	s0 =	sor.u32 s15, s22;
	v20 =	vld.idx.msk [tilespmem:v49+s6+$0x0], $0xffff;
	[tilespmem:s23+$0x0] =	vst v29  }
0x2e3: {  	v21 =	vld.idx.msk [tilespmem:v21+s11+$0x0], $0xffff;
	[tilespmem:s0+$0x0] =	vst v24  }
0x2e4: {  	v50 =	vor.u32 $0x5, v3;
	v18 =	vld.idx.msk [tilespmem:v18+s11+$0x0], $0xffff  }
0x2e5: {  	s1 =	sor.u32 s7, s24  }
0x2e6: {  	s3 =	sadd.s32 $0x15500, s8;
	[tilespmem:s1+$0x0] =	vst v17  }
0x2e7: {  	s16 =	sor.u32 s5, s3;
	v52 =	vshll.u32 v20, $0x2;
	v15 =	vld.idx.msk [tilespmem:v15+s6+$0x0], $0xffff  }
0x2e8: {  	s0 =	sor.u32 s15, s3;
	v20 =	vadd.s32 $0xDC, v52;
	[tilespmem:s16+$0x0] =	vst v21  }
0x2e9: {  	v51 =	vld.idx.msk [tilespmem:v50+s6+$0x0], $0xffff;
	[tilespmem:s0+$0x0] =	vst v18  }
0x2ea: {  	v16 =	vld.idx.msk [tilespmem:v16+s6+$0x0], $0xffff;
	_ =	sdelay $0x1  }
0x2eb: {  	v15 =	vshll.u32 v15, $0x2  }
0x2ec: {  	v20 =	vld.idx.msk [tilespmem:v20+s11+$0x0], $0xffff;
	v54 =	vadd.s32 $0xDC, v15  }
0x2ed: {  	v56 =	vadd.s32 $0xDD, v52;
	v17 =	vshll.u32 v51, $0x2  }
0x2ee: {  	v53 =	vadd.s32 $0xDC, v17;
	v16 =	vshll.u32 v16, $0x2  }
0x2ef: {  	s18 =	sadd.s32 $0x15580, s28;
	v55 =	vadd.s32 $0xDC, v16  }
0x2f0: {  	s22 =	sor.u32 s31, s18  }
0x2f1: {  	[tilespmem:s22+$0x0] =	vst v20;
	v24 =	vld.idx.msk [tilespmem:v54+s11+$0x0], $0xffff  }
0x2f2: {  	v58 =	vadd.s32 $0xDD, v15;
	v31 =	vld.idx.msk [tilespmem:v56+s11+$0x0], $0xffff  }
0x2f3: {  	v60 =	vadd.s32 $0xDE, v52;
	v21 =	vld.idx.msk [tilespmem:v53+s11+$0x0], $0xffff  }
0x2f4: {  	v57 =	vadd.s32 $0xDD, v17;
	v29 =	vld.idx.msk [tilespmem:v55+s11+$0x0], $0xffff  }
0x2f5: {  	s16 =	sadd.s32 $0x15600, s28;
	s0 =	sor.u32 s7, s18;
	v59 =	vadd.s32 $0xDD, v16  }
0x2f6: {  	s23 =	sadd.s32 $0x15580, s8;
	s18 =	sor.u32 s31, s16;
	[tilespmem:s0+$0x0] =	vst v24  }
0x2f7: {  	s24 =	sor.u32 s5, s23;
	[tilespmem:s18+$0x0] =	vst v31;
	v63 =	vld.idx.msk [tilespmem:v58+s11+$0x0], $0xffff  }
0x2f8: {  	s3 =	sor.u32 s15, s23;
	v37 =	vadd.s32 $0xDE, v15;
	v39 =	vld.idx.msk [tilespmem:v60+s11+$0x0], $0xffff;
	[tilespmem:s24+$0x0] =	vst v21  }
0x2f9: {  	v18 =	vadd.s32 $0xDF, v52;
	v62 =	vld.idx.msk [tilespmem:v57+s11+$0x0], $0xffff;
	[tilespmem:s3+$0x0] =	vst v29  }
0x2fa: {  	v36 =	vadd.s32 $0xDE, v17;
	v20 =	vld.idx.msk [tilespmem:v59+s11+$0x0], $0xffff  }
0x2fb: {  	v32 =	vld.idx.msk [tilespmem:v32+s11+$0x0], $0xffff;
	[tilespmem:s4+$0x0] =	vst v30;
	s1 =	sor.u32 s7, s16;
	s16 =	sadd.s32 $0x15680, s28;
	v38 =	vadd.s32 $0xDE, v16  }
0x2fc: {  	v26 =	vld.idx.msk [tilespmem:v26+s11+$0x0], $0xffff;
	v61 =	vadd.s32 $0x109, v27;
	s23 =	sadd.s32 $0x15600, s8;
	s18 =	sor.u32 s31, s16;
	[tilespmem:s1+$0x0] =	vst v63  }
0x2fd: {  	s24 =	sor.u32 s5, s23;
	[tilespmem:s18+$0x0] =	vst v39;
	v29 =	vld.idx.msk [tilespmem:v37+s11+$0x0], $0xffff  }
0x2fe: {  	v15 =	vadd.s32 $0xDF, v15;
	s0 =	sor.u32 s15, s23;
	s3 =	sor.u32 $0x16380, s25;
	v18 =	vld.idx.msk [tilespmem:v18+s11+$0x0], $0xffff;
	[tilespmem:s24+$0x0] =	vst v62  }
0x2ff: {  	v42 =	vor.u32 $0x6, v2;
	s22 =	sor.u32 s30, s3;
	v41 =	vld.idx.msk [tilespmem:v36+s11+$0x0], $0xffff;
	[tilespmem:s0+$0x0] =	vst v20  }
0x300: {  	v17 =	vadd.s32 $0xDF, v17;
	[tilespmem:s22+$0x0] =	vst v32;
	v20 =	vld.idx.msk [tilespmem:v38+s11+$0x0], $0xffff  }
0x301: {  	[tilespmem:s10+$0x0] =	vst v26;
	v16 =	vadd.s32 $0xDF, v16;
	s1 =	sor.u32 s7, s16;
	s16 =	sadd.s32 $0x15700, s28;
	v21 =	vld.idx.msk [tilespmem:v61+s11+$0x0], $0xffff  }
0x302: {  	v13 =	vld.idx.msk [tilespmem:v13+s6+$0x0], $0xffff;
	v40 =	vadd.s32 $0x10A, v27;
	s23 =	sadd.s32 $0x15680, s8;
	s18 =	sor.u32 s31, s16;
	[tilespmem:s1+$0x0] =	vst v29  }
0x303: {  	s24 =	sor.u32 s5, s23;
	[tilespmem:s18+$0x0] =	vst v18;
	v15 =	vld.idx.msk [tilespmem:v15+s11+$0x0], $0xffff  }
0x304: {  	s4 =	sadd.s32 $0x16400, s25;
	s0 =	sor.u32 s15, s23;
	v18 =	vld.idx.msk [tilespmem:v42+s6+$0x0], $0xffff;
	[tilespmem:s24+$0x0] =	vst v41  }
0x305: {  	s22 =	sor.u32 s30, s4;
	v17 =	vld.idx.msk [tilespmem:v17+s11+$0x0], $0xffff;
	[tilespmem:s0+$0x0] =	vst v20  }
0x306: {  	v44 =	vor.u32 $0x6, v3;
	[tilespmem:s22+$0x0] =	vst v21;
	v16 =	vld.idx.msk [tilespmem:v16+s11+$0x0], $0xffff  }
0x307: {  	v21 =	vld.idx.msk [tilespmem:v40+s11+$0x0], $0xffff  }
0x308: {  	s10 =	smov.u32 s5;
	v13 =	vshll.u32 v13, $0x2;
	v43 =	vadd.s32 $0x10B, v27;
	s23 =	sadd.s32 $0x15700, s8;
	s1 =	sor.u32 s7, s16  }
0x309: {  	v28 =	vld.idx.msk [tilespmem:v28+s11+$0x0], $0xffff;
	v49 =	vadd.s32 $0x108, v13;
	s24 =	sor.u32 s10, s23;
	[tilespmem:s1+$0x0] =	vst v15  }
0x30a: {  	s2 =	sadd.s32 $0x16480, s25;
	s0 =	sor.u32 s15, s23;
	v12 =	vld.idx.msk [tilespmem:v12+s6+$0x0], $0xffff;
	[tilespmem:s24+$0x0] =	vst v17  }
0x30b: {  	s22 =	sor.u32 s30, s2;
	v46 =	vld.idx.msk [tilespmem:v44+s6+$0x0], $0xffff;
	[tilespmem:s0+$0x0] =	vst v16  }
0x30c: {  	v18 =	vshll.u32 v18, $0x2;
	[tilespmem:s22+$0x0] =	vst v21;
	v14 =	vld.idx.msk [tilespmem:v14+s6+$0x0], $0xffff  }
0x30d: {  	v48 =	vadd.s32 $0x108, v18;
	v45 =	vld.idx.msk [tilespmem:v43+s11+$0x0], $0xffff  }
0x30e: {  	v47 =	vor.u32 $0x7, v1;
	v21 =	vld.idx.msk [tilespmem:v49+s11+$0x0], $0xffff  }
0x30f: {  	v54 =	vadd.s32 $0x109, v13;
	v12 =	vshll.u32 v12, $0x2  }
0x310: {  	[tilespmem:s13+$0x0] =	vst v28;
	s0 =	sadd.s32 $0x16500, s25;
	v51 =	vadd.s32 $0x108, v12;
	v15 =	vshll.u32 v46, $0x2  }
0x311: {  	v25 =	vld.idx.msk [tilespmem:v25+s11+$0x0], $0xffff;
	s16 =	sor.u32 s30, s0;
	v50 =	vadd.s32 $0x108, v15;
	v14 =	vshll.u32 v14, $0x2  }
0x312: {  	s3 =	sor.u32 s20, s3;
	v20 =	vld.idx.msk [tilespmem:v48+s11+$0x0], $0xffff;
	[tilespmem:s16+$0x0] =	vst v45;
	v52 =	vadd.s32 $0x108, v14  }
0x313: {  	v53 =	vadd.s32 $0x109, v18;
	v16 =	vld.idx.msk [tilespmem:v47+s6+$0x0], $0xffff;
	s5 =	rddreg [dreg:$0x8];
	[tilespmem:s3+$0x0] =	vst v21  }
0x314: {  	v60 =	vld.idx.msk [tilespmem:v54+s11+$0x0], $0xffff  }
0x315: {  	v62 =	vadd.s32 $0x10A, v13;
	s18 =	sor.u32 $0x16380, s28;
	v17 =	vld.idx.msk [tilespmem:v51+s11+$0x0], $0xffff  }
0x316: {  	s22 =	sor.u32 s31, s18;
	v56 =	vadd.s32 $0x109, v12;
	v24 =	vld.idx.msk [tilespmem:v50+s11+$0x0], $0xffff  }
0x317: {  	v55 =	vadd.s32 $0x109, v15;
	[tilespmem:s22+$0x0] =	vst v20;
	v26 =	vld.idx.msk [tilespmem:v52+s11+$0x0], $0xffff  }
0x318: {  	s4 =	sor.u32 s20, s4;
	[tilespmem:s5+$0x0] =	vst v25;
	v57 =	vadd.s32 $0x109, v14;
	v59 =	vld.idx.msk [tilespmem:v53+s11+$0x0], $0xffff  }
0x319: {  	s23 =	sor.u32 $0x16380, s8;
	s1 =	sor.u32 s7, s18;
	v61 =	vadd.s32 $0x10A, v18;
	v16 =	vshll.u32 v16, $0x2;
	[tilespmem:s4+$0x0] =	vst v60  }
0x31a: {  	s24 =	sor.u32 s10, s23;
	v58 =	vadd.s32 $0x134, v16;
	v38 =	vld.idx.msk [tilespmem:v62+s11+$0x0], $0xffff;
	[tilespmem:s1+$0x0] =	vst v17  }
0x31b: {  	s13 =	sadd.s32 $0x16400, s28;
	v13 =	vadd.s32 $0x10B, v13;
	s5 =	sor.u32 s15, s23;
	v25 =	vld.idx.msk [tilespmem:v56+s11+$0x0], $0xffff;
	[tilespmem:s24+$0x0] =	vst v24  }
0x31c: {  	s16 =	sor.u32 s31, s13;
	v34 =	vadd.s32 $0x10A, v12;
	v63 =	vld.idx.msk [tilespmem:v55+s11+$0x0], $0xffff;
	[tilespmem:s5+$0x0] =	vst v26  }
0x31d: {  	v33 =	vadd.s32 $0x10A, v15;
	[tilespmem:s16+$0x0] =	vst v59;
	v20 =	vld.idx.msk [tilespmem:v57+s11+$0x0], $0xffff  }
0x31e: {  	s2 =	sor.u32 s20, s2;
	v35 =	vadd.s32 $0x10A, v14;
	v37 =	vld.idx.msk [tilespmem:v61+s11+$0x0], $0xffff  }
0x31f: {  	s18 =	sadd.s32 $0x16400, s8;
	v18 =	vadd.s32 $0x10B, v18;
	s23 =	sor.u32 s7, s13;
	v30 =	vld.idx.msk [tilespmem:v58+s11+$0x0], $0xffff;
	[tilespmem:s2+$0x0] =	vst v38  }
0x320: {  	s22 =	sor.u32 s10, s18;
	v36 =	vadd.s32 $0x135, v16;
	v13 =	vld.idx.msk [tilespmem:v13+s11+$0x0], $0xffff;
	[tilespmem:s23+$0x0] =	vst v25  }
0x321: {  	s1 =	sor.u32 s15, s18;
	s5 =	sadd.s32 $0x16480, s28;
	v39 =	vld.idx.msk [tilespmem:v34+s11+$0x0], $0xffff;
	[tilespmem:s22+$0x0] =	vst v63  }
0x322: {  	v12 =	vadd.s32 $0x10B, v12;
	s3 =	sadd.s32 $0x16580, s25;
	s13 =	sor.u32 s31, s5;
	v17 =	vld.idx.msk [tilespmem:v33+s11+$0x0], $0xffff;
	[tilespmem:s1+$0x0] =	vst v20  }
0x323: {  	v15 =	vadd.s32 $0x10B, v15;
	s24 =	sor.u32 s30, s3;
	[tilespmem:s13+$0x0] =	vst v37;
	v21 =	vld.idx.msk [tilespmem:v35+s11+$0x0], $0xffff  }
0x324: {  	s0 =	sor.u32 s20, s0;
	v14 =	vadd.s32 $0x10B, v14;
	[tilespmem:s24+$0x0] =	vst v30;
	v18 =	vld.idx.msk [tilespmem:v18+s11+$0x0], $0xffff  }
0x325: {  	v42 =	vor.u32 $0x7, v2;
	s16 =	sadd.s32 $0x16480, s8;
	v40 =	vld.idx.msk [tilespmem:v36+s11+$0x0], $0xffff;
	[tilespmem:s0+$0x0] =	vst v13;
	s1 =	sor.u32 s7, s5  }
0x326: {  	s18 =	sor.u32 s10, s16;
	v9 =	vld.idx.msk [tilespmem:v9+s6+$0x0], $0xffff;
	[tilespmem:s1+$0x0] =	vst v39  }
0x327: {  	s24 =	sadd.s32 $0x16500, s28;
	s22 =	sor.u32 s15, s16;
	v12 =	vld.idx.msk [tilespmem:v12+s11+$0x0], $0xffff;
	[tilespmem:s18+$0x0] =	vst v17  }
0x328: {  	s5 =	sor.u32 s31, s24;
	v15 =	vld.idx.msk [tilespmem:v15+s11+$0x0], $0xffff;
	[tilespmem:s22+$0x0] =	vst v21  }
0x329: {  	v43 =	vor.u32 $0x7, v3;
	[tilespmem:s5+$0x0] =	vst v18;
	v14 =	vld.idx.msk [tilespmem:v14+s11+$0x0], $0xffff  }
0x32a: {  	v45 =	vld.idx.msk [tilespmem:v42+s6+$0x0], $0xffff  }
0x32b: {  	v41 =	vadd.s32 $0x136, v16;
	s13 =	sadd.s32 $0x16500, s8;
	s1 =	sor.u32 s7, s24;
	v9 =	vshll.u32 v9, $0x2  }
0x32c: {  	s16 =	sor.u32 s10, s13;
	v49 =	vadd.s32 $0x134, v9;
	[tilespmem:s1+$0x0] =	vst v12  }
0x32d: {  	s2 =	sadd.s32 $0x16600, s25;
	s18 =	sor.u32 s15, s13;
	v10 =	vld.idx.msk [tilespmem:v10+s6+$0x0], $0xffff;
	[tilespmem:s16+$0x0] =	vst v15  }
0x32e: {  	s23 =	sor.u32 s30, s2;
	v46 =	vld.idx.msk [tilespmem:v43+s6+$0x0], $0xffff;
	[tilespmem:s18+$0x0] =	vst v14  }
0x32f: {  	[tilespmem:s23+$0x0] =	vst v40;
	v13 =	vshll.u32 v45, $0x2;
	v11 =	vld.idx.msk [tilespmem:v11+s6+$0x0], $0xffff  }
0x330: {  	v44 =	vld.idx.msk [tilespmem:v41+s11+$0x0], $0xffff;
	v48 =	vadd.s32 $0x134, v13  }
0x331: {  	v47 =	vadd.s32 $0x137, v16;
	v16 =	vld.idx.msk [tilespmem:v49+s11+$0x0], $0xffff  }
0x332: {  	v56 =	vadd.s32 $0x135, v9;
	v10 =	vshll.u32 v10, $0x2  }
0x333: {  	v23 =	vld.idx.msk [tilespmem:v23+s11+$0x0], $0xffff;
	s4 =	sadd.s32 $0x16680, s25;
	v52 =	vadd.s32 $0x134, v10;
	v12 =	vshll.u32 v46, $0x2  }
0x334: {  	v50 =	vld.idx.msk [tilespmem:v19+s11+$0x0], $0xffff;
	s22 =	sor.u32 s30, s4;
	v51 =	vadd.s32 $0x134, v12;
	v11 =	vshll.u32 v11, $0x2  }
0x335: {  	s3 =	sor.u32 s20, s3;
	s0 =	rddreg [dreg:$0x6];
	[tilespmem:s22+$0x0] =	vst v44;
	v15 =	vld.idx.msk [tilespmem:v48+s11+$0x0], $0xffff;
	v53 =	vadd.s32 $0x134, v11  }
0x336: {  	v55 =	vadd.s32 $0x135, v13;
	v14 =	vld.idx.msk [tilespmem:v47+s11+$0x0], $0xffff;
	[tilespmem:s3+$0x0] =	vst v16  }
0x337: {  	v63 =	vld.idx.msk [tilespmem:v56+s11+$0x0], $0xffff  }
0x338: {  	s24 =	sadd.s32 $0x16580, s28;
	v29 =	vadd.s32 $0x136, v9;
	v19 =	vld.idx.msk [tilespmem:v52+s11+$0x0], $0xffff  }
0x339: {  	s13 =	sor.u32 s31, s24;
	[tilespmem:s0+$0x0] =	vst v23;
	s0 =	sadd.s32 $0x16700, s25;
	v58 =	vadd.s32 $0x135, v10;
	v18 =	vld.idx.msk [tilespmem:v51+s11+$0x0], $0xffff  }
0x33a: {  	s23 =	sor.u32 s30, s0;
	v57 =	vadd.s32 $0x135, v12;
	[tilespmem:s13+$0x0] =	vst v15;
	v20 =	vld.idx.msk [tilespmem:v53+s11+$0x0], $0xffff  }
0x33b: {  	s2 =	sor.u32 s20, s2;
	[tilespmem:s23+$0x0] =	vst v14;
	v60 =	vadd.s32 $0x135, v11;
	v62 =	vld.idx.msk [tilespmem:v55+s11+$0x0], $0xffff  }
0x33c: {  	v28 =	vadd.s32 $0x136, v13;
	s16 =	sadd.s32 $0x16580, s8;
	s22 =	sor.u32 s7, s24;
	v8 =	vld.idx.msk [tilespmem:v8+s6+$0x0], $0xffff;
	[tilespmem:s2+$0x0] =	vst v63  }
0x33d: {  	v54 =	vor.u32 $0x8, v1;
	s18 =	sor.u32 s10, s16;
	v36 =	vld.idx.msk [tilespmem:v29+s11+$0x0], $0xffff;
	[tilespmem:s22+$0x0] =	vst v19  }
0x33e: {  	v9 =	vadd.s32 $0x137, v9;
	s1 =	sor.u32 s15, s16;
	s23 =	sadd.s32 $0x16600, s28;
	v14 =	vld.idx.msk [tilespmem:v58+s11+$0x0], $0xffff;
	[tilespmem:s18+$0x0] =	vst v18  }
0x33f: {  	v32 =	vadd.s32 $0x136, v10;
	s24 =	sor.u32 s31, s23;
	v30 =	vld.idx.msk [tilespmem:v57+s11+$0x0], $0xffff;
	[tilespmem:s1+$0x0] =	vst v20  }
0x340: {  	v31 =	vadd.s32 $0x136, v12;
	[tilespmem:s24+$0x0] =	vst v62;
	v15 =	vld.idx.msk [tilespmem:v60+s11+$0x0], $0xffff  }
0x341: {  	v33 =	vadd.s32 $0x136, v11;
	s16 =	sor.u32 s7, s23;
	s23 =	sor.u32 s20, s4;
	v35 =	vld.idx.msk [tilespmem:v28+s11+$0x0], $0xffff  }
0x342: {  	s5 =	sadd.s32 $0x16600, s8;
	v13 =	vadd.s32 $0x137, v13;
	v59 =	vld.idx.msk [tilespmem:v54+s6+$0x0], $0xffff;
	[tilespmem:s23+$0x0] =	vst v36  }
0x343: {  	s13 =	sor.u32 s10, s5;
	v9 =	vld.idx.msk [tilespmem:v9+s11+$0x0], $0xffff;
	[tilespmem:s16+$0x0] =	vst v14  }
0x344: {  	s18 =	sadd.s32 $0x16680, s28;
	s1 =	sor.u32 s15, s5;
	v20 =	vld.idx.msk [tilespmem:v32+s11+$0x0], $0xffff;
	[tilespmem:s13+$0x0] =	vst v30  }
0x345: {  	v10 =	vadd.s32 $0x137, v10;
	s22 =	sor.u32 s31, s18;
	v37 =	vld.idx.msk [tilespmem:v31+s11+$0x0], $0xffff;
	[tilespmem:s1+$0x0] =	vst v15  }
0x346: {  	v12 =	vadd.s32 $0x137, v12;
	[tilespmem:s22+$0x0] =	vst v35;
	v15 =	vld.idx.msk [tilespmem:v33+s11+$0x0], $0xffff  }
0x347: {  	s0 =	sor.u32 s20, s0;
	v11 =	vadd.s32 $0x137, v11;
	v13 =	vld.idx.msk [tilespmem:v13+s11+$0x0], $0xffff  }
0x348: {  	v2 =	vor.u32 $0x8, v2;
	v1 =	vshll.u32 v8, $0x2;
	v8 =	vshll.u32 v59, $0x2;
	s24 =	sadd.s32 $0x16680, s8;
	[tilespmem:s0+$0x0] =	vst v9;
	s13 =	sor.u32 s7, s18  }
0x349: {  	v34 =	vadd.s32 $0x160, v8;
	s5 =	sor.u32 s10, s24;
	v4 =	vld.idx.msk [tilespmem:v4+s6+$0x0], $0xffff;
	[tilespmem:s13+$0x0] =	vst v20  }
0x34a: {  	v61 =	vadd.s32 $0x160, v1;
	s18 =	sadd.s32 $0x16700, s28;
	s1 =	sor.u32 s15, s24;
	v10 =	vld.idx.msk [tilespmem:v10+s11+$0x0], $0xffff;
	[tilespmem:s5+$0x0] =	vst v37  }
0x34b: {  	s22 =	sor.u32 s31, s18;
	v12 =	vld.idx.msk [tilespmem:v12+s11+$0x0], $0xffff;
	[tilespmem:s1+$0x0] =	vst v15  }
0x34c: {  	v3 =	vor.u32 $0x8, v3;
	[tilespmem:s22+$0x0] =	vst v13;
	v11 =	vld.idx.msk [tilespmem:v11+s11+$0x0], $0xffff  }
0x34d: {  	v2 =	vld.idx.msk [tilespmem:v2+s6+$0x0], $0xffff  }
0x34e: {  	s23 =	sadd.s32 $0x16700, s8;
	v38 =	vld.idx.msk [tilespmem:v34+s11+$0x0], $0xffff;
	s1 =	sor.u32 s7, s18  }
0x34f: {  	v21 =	vld.idx.msk [tilespmem:v61+s11+$0x0], $0xffff;
	v39 =	vadd.s32 $0x161, v8;
	s24 =	sor.u32 s10, s23;
	[tilespmem:s1+$0x0] =	vst v10  }
0x350: {  	s4 =	sor.u32 s15, s23;
	v4 =	vshll.u32 v4, $0x2;
	v5 =	vld.idx.msk [tilespmem:v5+s6+$0x0], $0xffff;
	[tilespmem:s24+$0x0] =	vst v12  }
0x351: {  	s2 =	sor.u32 $0x17380, s25;
	v44 =	vadd.s32 $0x160, v4;
	v3 =	vld.idx.msk [tilespmem:v3+s6+$0x0], $0xffff;
	[tilespmem:s4+$0x0] =	vst v11  }
0x352: {  	v42 =	vadd.s32 $0x161, v1;
	s16 =	sor.u32 s30, s2;
	v2 =	vshll.u32 v2, $0x2;
	v7 =	vld.idx.msk [tilespmem:v7+s6+$0x0], $0xffff  }
0x353: {  	[tilespmem:s16+$0x0] =	vst v38;
	v43 =	vadd.s32 $0x160, v2  }
0x354: {  	v40 =	vld.idx.msk [tilespmem:v39+s11+$0x0], $0xffff  }
0x355: {  	v41 =	vadd.s32 $0x162, v8;
	v5 =	vshll.u32 v5, $0x2  }
0x356: {  	v12 =	vld.idx.msk [tilespmem:v44+s11+$0x0], $0xffff;
	s0 =	rddreg [dreg:$0x4];
	[tilespmem:s29+$0x0] =	vst v21;
	v46 =	vadd.s32 $0x160, v5;
	v3 =	vshll.u32 v3, $0x2  }
0x357: {  	s3 =	sadd.s32 $0x17400, s25;
	v10 =	vld.idx.msk [tilespmem:v42+s11+$0x0], $0xffff;
	v45 =	vadd.s32 $0x160, v3;
	v7 =	vshll.u32 v7, $0x2  }
0x358: {  	s5 =	sor.u32 s30, s3;
	[tilespmem:s0+$0x0] =	vst v50;
	v11 =	vld.idx.msk [tilespmem:v43+s11+$0x0], $0xffff;
	v47 =	vadd.s32 $0x160, v7  }
0x359: {  	v48 =	vadd.s32 $0x161, v2;
	[tilespmem:s5+$0x0] =	vst v40;
	s6 =	sor.u32 s21, s17;
	v6 =	vld.idx.msk [tilespmem:v6+s11+$0x0], $0xffff  }
0x35a: {  	s2 =	sor.u32 s20, s2;
	v49 =	vadd.s32 $0x161, v4;
	v9 =	vld.idx.msk [tilespmem:v41+s11+$0x0], $0xffff;
	[tilespmem:s6+$0x0] =	vst v22  }
0x35b: {  	v8 =	vadd.s32 $0x163, v8;
	s13 =	sor.u32 $0x17380, s28;
	[tilespmem:s2+$0x0] =	vst v12;
	v50 =	vld.idx.msk [tilespmem:v46+s11+$0x0], $0xffff  }
0x35c: {  	s16 =	sor.u32 s31, s13;
	v52 =	vadd.s32 $0x161, v5;
	[tilespmem:s14+$0x0] =	vst v10;
	v13 =	vld.idx.msk [tilespmem:v45+s11+$0x0], $0xffff  }
0x35d: {  	s0 =	sadd.s32 $0x17480, s25;
	v51 =	vadd.s32 $0x161, v3;
	[tilespmem:s16+$0x0] =	vst v11;
	v15 =	vld.idx.msk [tilespmem:v47+s11+$0x0], $0xffff  }
0x35e: {  	v53 =	vadd.s32 $0x161, v7;
	[tilespmem:s12+$0x0] =	vst v6;
	s12 =	sor.u32 s30, s0;
	v55 =	vld.idx.msk [tilespmem:v48+s11+$0x0], $0xffff  }
0x35f: {  	v54 =	vadd.s32 $0x162, v1;
	s18 =	sor.u32 $0x17380, s8;
	s1 =	sor.u32 s7, s13;
	v6 =	vld.idx.msk [tilespmem:v49+s11+$0x0], $0xffff;
	[tilespmem:s12+$0x0] =	vst v9  }
0x360: {  	v57 =	vadd.s32 $0x162, v4;
	s21 =	sor.u32 s10, s18;
	v8 =	vld.idx.msk [tilespmem:v8+s11+$0x0], $0xffff;
	[tilespmem:s1+$0x0] =	vst v50  }
0x361: {  	s22 =	sor.u32 s15, s18;
	v56 =	vadd.s32 $0x162, v2;
	s24 =	sadd.s32 $0x17400, s28;
	v10 =	vld.idx.msk [tilespmem:v52+s11+$0x0], $0xffff;
	[tilespmem:s21+$0x0] =	vst v13  }
0x362: {  	v59 =	vadd.s32 $0x162, v5;
	s1 =	sadd.s32 $0x17500, s25;
	s25 =	sor.u32 s31, s24;
	v14 =	vld.idx.msk [tilespmem:v51+s11+$0x0], $0xffff;
	[tilespmem:s22+$0x0] =	vst v15  }
0x363: {  	s3 =	sor.u32 s20, s3;
	v58 =	vadd.s32 $0x162, v3;
	[tilespmem:s25+$0x0] =	vst v55;
	v11 =	vld.idx.msk [tilespmem:v53+s11+$0x0], $0xffff  }
0x364: {  	v61 =	vadd.s32 $0x162, v7;
	v60 =	vld.idx.msk [tilespmem:v54+s11+$0x0], $0xffff;
	s23 =	sor.u32 s30, s1;
	[tilespmem:s3+$0x0] =	vst v6  }
0x365: {  	v1 =	vadd.s32 $0x163, v1;
	s29 =	sadd.s32 $0x17400, s8;
	s2 =	sor.u32 s7, s24;
	v6 =	vld.idx.msk [tilespmem:v57+s11+$0x0], $0xffff;
	[tilespmem:s23+$0x0] =	vst v8  }
0x366: {  	v4 =	vadd.s32 $0x163, v4;
	s30 =	sor.u32 s10, s29;
	v13 =	vld.idx.msk [tilespmem:v56+s11+$0x0], $0xffff;
	[tilespmem:s2+$0x0] =	vst v10  }
0x367: {  	v2 =	vadd.s32 $0x163, v2;
	s4 =	sor.u32 s15, s29;
	v8 =	vld.idx.msk [tilespmem:v59+s11+$0x0], $0xffff;
	[tilespmem:s30+$0x0] =	vst v14  }
0x368: {  	v5 =	vadd.s32 $0x163, v5;
	v62 =	vld.idx.msk [tilespmem:v58+s11+$0x0], $0xffff;
	[tilespmem:s4+$0x0] =	vst v11  }
0x369: {  	s5 =	sadd.s32 $0x17480, s28;
	v3 =	vadd.s32 $0x163, v3;
	s0 =	sor.u32 s20, s0;
	[tilespmem:s19+$0x0] =	vst v60;
	v63 =	vld.idx.msk [tilespmem:v61+s11+$0x0], $0xffff  }
0x36a: {  	s6 =	sor.u32 s31, s5;
	v7 =	vadd.s32 $0x163, v7;
	v1 =	vld.idx.msk [tilespmem:v1+s11+$0x0], $0xffff;
	[tilespmem:s0+$0x0] =	vst v6  }
0x36b: {  	s14 =	sor.u32 s7, s5;
	s12 =	sadd.s32 $0x17480, s8;
	v4 =	vld.idx.msk [tilespmem:v4+s11+$0x0], $0xffff;
	[tilespmem:s6+$0x0] =	vst v13  }
0x36c: {  	s13 =	sor.u32 s10, s12;
	v2 =	vld.idx.msk [tilespmem:v2+s11+$0x0], $0xffff;
	[tilespmem:s14+$0x0] =	vst v8  }
0x36d: {  	s16 =	sor.u32 s15, s12;
	v5 =	vld.idx.msk [tilespmem:v5+s11+$0x0], $0xffff;
	[tilespmem:s13+$0x0] =	vst v62  }
0x36e: {  	s18 =	sor.u32 s26, s17;
	v3 =	vld.idx.msk [tilespmem:v3+s11+$0x0], $0xffff;
	[tilespmem:s16+$0x0] =	vst v63  }
0x36f: {  	s19 =	sadd.s32 $0x17500, s28;
	s1 =	sor.u32 s20, s1;
	[tilespmem:s18+$0x0] =	vst v1;
	v1 =	vld.idx.msk [tilespmem:v7+s11+$0x0], $0xffff  }
0x370: {  	s21 =	sor.u32 s31, s19;
	[tilespmem:s1+$0x0] =	vst v4  }
0x371: {  	s22 =	sadd.s32 $0x17500, s8;
	s0 =	sor.u32 s7, s19;
	[tilespmem:s21+$0x0] =	vst v2  }
0x372: {  	s23 =	sor.u32 s10, s22;
	[tilespmem:s0+$0x0] =	vst v5  }
0x373: {  	s24 =	sor.u32 s15, s22;
	[tilespmem:s23+$0x0] =	vst v3  }
0x374: {  	s26 =	simm.s32 $0x20000;
	s25 =	simm.s32 $0x1000;
	[tilespmem:s24+$0x0] =	vst v1  }
0x375: {  	s28 =	simm.s32 $0x12380;
	s29 =	simm.s32 $0x5;
	s0 =	rddreg [dreg:$0x14]  }
0x376: {  	[hbm4b:s0+s25] =	stream.strided.scatter [tilespmem:s28], [sflag:$0x5], $0x6000, s26, s25, $0x38;
	[tilespmem:$0x18380] =	vst v63  }
0x377: {  	_ =	swait.ge [sflag:s29], $0x6000  }
0x378: {  	s30 =	rddreg [dreg:$0x16]  }
0x379: {  	s31 =	rddreg [dreg:$0x15];
	s2 =	sadd.s32 $0x1, s30  }
0x37a: {  	p0 =	sne.s32 s2, s31  }
.Ltmp1:
0x37b: {  	_ = 	snop;
	(pc) =	sbr.rel @p0 .LBB2_1-.Ltmp1, $3  }
0x37c: {  	_ =	sdelay $0x1  }
0x37d: {  	[sflag:s29] =	ssyncset.done $0x0  }
0x37e: {  	[sflag:s29] =	ssyncadd.s32 $0xFFFFA000  }
0x37f: {  	_ =	sfence.sel $0x180000  }
0x380: {  	[bflag:$0x0] =	sbarrier.arrive $0xFFFF  }
0x381: {  	_ =	strace $0x90000047  }
0x382: {  	s0 =	stileid.u32;
	[bflag:$0x2] =	sbarrier.arrive $0xFFFF  }
0x383: {  	p0 =	sne.s32 s0, $0x0;
	s0 =	rddreg [dreg:$0x3]  }
0x384: {  	s0 =	sadd.s32 @!p0 $0x100000, s0  }
0x385: {  	[sflag:s0] =	ssyncadd.tile.s32 @!p0 $0x1;
	_ =	shalt  }
.Lfunc_end2:
_tile_overlayer_lowered:
.L_overlay_start_2:
0x386: {  	(tag) =	ssettag $0x2  }
0x387: {  	s0 =	rddreg [dreg:$0x0];
	s2 =	stileid.u32  }
0x388: {  	s1 =	rddreg [dreg:$0x1];
	p0 =	sne.s32 s2, $0x0  }
0x389: {  	s3 =	rddreg [dreg:$0x2];
	[bflag:$0x3] =	sbarrier.arrive $0xFFFF;
	s2 =	simm.s32 @!p0 $0x1C05  }
0x38a: {  	[timem:s3], [sflag:s2] =	dma.local @!p0 [hbm:s0], s1  }
0x38b: {  	s0 =	simm.s32 @!p0 $0x5  }
0x38c: {  	_ =	swait.ge @!p0 [sflag:s0], s1  }
0x38d: {  	s1 =	ssub.s32 @!p0 $0x0, s1;
	[sflag:s0] =	ssyncset.done @!p0 $0x0  }
0x38e: {  	[sflag:s0] =	ssyncadd.s32 @!p0 s1  }
0x38f: {  	[bflag:$0x3] =	sbarrier.arrive $0xFFFF  }
0x390: {  	_ =	shalt  }

</sc_bundles>
